<compile_context>
chip_gen: v7x
topology: tpu7x:2x2x1
jax: 0.10.2.dev20260603
libtpu: 0.0.44.dev20260713+nightly
codegen_flags: <defaults>
</compile_context>

<pallas_src>
import functools

import jax
import jax.numpy as jnp
import numpy as np
from jax import lax
from jax.experimental import pallas as pl
from jax.experimental.pallas import tpu as pltpu
from jax.experimental.pallas import tpu_sc as plsc

N = 85
NP = 96
RPT = 6
NE = 1360
E_PAD = 1536
EPT = 96
IN_F = 128
OC = 20
OCP = 32
FR = 112
FRPT = 7
FK = 17
FO = 7
TS = 1536



def _body(xh, eih, wh, bh, fcwh, fcbh, tblh, addrh, yh,
          xv, wv, hrowv, hv, srcv, dstv, degv, degsv, dinvv, tblv,
          outpv, combv, orowv, bv, finalv, fcwsrc, fcwv, fcbv, addrv,
          ybv, sem, sem2, sh_h, sh_deg, sh_out, sh_final):
    t = lax.axis_index("s")
    z16f = jnp.zeros((16,), jnp.float32)
    z16i = jnp.zeros((16,), jnp.int32)
    ones_i = jnp.ones((16,), jnp.int32)
    lanes = lax.iota(jnp.int32, 16)

    row0 = jnp.minimum(t * RPT, N - RPT)
    xoff = row0 * IN_F
    eoff = jnp.minimum(t * EPT, NE - EPT)
    early = [
        pltpu.make_async_copy(xh.at[pl.ds(xoff, RPT * IN_F)], xv, sem),
        pltpu.make_async_copy(wh, wv.at[pl.ds(0, IN_F * OC)], sem),
        pltpu.make_async_copy(eih.at[pl.ds(eoff, EPT)], srcv, sem),
        pltpu.make_async_copy(eih.at[pl.ds(NE + eoff, EPT)], dstv, sem),
    ]
    late = [
        pltpu.make_async_copy(tblh, tblv, sem2),
        pltpu.make_async_copy(bh, bv.at[pl.ds(0, OC)], sem2),
        pltpu.make_async_copy(fcwh, fcwsrc.at[pl.ds(0, FO * FK)], sem2),
        pltpu.make_async_copy(fcbh, fcbv.at[pl.ds(0, FO)], sem2),
        pltpu.make_async_copy(addrh.at[pl.ds(t * FRPT * OCP, FRPT * OCP)],
                              addrv, sem2),
    ]
    for de in early + late:
        de.start()
    def zstep(i, c):
        for u in range(4):
            outpv[pl.ds(i * 64 + u * 16, 16)] = z16f
        return c
    lax.fori_loop(0, NP * OCP // 64, zstep, 0)
    for j in range(NP // 16):
        degv[pl.ds(16 * j, 16)] = z16i
    for de in early:
        de.wait()

    @pl.when(t == 14)
    def _t14():
        for c in range(5):
            srcv[pl.ds(16 * c, 16)] = lanes + 16 * c
            dstv[pl.ds(16 * c, 16)] = lanes + 16 * c

    @pl.when(t == 15)
    def _t15():
        for c in range(6):
            v = jnp.minimum(lanes + 80 + 16 * c, N)
            srcv[pl.ds(16 * c, 16)] = v
            dstv[pl.ds(16 * c, 16)] = v

    def kblock(kb, accs):
        xvec = [xv[pl.ds(i * IN_F + kb * 16, 16)] for i in range(RPT)]
        def jstep(j, accs):
            accs = list(accs)
            k = kb * 16 + j
            w0 = wv[pl.ds(k * OC, 16)]
            w1 = wv[pl.ds(k * OC + 16, 16)]
            ji = jnp.full((16,), 0, jnp.int32) + j
            for i in range(RPT):
                xb = xvec[i].at[ji].get(mode="promise_in_bounds")
                accs[2 * i] = accs[2 * i] + xb * w0
                accs[2 * i + 1] = accs[2 * i + 1] + xb * w1
            return tuple(accs)
        return lax.fori_loop(0, 16, jstep, accs)
    accs = lax.fori_loop(0, IN_F // 16, kblock, (z16f,) * (2 * RPT))
    for i in range(RPT):
        hrowv[pl.ds(i * OCP, 16)] = accs[2 * i]
        hrowv[pl.ds(i * OCP + 16, 16)] = accs[2 * i + 1]

    def dstep(j, c):
        dvj = dstv[pl.ds(16 * j, 16)]
        for l in range(16):
            plsc.addupdate_scatter(degv, [dvj], ones_i,
                                   mask=lanes == l)
        return c
    lax.fori_loop(0, EPT // 16, dstep, 0)

    descs = [
        pltpu.make_async_copy(
            hrowv, sh_h.at[pl.ds(row0 * OCP, RPT * OCP)], sem),
        pltpu.make_async_copy(degv, sh_deg.at[pl.ds(t * NP, NP)], sem),
    ]
    for de in descs:
        de.start()
    for de in descs:
        de.wait()
    plsc.subcore_barrier()

    descs = [
        pltpu.make_async_copy(sh_h, hv, sem),
        pltpu.make_async_copy(sh_deg, degsv, sem),
    ]
    for de in descs:
        de.start()
    for de in descs:
        de.wait()
    for de in late:
        de.wait()
    lanes17 = lanes * FK
    def wstep(k, c):
        fcwv[pl.ds(16 * k, 16)] = plsc.load_gather(fcwsrc, [lanes17 + k])
        return c
    lax.fori_loop(0, FK, wstep, 0)
    def gstep(j, c):
        acc = degsv[pl.ds(16 * j, 16)]
        for r in range(1, 16):
            acc = acc + degsv[pl.ds(r * NP + 16 * j, 16)]
        idx = jnp.maximum(acc - 1, 0)
        dinvv[pl.ds(16 * j, 16)] = plsc.load_gather(tblv, [idx])
        return c
    lax.fori_loop(0, NP // 16, gstep, 0)

    def estep(j, c):
        sv = srcv[pl.ds(16 * j, 16)]
        dv = dstv[pl.ds(16 * j, 16)]
        nm = plsc.load_gather(dinvv, [sv]) * plsc.load_gather(dinvv, [dv])
        for l in range(16):
            s = sv[l]
            d = dv[l]
            nr = nm[l]
            m0 = nr * hv[pl.ds(s * OCP, 16)]
            m1 = nr * hv[pl.ds(s * OCP + 16, 16)]
            outpv[pl.ds(d * OCP, 16)] = outpv[pl.ds(d * OCP, 16)] + m0
            outpv[pl.ds(d * OCP + 16, 16)] = outpv[pl.ds(d * OCP + 16, 16)] + m1
        return c
    lax.fori_loop(0, EPT // 16, estep, 0)

    pltpu.sync_copy(outpv, sh_out.at[pl.ds(t * NP * OCP, NP * OCP)])
    plsc.subcore_barrier()

    def cfire(r, c):
        pltpu.make_async_copy(
            sh_out.at[pl.ds(r * NP * OCP + t * RPT * OCP, RPT * OCP)],
            combv.at[pl.ds(r * RPT * OCP, RPT * OCP)], sem).start()
        return c
    lax.fori_loop(0, 16, cfire, 0)
    def cdrain(r, c):
        pltpu.make_async_copy(
            sh_out.at[pl.ds(r * NP * OCP + t * RPT * OCP, RPT * OCP)],
            combv.at[pl.ds(r * RPT * OCP, RPT * OCP)], sem).wait()
        return c
    lax.fori_loop(0, 16, cdrain, 0)
    def cstep(i, c):
        acc0 = bv[pl.ds(0, 16)]
        acc1 = bv[pl.ds(16, 16)]
        for r in range(16):
            acc0 = acc0 + combv[pl.ds(r * RPT * OCP + i * OCP, 16)]
            acc1 = acc1 + combv[pl.ds(r * RPT * OCP + i * OCP + 16, 16)]
        orowv[pl.ds(i * OCP, 16)] = acc0
        orowv[pl.ds(i * OCP + 16, 16)] = acc1
        return c
    lax.fori_loop(0, RPT, cstep, 0)
    pltpu.sync_copy(orowv, sh_final.at[pl.ds(t * RPT * OCP, RPT * OCP)])
    plsc.subcore_barrier()

    pltpu.sync_copy(sh_final, finalv)
    def fstep(j, c):
        a0 = addrv[pl.ds(j * OCP, 16)]
        a1 = addrv[pl.ds(j * OCP + 16, 16)]
        v0 = jnp.maximum(plsc.load_gather(finalv, [a0]), 0.0)
        v1 = jnp.maximum(plsc.load_gather(finalv, [a1]), 0.0)
        acc = fcbv[...]
        for k in range(16):
            acc = acc + v0[k] * fcwv[pl.ds(k * 16, 16)]
        acc = acc + v1[0] * fcwv[pl.ds(16 * 16, 16)]
        ybv[pl.ds(j * 16, 16)] = acc
        return c
    lax.fori_loop(0, FRPT, fstep, 0)
    pltpu.sync_copy(ybv, yh.at[pl.ds(t * FRPT * 16, FRPT * 16)])


@functools.cache
def _build_sc_kernel():
    return pl.kernel(
        _body,
        out_type=jax.ShapeDtypeStruct((FR * 16,), jnp.float32),
        mesh=plsc.VectorSubcoreMesh(
            core_axis_name="c", subcore_axis_name="s", num_cores=1,
            num_subcores=16),
        compiler_params=pltpu.CompilerParams(needs_layout_passes=False),
        scratch_types=[
            pltpu.VMEM((RPT * IN_F,), jnp.float32),
            pltpu.VMEM((IN_F * OC + 16,), jnp.float32),
            pltpu.VMEM((RPT * OCP,), jnp.float32),
            pltpu.VMEM((NP * OCP,), jnp.float32),
            pltpu.VMEM((EPT,), jnp.int32),
            pltpu.VMEM((EPT,), jnp.int32),
            pltpu.VMEM((NP,), jnp.int32),
            pltpu.VMEM((16 * NP,), jnp.int32),
            pltpu.VMEM((NP,), jnp.float32),
            pltpu.VMEM((TS,), jnp.float32),
            pltpu.VMEM((NP * OCP,), jnp.float32),
            pltpu.VMEM((16 * RPT * OCP,), jnp.float32),
            pltpu.VMEM((RPT * OCP,), jnp.float32),
            pltpu.VMEM((OCP,), jnp.float32),
            pltpu.VMEM((NP * OCP,), jnp.float32),
            pltpu.VMEM((16 * FK,), jnp.float32),
            pltpu.VMEM((FK * 16,), jnp.float32),
            pltpu.VMEM((16,), jnp.float32),
            pltpu.VMEM((FRPT * OCP,), jnp.int32),
            pltpu.VMEM((FRPT * 16,), jnp.float32),
            pltpu.SemaphoreType.DMA,
            pltpu.SemaphoreType.DMA,
            pltpu.VMEM_SHARED((NP * OCP,), jnp.float32),
            pltpu.VMEM_SHARED((16 * NP,), jnp.int32),
            pltpu.VMEM_SHARED((16 * NP * OCP,), jnp.float32),
            pltpu.VMEM_SHARED((NP * OCP,), jnp.float32),
        ],
    )


_TBL = (1.0 / np.sqrt(np.arange(1, TS + 1, dtype=np.float64))).astype(np.float32)
_flat = (np.arange(FR)[:, None] * FK + np.arange(FK)[None, :])
_ADDR = ((_flat // OC) * OCP + (_flat % OC)).astype(np.int32)
_ADDR = np.pad(_ADDR, ((0, 0), (0, OCP - FK)))


def kernel(x, edge_index, W, b, fc_W, fc_b):
    ei = edge_index.astype(jnp.int32).reshape(-1)
    yp = _build_sc_kernel()(
        x.reshape(-1), ei, W.reshape(-1), b, fc_W.reshape(-1), fc_b,
        jnp.asarray(_TBL), jnp.asarray(_ADDR).reshape(-1))
    return yp.reshape(FR, 16)[:100, :FO]

# --- scband reference (transcript-rebuilt; emitter-appended) ---
"""Pipeline reference for scband-spatial-net1-52991306498325 (READ-ONLY COPY).

The authoritative reference and input builder live on the scoring server;
editing this copy changes nothing except your own understanding.
"""

import jax, jax.numpy as jnp
import numpy as np

N_NODES = 85
N_EDGES = 1360
IN_FEAT = 128
OUT_CH = 20


def setup_inputs(seed: int = 0) -> dict:
    key = jax.random.key(seed)
    k1, k2, k3, k4, k5, k6 = jax.random.split(key, 6)
    x = jax.random.normal(k1, (N_NODES, IN_FEAT), dtype=jnp.float32)
    edge_index = jax.random.randint(k2, (2, N_EDGES), 0, N_NODES, dtype=jnp.int64)
    # GCNConv params (glorot-ish init)
    W = jax.random.normal(k3, (IN_FEAT, OUT_CH), dtype=jnp.float32) * (1.0 / np.sqrt(IN_FEAT))
    b = jnp.zeros((OUT_CH,), dtype=jnp.float32)
    # Linear(17, 7)
    fc_W = jax.random.normal(k4, (7, 17), dtype=jnp.float32) * (1.0 / np.sqrt(17))
    fc_b = jax.random.normal(k5, (7,), dtype=jnp.float32) * 0.01
    return {"x": x, "edge_index": edge_index, "W": W, "b": b, "fc_W": fc_W, "fc_b": fc_b}


def reference(x, edge_index, W, b, fc_W, fc_b):
    N = x.shape[0]
    src = edge_index[0]
    dst = edge_index[1]
    # add self loops (PyG GCNConv default)
    loop = jnp.arange(N, dtype=edge_index.dtype)
    src = jnp.concatenate([src, loop])
    dst = jnp.concatenate([dst, loop])
    ew = jnp.ones(src.shape[0], dtype=x.dtype)
    # symmetric normalization: deg computed at target
    deg = jnp.zeros((N,), dtype=x.dtype).at[dst].add(ew)
    dinv = jnp.where(deg > 0, deg ** -0.5, 0.0)
    norm = dinv[src] * ew * dinv[dst]
    # linear transform then message passing (scatter-add at dst)
    h = x @ W
    msg = h[src] * norm[:, None]
    out = jnp.zeros((N, h.shape[1]), dtype=x.dtype).at[dst].add(msg)
    out = out + b
    # reshape (100, 17) -> ReLU -> Linear(17, 7)
    x1 = jnp.reshape(out, (100, 17))
    x2 = jax.nn.relu(x1)
    y = x2 @ fc_W.T + fc_b
    return y

if __name__ == "__main__":
    import jax
    _d = setup_inputs()
    print(jax.jit(kernel)(*tuple(_d.values())))

</pallas_src>

<mosaic_0001>
#map = affine_map<(d0, d1) -> (0)>
module attributes {stable_mosaic.version = 14 : i64} {
  func.func @_body(%arg0: i32, %arg1: i32, %arg2: memref<10880xf32, #tpu.memory_space<hbm>>, %arg3: memref<2720xi32, #tpu.memory_space<hbm>>, %arg4: memref<2560xf32, #tpu.memory_space<hbm>>, %arg5: memref<20xf32, #tpu.memory_space<hbm>>, %arg6: memref<119xf32, #tpu.memory_space<hbm>>, %arg7: memref<7xf32, #tpu.memory_space<hbm>>, %arg8: memref<1536xf32, #tpu.memory_space<hbm>>, %arg9: memref<3584xi32, #tpu.memory_space<hbm>>, %arg10: memref<1792xf32, #tpu.memory_space<hbm>>, %arg11: memref<768xf32, #tpu.memory_space<vmem>>, %arg12: memref<2576xf32, #tpu.memory_space<vmem>>, %arg13: memref<192xf32, #tpu.memory_space<vmem>>, %arg14: memref<3072xf32, #tpu.memory_space<vmem>>, %arg15: memref<96xi32, #tpu.memory_space<vmem>>, %arg16: memref<96xi32, #tpu.memory_space<vmem>>, %arg17: memref<96xi32, #tpu.memory_space<vmem>>, %arg18: memref<1536xi32, #tpu.memory_space<vmem>>, %arg19: memref<96xf32, #tpu.memory_space<vmem>>, %arg20: memref<1536xf32, #tpu.memory_space<vmem>>, %arg21: memref<3072xf32, #tpu.memory_space<vmem>>, %arg22: memref<3072xf32, #tpu.memory_space<vmem>>, %arg23: memref<192xf32, #tpu.memory_space<vmem>>, %arg24: memref<32xf32, #tpu.memory_space<vmem>>, %arg25: memref<3072xf32, #tpu.memory_space<vmem>>, %arg26: memref<272xf32, #tpu.memory_space<vmem>>, %arg27: memref<272xf32, #tpu.memory_space<vmem>>, %arg28: memref<16xf32, #tpu.memory_space<vmem>>, %arg29: memref<224xi32, #tpu.memory_space<vmem>>, %arg30: memref<112xf32, #tpu.memory_space<vmem>>, %arg31: memref<!tpu.dma_semaphore, #tpu.memory_space<semaphore_mem>>, %arg32: memref<!tpu.dma_semaphore, #tpu.memory_space<semaphore_mem>>, %arg33: memref<3072xf32, #tpu.memory_space<vmem_shared>>, %arg34: memref<1536xi32, #tpu.memory_space<vmem_shared>>, %arg35: memref<49152xf32, #tpu.memory_space<vmem_shared>>, %arg36: memref<3072xf32, #tpu.memory_space<vmem_shared>>) attributes {dimension_semantics = [#tpu.dimension_semantics<core_parallel>, #tpu.dimension_semantics<subcore_parallel>], iteration_bounds = array<i64: 1, 16>, scalar_prefetch = 0 : i64, scratch_operands = 26 : i64, tpu.core_type = #tpu.core_type<sc_vector_subcore>, window_params = [{transform_indices = #map}, {transform_indices = #map}, {transform_indices = #map}, {transform_indices = #map}, {transform_indices = #map}, {transform_indices = #map}, {transform_indices = #map}, {transform_indices = #map}, {transform_indices = #map}]} {
    %broadcast_in_dim3A = arith.constant 0.000000e+00 : f32
    %broadcast_in_dim3A_0 = vector.broadcast %broadcast_in_dim3A : f32 to vector<16xf32>
    %broadcast_in_dim3A_1 = arith.constant 0 : i32
    %broadcast_in_dim3A_2 = vector.broadcast %broadcast_in_dim3A_1 : i32 to vector<16xi32>
    %broadcast_in_dim3A_3 = arith.constant 1 : i32
    %broadcast_in_dim3A_4 = vector.broadcast %broadcast_in_dim3A_3 : i32 to vector<16xi32>
    %iota3A = tpu.iota {dimensions = array<i32: 0>} : vector<16xi32>
    %mul3A = arith.constant 6 : i32
    %mul3A_5 = arith.muli %arg1, %mul3A : i32
    %min3A = arith.constant 79 : i32
    %min3A_6 = arith.minsi %mul3A_5, %min3A : i32
    %mul3A_7 = arith.constant 128 : i32
    %mul3A_8 = arith.muli %min3A_6, %mul3A_7 : i32
    %mul3A_9 = arith.constant 96 : i32
    %mul3A_10 = arith.muli %arg1, %mul3A_9 : i32
    %min3A_11 = arith.constant 1264 : i32
    %min3A_12 = arith.minsi %mul3A_10, %min3A_11 : i32
    %add3A = arith.constant 1360 : i32
    %add3A_13 = arith.addi %add3A, %min3A_12 : i32
    %mul3A_14 = arith.constant 7 : i32
    %mul3A_15 = arith.muli %arg1, %mul3A_14 : i32
    %mul3A_16 = arith.constant 32 : i32
    %mul3A_17 = arith.muli %mul3A_15, %mul3A_16 : i32
    %dma_start3A = tpu.memref_slice %arg2[%mul3A_8] : memref<10880xf32, #tpu.memory_space<hbm>> -> memref<768xf32, #tpu.memory_space<hbm>>
    %dma_start3A_18 = tpu.memref_slice %arg2[%mul3A_8] : memref<10880xf32, #tpu.memory_space<hbm>> -> memref<768xf32, #tpu.memory_space<hbm>>
    tpu.enqueue_dma source(%dma_start3A_18 : memref<768xf32, #tpu.memory_space<hbm>>) target(%arg11 : memref<768xf32, #tpu.memory_space<vmem>>) target_semaphore(%arg31 : memref<!tpu.dma_semaphore, #tpu.memory_space<semaphore_mem>>)
    %dma_start3A_19 = arith.constant 0 : i32
    %dma_start3A_20 = tpu.memref_slice %arg12[%dma_start3A_19] : memref<2576xf32, #tpu.memory_space<vmem>> -> memref<2560xf32, #tpu.memory_space<vmem>>
    %dma_start3A_21 = arith.constant 0 : i32
    %dma_start3A_22 = tpu.memref_slice %arg12[%dma_start3A_21] : memref<2576xf32, #tpu.memory_space<vmem>> -> memref<2560xf32, #tpu.memory_space<vmem>>
    tpu.enqueue_dma source(%arg4 : memref<2560xf32, #tpu.memory_space<hbm>>) target(%dma_start3A_22 : memref<2560xf32, #tpu.memory_space<vmem>>) target_semaphore(%arg31 : memref<!tpu.dma_semaphore, #tpu.memory_space<semaphore_mem>>)
    %dma_start3A_23 = tpu.memref_slice %arg3[%min3A_12] : memref<2720xi32, #tpu.memory_space<hbm>> -> memref<96xi32, #tpu.memory_space<hbm>>
    %dma_start3A_24 = tpu.memref_slice %arg3[%min3A_12] : memref<2720xi32, #tpu.memory_space<hbm>> -> memref<96xi32, #tpu.memory_space<hbm>>
    tpu.enqueue_dma source(%dma_start3A_24 : memref<96xi32, #tpu.memory_space<hbm>>) target(%arg15 : memref<96xi32, #tpu.memory_space<vmem>>) target_semaphore(%arg31 : memref<!tpu.dma_semaphore, #tpu.memory_space<semaphore_mem>>)
    %dma_start3A_25 = tpu.memref_slice %arg3[%add3A_13] : memref<2720xi32, #tpu.memory_space<hbm>> -> memref<96xi32, #tpu.memory_space<hbm>>
    %dma_start3A_26 = tpu.memref_slice %arg3[%add3A_13] : memref<2720xi32, #tpu.memory_space<hbm>> -> memref<96xi32, #tpu.memory_space<hbm>>
    tpu.enqueue_dma source(%dma_start3A_26 : memref<96xi32, #tpu.memory_space<hbm>>) target(%arg16 : memref<96xi32, #tpu.memory_space<vmem>>) target_semaphore(%arg31 : memref<!tpu.dma_semaphore, #tpu.memory_space<semaphore_mem>>)
    tpu.enqueue_dma source(%arg8 : memref<1536xf32, #tpu.memory_space<hbm>>) target(%arg20 : memref<1536xf32, #tpu.memory_space<vmem>>) target_semaphore(%arg32 : memref<!tpu.dma_semaphore, #tpu.memory_space<semaphore_mem>>)
    %dma_start3A_27 = arith.constant 0 : i32
    %dma_start3A_28 = tpu.memref_slice %arg24[%dma_start3A_27] : memref<32xf32, #tpu.memory_space<vmem>> -> memref<20xf32, #tpu.memory_space<vmem>>
    %dma_start3A_29 = arith.constant 0 : i32
    %dma_start3A_30 = tpu.memref_slice %arg24[%dma_start3A_29] : memref<32xf32, #tpu.memory_space<vmem>> -> memref<20xf32, #tpu.memory_space<vmem>>
    tpu.enqueue_dma source(%arg5 : memref<20xf32, #tpu.memory_space<hbm>>) target(%dma_start3A_30 : memref<20xf32, #tpu.memory_space<vmem>>) target_semaphore(%arg32 : memref<!tpu.dma_semaphore, #tpu.memory_space<semaphore_mem>>)
    %dma_start3A_31 = arith.constant 0 : i32
    %dma_start3A_32 = tpu.memref_slice %arg26[%dma_start3A_31] : memref<272xf32, #tpu.memory_space<vmem>> -> memref<119xf32, #tpu.memory_space<vmem>>
    %dma_start3A_33 = arith.constant 0 : i32
    %dma_start3A_34 = tpu.memref_slice %arg26[%dma_start3A_33] : memref<272xf32, #tpu.memory_space<vmem>> -> memref<119xf32, #tpu.memory_space<vmem>>
    tpu.enqueue_dma source(%arg6 : memref<119xf32, #tpu.memory_space<hbm>>) target(%dma_start3A_34 : memref<119xf32, #tpu.memory_space<vmem>>) target_semaphore(%arg32 : memref<!tpu.dma_semaphore, #tpu.memory_space<semaphore_mem>>)
    %dma_start3A_35 = arith.constant 0 : i32
    %dma_start3A_36 = tpu.memref_slice %arg28[%dma_start3A_35] : memref<16xf32, #tpu.memory_space<vmem>> -> memref<7xf32, #tpu.memory_space<vmem>>
    %dma_start3A_37 = arith.constant 0 : i32
    %dma_start3A_38 = tpu.memref_slice %arg28[%dma_start3A_37] : memref<16xf32, #tpu.memory_space<vmem>> -> memref<7xf32, #tpu.memory_space<vmem>>
    tpu.enqueue_dma source(%arg7 : memref<7xf32, #tpu.memory_space<hbm>>) target(%dma_start3A_38 : memref<7xf32, #tpu.memory_space<vmem>>) target_semaphore(%arg32 : memref<!tpu.dma_semaphore, #tpu.memory_space<semaphore_mem>>)
    %dma_start3A_39 = tpu.memref_slice %arg9[%mul3A_17] : memref<3584xi32, #tpu.memory_space<hbm>> -> memref<224xi32, #tpu.memory_space<hbm>>
    %dma_start3A_40 = tpu.memref_slice %arg9[%mul3A_17] : memref<3584xi32, #tpu.memory_space<hbm>> -> memref<224xi32, #tpu.memory_space<hbm>>
    tpu.enqueue_dma source(%dma_start3A_40 : memref<224xi32, #tpu.memory_space<hbm>>) target(%arg29 : memref<224xi32, #tpu.memory_space<vmem>>) target_semaphore(%arg32 : memref<!tpu.dma_semaphore, #tpu.memory_space<semaphore_mem>>)
    %scan3A = arith.constant 0 : i32
    %scan3A_41 = arith.constant 0 : i32
    %scan3A_42 = arith.constant 48 : i32
    %scan3A_43 = arith.addi %scan3A_41, %scan3A_42 : i32
    %scan3A_44 = arith.constant 1 : i32
    scf.for %scan3A_194 = %scan3A_41 to %scan3A_43 step %scan3A_44  : i32 {
      %mul3A_195 = arith.constant 64 : i32
      %mul3A_196 = arith.muli %scan3A_194, %mul3A_195 : i32
      %add3A_197 = arith.constant 0 : i32
      %add3A_198 = arith.addi %mul3A_196, %add3A_197 : i32
      %swap3A_199 = arith.index_cast %add3A_198 : i32 to index
      %swap3A_200 = tpu.vector_load %arg21[%swap3A_199] {strides = array<i32>} : memref<3072xf32, #tpu.memory_space<vmem>>, vector<16xf32>,
      tpu.vector_store %arg21[%swap3A_199], %broadcast_in_dim3A_0 {strides = array<i32>} : memref<3072xf32, #tpu.memory_space<vmem>>, vector<16xf32>,
      %mul3A_201 = arith.constant 64 : i32
      %mul3A_202 = arith.muli %scan3A_194, %mul3A_201 : i32
      %add3A_203 = arith.constant 16 : i32
      %add3A_204 = arith.addi %mul3A_202, %add3A_203 : i32
      %swap3A_205 = arith.index_cast %add3A_204 : i32 to index
      %swap3A_206 = tpu.vector_load %arg21[%swap3A_205] {strides = array<i32>} : memref<3072xf32, #tpu.memory_space<vmem>>, vector<16xf32>,
      tpu.vector_store %arg21[%swap3A_205], %broadcast_in_dim3A_0 {strides = array<i32>} : memref<3072xf32, #tpu.memory_space<vmem>>, vector<16xf32>,
      %mul3A_207 = arith.constant 64 : i32
      %mul3A_208 = arith.muli %scan3A_194, %mul3A_207 : i32
      %add3A_209 = arith.constant 32 : i32
      %add3A_210 = arith.addi %mul3A_208, %add3A_209 : i32
      %swap3A_211 = arith.index_cast %add3A_210 : i32 to index
      %swap3A_212 = tpu.vector_load %arg21[%swap3A_211] {strides = array<i32>} : memref<3072xf32, #tpu.memory_space<vmem>>, vector<16xf32>,
      tpu.vector_store %arg21[%swap3A_211], %broadcast_in_dim3A_0 {strides = array<i32>} : memref<3072xf32, #tpu.memory_space<vmem>>, vector<16xf32>,
      %mul3A_213 = arith.constant 64 : i32
      %mul3A_214 = arith.muli %scan3A_194, %mul3A_213 : i32
      %add3A_215 = arith.constant 48 : i32
      %add3A_216 = arith.addi %mul3A_214, %add3A_215 : i32
      %swap3A_217 = arith.index_cast %add3A_216 : i32 to index
      %swap3A_218 = tpu.vector_load %arg21[%swap3A_217] {strides = array<i32>} : memref<3072xf32, #tpu.memory_space<vmem>>, vector<16xf32>,
      tpu.vector_store %arg21[%swap3A_217], %broadcast_in_dim3A_0 {strides = array<i32>} : memref<3072xf32, #tpu.memory_space<vmem>>, vector<16xf32>,
    }
    %scan3A_45 = arith.constant 48 : i32
    %swap3A = arith.constant 0 : index
    %swap3A_46 = tpu.vector_load %arg17[%swap3A] {strides = array<i32>} : memref<96xi32, #tpu.memory_space<vmem>>, vector<16xi32>,
    tpu.vector_store %arg17[%swap3A], %broadcast_in_dim3A_2 {strides = array<i32>} : memref<96xi32, #tpu.memory_space<vmem>>, vector<16xi32>,
    %swap3A_47 = arith.constant 16 : index
    %swap3A_48 = tpu.vector_load %arg17[%swap3A_47] {strides = array<i32>} : memref<96xi32, #tpu.memory_space<vmem>>, vector<16xi32>,
    tpu.vector_store %arg17[%swap3A_47], %broadcast_in_dim3A_2 {strides = array<i32>} : memref<96xi32, #tpu.memory_space<vmem>>, vector<16xi32>,
    %swap3A_49 = arith.constant 32 : index
    %swap3A_50 = tpu.vector_load %arg17[%swap3A_49] {strides = array<i32>} : memref<96xi32, #tpu.memory_space<vmem>>, vector<16xi32>,
    tpu.vector_store %arg17[%swap3A_49], %broadcast_in_dim3A_2 {strides = array<i32>} : memref<96xi32, #tpu.memory_space<vmem>>, vector<16xi32>,
    %swap3A_51 = arith.constant 48 : index
    %swap3A_52 = tpu.vector_load %arg17[%swap3A_51] {strides = array<i32>} : memref<96xi32, #tpu.memory_space<vmem>>, vector<16xi32>,
    tpu.vector_store %arg17[%swap3A_51], %broadcast_in_dim3A_2 {strides = array<i32>} : memref<96xi32, #tpu.memory_space<vmem>>, vector<16xi32>,
    %swap3A_53 = arith.constant 64 : index
    %swap3A_54 = tpu.vector_load %arg17[%swap3A_53] {strides = array<i32>} : memref<96xi32, #tpu.memory_space<vmem>>, vector<16xi32>,
    tpu.vector_store %arg17[%swap3A_53], %broadcast_in_dim3A_2 {strides = array<i32>} : memref<96xi32, #tpu.memory_space<vmem>>, vector<16xi32>,
    %swap3A_55 = arith.constant 80 : index
    %swap3A_56 = tpu.vector_load %arg17[%swap3A_55] {strides = array<i32>} : memref<96xi32, #tpu.memory_space<vmem>>, vector<16xi32>,
    tpu.vector_store %arg17[%swap3A_55], %broadcast_in_dim3A_2 {strides = array<i32>} : memref<96xi32, #tpu.memory_space<vmem>>, vector<16xi32>,
    %dma_wait3A = tpu.memref_slice %arg2[%mul3A_8] : memref<10880xf32, #tpu.memory_space<hbm>> -> memref<768xf32, #tpu.memory_space<hbm>>
    %dma_wait3A_57 = tpu.memref_slice %arg2[%mul3A_8] : memref<10880xf32, #tpu.memory_space<hbm>> -> memref<768xf32, #tpu.memory_space<hbm>>
    tpu.wait_dma2 semaphore(%arg31 : memref<!tpu.dma_semaphore, #tpu.memory_space<semaphore_mem>>) src(%dma_wait3A_57 : memref<768xf32, #tpu.memory_space<hbm>>) dst(%arg11 : memref<768xf32, #tpu.memory_space<vmem>>)
    %dma_wait3A_58 = arith.constant 0 : i32
    %dma_wait3A_59 = tpu.memref_slice %arg12[%dma_wait3A_58] : memref<2576xf32, #tpu.memory_space<vmem>> -> memref<2560xf32, #tpu.memory_space<vmem>>
    %dma_wait3A_60 = arith.constant 0 : i32
    %dma_wait3A_61 = tpu.memref_slice %arg12[%dma_wait3A_60] : memref<2576xf32, #tpu.memory_space<vmem>> -> memref<2560xf32, #tpu.memory_space<vmem>>
    tpu.wait_dma2 semaphore(%arg31 : memref<!tpu.dma_semaphore, #tpu.memory_space<semaphore_mem>>) src(%arg4 : memref<2560xf32, #tpu.memory_space<hbm>>) dst(%dma_wait3A_61 : memref<2560xf32, #tpu.memory_space<vmem>>)
    %dma_wait3A_62 = tpu.memref_slice %arg3[%min3A_12] : memref<2720xi32, #tpu.memory_space<hbm>> -> memref<96xi32, #tpu.memory_space<hbm>>
    %dma_wait3A_63 = tpu.memref_slice %arg3[%min3A_12] : memref<2720xi32, #tpu.memory_space<hbm>> -> memref<96xi32, #tpu.memory_space<hbm>>
    tpu.wait_dma2 semaphore(%arg31 : memref<!tpu.dma_semaphore, #tpu.memory_space<semaphore_mem>>) src(%dma_wait3A_63 : memref<96xi32, #tpu.memory_space<hbm>>) dst(%arg15 : memref<96xi32, #tpu.memory_space<vmem>>)
    %dma_wait3A_64 = tpu.memref_slice %arg3[%add3A_13] : memref<2720xi32, #tpu.memory_space<hbm>> -> memref<96xi32, #tpu.memory_space<hbm>>
    %dma_wait3A_65 = tpu.memref_slice %arg3[%add3A_13] : memref<2720xi32, #tpu.memory_space<hbm>> -> memref<96xi32, #tpu.memory_space<hbm>>
    tpu.wait_dma2 semaphore(%arg31 : memref<!tpu.dma_semaphore, #tpu.memory_space<semaphore_mem>>) src(%dma_wait3A_65 : memref<96xi32, #tpu.memory_space<hbm>>) dst(%arg16 : memref<96xi32, #tpu.memory_space<vmem>>)
    %eq3A = arith.constant 14 : i32
    %eq3A_66 = arith.cmpi eq, %arg1, %eq3A : i32
    %convert_element_type3A = arith.extui %eq3A_66 : i1 to i32
    %cond3A = arith.constant 0 : i32
    %cond3A_67 = arith.cmpi ne, %convert_element_type3A, %cond3A : i32
    scf.if %cond3A_67 {
      %add3A_194 = arith.constant 0 : i32
      %add3A_195 = vector.broadcast %add3A_194 : i32 to vector<16xi32>
      %add3A_196 = arith.addi %iota3A, %add3A_195 : vector<16xi32>
      %swap3A_197 = arith.constant 0 : index
      %swap3A_198 = tpu.vector_load %arg15[%swap3A_197] {strides = array<i32>} : memref<96xi32, #tpu.memory_space<vmem>>, vector<16xi32>,
      tpu.vector_store %arg15[%swap3A_197], %add3A_196 {strides = array<i32>} : memref<96xi32, #tpu.memory_space<vmem>>, vector<16xi32>,
      %add3A_199 = arith.constant 0 : i32
      %add3A_200 = vector.broadcast %add3A_199 : i32 to vector<16xi32>
      %add3A_201 = arith.addi %iota3A, %add3A_200 : vector<16xi32>
      %swap3A_202 = arith.constant 0 : index
      %swap3A_203 = tpu.vector_load %arg16[%swap3A_202] {strides = array<i32>} : memref<96xi32, #tpu.memory_space<vmem>>, vector<16xi32>,
      tpu.vector_store %arg16[%swap3A_202], %add3A_201 {strides = array<i32>} : memref<96xi32, #tpu.memory_space<vmem>>, vector<16xi32>,
      %add3A_204 = arith.constant 16 : i32
      %add3A_205 = vector.broadcast %add3A_204 : i32 to vector<16xi32>
      %add3A_206 = arith.addi %iota3A, %add3A_205 : vector<16xi32>
      %swap3A_207 = arith.constant 16 : index
      %swap3A_208 = tpu.vector_load %arg15[%swap3A_207] {strides = array<i32>} : memref<96xi32, #tpu.memory_space<vmem>>, vector<16xi32>,
      tpu.vector_store %arg15[%swap3A_207], %add3A_206 {strides = array<i32>} : memref<96xi32, #tpu.memory_space<vmem>>, vector<16xi32>,
      %add3A_209 = arith.constant 16 : i32
      %add3A_210 = vector.broadcast %add3A_209 : i32 to vector<16xi32>
      %add3A_211 = arith.addi %iota3A, %add3A_210 : vector<16xi32>
      %swap3A_212 = arith.constant 16 : index
      %swap3A_213 = tpu.vector_load %arg16[%swap3A_212] {strides = array<i32>} : memref<96xi32, #tpu.memory_space<vmem>>, vector<16xi32>,
      tpu.vector_store %arg16[%swap3A_212], %add3A_211 {strides = array<i32>} : memref<96xi32, #tpu.memory_space<vmem>>, vector<16xi32>,
      %add3A_214 = arith.constant 32 : i32
      %add3A_215 = vector.broadcast %add3A_214 : i32 to vector<16xi32>
      %add3A_216 = arith.addi %iota3A, %add3A_215 : vector<16xi32>
      %swap3A_217 = arith.constant 32 : index
      %swap3A_218 = tpu.vector_load %arg15[%swap3A_217] {strides = array<i32>} : memref<96xi32, #tpu.memory_space<vmem>>, vector<16xi32>,
      tpu.vector_store %arg15[%swap3A_217], %add3A_216 {strides = array<i32>} : memref<96xi32, #tpu.memory_space<vmem>>, vector<16xi32>,
      %add3A_219 = arith.constant 32 : i32
      %add3A_220 = vector.broadcast %add3A_219 : i32 to vector<16xi32>
      %add3A_221 = arith.addi %iota3A, %add3A_220 : vector<16xi32>
      %swap3A_222 = arith.constant 32 : index
      %swap3A_223 = tpu.vector_load %arg16[%swap3A_222] {strides = array<i32>} : memref<96xi32, #tpu.memory_space<vmem>>, vector<16xi32>,
      tpu.vector_store %arg16[%swap3A_222], %add3A_221 {strides = array<i32>} : memref<96xi32, #tpu.memory_space<vmem>>, vector<16xi32>,
      %add3A_224 = arith.constant 48 : i32
      %add3A_225 = vector.broadcast %add3A_224 : i32 to vector<16xi32>
      %add3A_226 = arith.addi %iota3A, %add3A_225 : vector<16xi32>
      %swap3A_227 = arith.constant 48 : index
      %swap3A_228 = tpu.vector_load %arg15[%swap3A_227] {strides = array<i32>} : memref<96xi32, #tpu.memory_space<vmem>>, vector<16xi32>,
      tpu.vector_store %arg15[%swap3A_227], %add3A_226 {strides = array<i32>} : memref<96xi32, #tpu.memory_space<vmem>>, vector<16xi32>,
      %add3A_229 = arith.constant 48 : i32
      %add3A_230 = vector.broadcast %add3A_229 : i32 to vector<16xi32>
      %add3A_231 = arith.addi %iota3A, %add3A_230 : vector<16xi32>
      %swap3A_232 = arith.constant 48 : index
      %swap3A_233 = tpu.vector_load %arg16[%swap3A_232] {strides = array<i32>} : memref<96xi32, #tpu.memory_space<vmem>>, vector<16xi32>,
      tpu.vector_store %arg16[%swap3A_232], %add3A_231 {strides = array<i32>} : memref<96xi32, #tpu.memory_space<vmem>>, vector<16xi32>,
      %add3A_234 = arith.constant 64 : i32
      %add3A_235 = vector.broadcast %add3A_234 : i32 to vector<16xi32>
      %add3A_236 = arith.addi %iota3A, %add3A_235 : vector<16xi32>
      %swap3A_237 = arith.constant 64 : index
      %swap3A_238 = tpu.vector_load %arg15[%swap3A_237] {strides = array<i32>} : memref<96xi32, #tpu.memory_space<vmem>>, vector<16xi32>,
      tpu.vector_store %arg15[%swap3A_237], %add3A_236 {strides = array<i32>} : memref<96xi32, #tpu.memory_space<vmem>>, vector<16xi32>,
      %add3A_239 = arith.constant 64 : i32
      %add3A_240 = vector.broadcast %add3A_239 : i32 to vector<16xi32>
      %add3A_241 = arith.addi %iota3A, %add3A_240 : vector<16xi32>
      %swap3A_242 = arith.constant 64 : index
      %swap3A_243 = tpu.vector_load %arg16[%swap3A_242] {strides = array<i32>} : memref<96xi32, #tpu.memory_space<vmem>>, vector<16xi32>,
      tpu.vector_store %arg16[%swap3A_242], %add3A_241 {strides = array<i32>} : memref<96xi32, #tpu.memory_space<vmem>>, vector<16xi32>,
    } else {
    }
    %eq3A_68 = arith.constant 15 : i32
    %eq3A_69 = arith.cmpi eq, %arg1, %eq3A_68 : i32
    %convert_element_type3A_70 = arith.extui %eq3A_69 : i1 to i32
    %cond3A_71 = arith.constant 0 : i32
    %cond3A_72 = arith.cmpi ne, %convert_element_type3A_70, %cond3A_71 : i32
    scf.if %cond3A_72 {
      %add3A_194 = arith.constant 80 : i32
      %add3A_195 = vector.broadcast %add3A_194 : i32 to vector<16xi32>
      %add3A_196 = arith.addi %iota3A, %add3A_195 : vector<16xi32>
      %add3A_197 = arith.constant 0 : i32
      %add3A_198 = vector.broadcast %add3A_197 : i32 to vector<16xi32>
      %add3A_199 = arith.addi %add3A_196, %add3A_198 : vector<16xi32>
      %min3A_200 = arith.constant 85 : i32
      %min3A_201 = vector.broadcast %min3A_200 : i32 to vector<16xi32>
      %min3A_202 = arith.minsi %add3A_199, %min3A_201 : vector<16xi32>
      %swap3A_203 = arith.constant 0 : index
      %swap3A_204 = tpu.vector_load %arg15[%swap3A_203] {strides = array<i32>} : memref<96xi32, #tpu.memory_space<vmem>>, vector<16xi32>,
      tpu.vector_store %arg15[%swap3A_203], %min3A_202 {strides = array<i32>} : memref<96xi32, #tpu.memory_space<vmem>>, vector<16xi32>,
      %swap3A_205 = arith.constant 0 : index
      %swap3A_206 = tpu.vector_load %arg16[%swap3A_205] {strides = array<i32>} : memref<96xi32, #tpu.memory_space<vmem>>, vector<16xi32>,
      tpu.vector_store %arg16[%swap3A_205], %min3A_202 {strides = array<i32>} : memref<96xi32, #tpu.memory_space<vmem>>, vector<16xi32>,
      %add3A_207 = arith.constant 80 : i32
      %add3A_208 = vector.broadcast %add3A_207 : i32 to vector<16xi32>
      %add3A_209 = arith.addi %iota3A, %add3A_208 : vector<16xi32>
      %add3A_210 = arith.constant 16 : i32
      %add3A_211 = vector.broadcast %add3A_210 : i32 to vector<16xi32>
      %add3A_212 = arith.addi %add3A_209, %add3A_211 : vector<16xi32>
      %min3A_213 = arith.constant 85 : i32
      %min3A_214 = vector.broadcast %min3A_213 : i32 to vector<16xi32>
      %min3A_215 = arith.minsi %add3A_212, %min3A_214 : vector<16xi32>
      %swap3A_216 = arith.constant 16 : index
      %swap3A_217 = tpu.vector_load %arg15[%swap3A_216] {strides = array<i32>} : memref<96xi32, #tpu.memory_space<vmem>>, vector<16xi32>,
      tpu.vector_store %arg15[%swap3A_216], %min3A_215 {strides = array<i32>} : memref<96xi32, #tpu.memory_space<vmem>>, vector<16xi32>,
      %swap3A_218 = arith.constant 16 : index
      %swap3A_219 = tpu.vector_load %arg16[%swap3A_218] {strides = array<i32>} : memref<96xi32, #tpu.memory_space<vmem>>, vector<16xi32>,
      tpu.vector_store %arg16[%swap3A_218], %min3A_215 {strides = array<i32>} : memref<96xi32, #tpu.memory_space<vmem>>, vector<16xi32>,
      %add3A_220 = arith.constant 80 : i32
      %add3A_221 = vector.broadcast %add3A_220 : i32 to vector<16xi32>
      %add3A_222 = arith.addi %iota3A, %add3A_221 : vector<16xi32>
      %add3A_223 = arith.constant 32 : i32
      %add3A_224 = vector.broadcast %add3A_223 : i32 to vector<16xi32>
      %add3A_225 = arith.addi %add3A_222, %add3A_224 : vector<16xi32>
      %min3A_226 = arith.constant 85 : i32
      %min3A_227 = vector.broadcast %min3A_226 : i32 to vector<16xi32>
      %min3A_228 = arith.minsi %add3A_225, %min3A_227 : vector<16xi32>
      %swap3A_229 = arith.constant 32 : index
      %swap3A_230 = tpu.vector_load %arg15[%swap3A_229] {strides = array<i32>} : memref<96xi32, #tpu.memory_space<vmem>>, vector<16xi32>,
      tpu.vector_store %arg15[%swap3A_229], %min3A_228 {strides = array<i32>} : memref<96xi32, #tpu.memory_space<vmem>>, vector<16xi32>,
      %swap3A_231 = arith.constant 32 : index
      %swap3A_232 = tpu.vector_load %arg16[%swap3A_231] {strides = array<i32>} : memref<96xi32, #tpu.memory_space<vmem>>, vector<16xi32>,
      tpu.vector_store %arg16[%swap3A_231], %min3A_228 {strides = array<i32>} : memref<96xi32, #tpu.memory_space<vmem>>, vector<16xi32>,
      %add3A_233 = arith.constant 80 : i32
      %add3A_234 = vector.broadcast %add3A_233 : i32 to vector<16xi32>
      %add3A_235 = arith.addi %iota3A, %add3A_234 : vector<16xi32>
      %add3A_236 = arith.constant 48 : i32
      %add3A_237 = vector.broadcast %add3A_236 : i32 to vector<16xi32>
      %add3A_238 = arith.addi %add3A_235, %add3A_237 : vector<16xi32>
      %min3A_239 = arith.constant 85 : i32
      %min3A_240 = vector.broadcast %min3A_239 : i32 to vector<16xi32>
      %min3A_241 = arith.minsi %add3A_238, %min3A_240 : vector<16xi32>
      %swap3A_242 = arith.constant 48 : index
      %swap3A_243 = tpu.vector_load %arg15[%swap3A_242] {strides = array<i32>} : memref<96xi32, #tpu.memory_space<vmem>>, vector<16xi32>,
      tpu.vector_store %arg15[%swap3A_242], %min3A_241 {strides = array<i32>} : memref<96xi32, #tpu.memory_space<vmem>>, vector<16xi32>,
      %swap3A_244 = arith.constant 48 : index
      %swap3A_245 = tpu.vector_load %arg16[%swap3A_244] {strides = array<i32>} : memref<96xi32, #tpu.memory_space<vmem>>, vector<16xi32>,
      tpu.vector_store %arg16[%swap3A_244], %min3A_241 {strides = array<i32>} : memref<96xi32, #tpu.memory_space<vmem>>, vector<16xi32>,
      %add3A_246 = arith.constant 80 : i32
      %add3A_247 = vector.broadcast %add3A_246 : i32 to vector<16xi32>
      %add3A_248 = arith.addi %iota3A, %add3A_247 : vector<16xi32>
      %add3A_249 = arith.constant 64 : i32
      %add3A_250 = vector.broadcast %add3A_249 : i32 to vector<16xi32>
      %add3A_251 = arith.addi %add3A_248, %add3A_250 : vector<16xi32>
      %min3A_252 = arith.constant 85 : i32
      %min3A_253 = vector.broadcast %min3A_252 : i32 to vector<16xi32>
      %min3A_254 = arith.minsi %add3A_251, %min3A_253 : vector<16xi32>
      %swap3A_255 = arith.constant 64 : index
      %swap3A_256 = tpu.vector_load %arg15[%swap3A_255] {strides = array<i32>} : memref<96xi32, #tpu.memory_space<vmem>>, vector<16xi32>,
      tpu.vector_store %arg15[%swap3A_255], %min3A_254 {strides = array<i32>} : memref<96xi32, #tpu.memory_space<vmem>>, vector<16xi32>,
      %swap3A_257 = arith.constant 64 : index
      %swap3A_258 = tpu.vector_load %arg16[%swap3A_257] {strides = array<i32>} : memref<96xi32, #tpu.memory_space<vmem>>, vector<16xi32>,
      tpu.vector_store %arg16[%swap3A_257], %min3A_254 {strides = array<i32>} : memref<96xi32, #tpu.memory_space<vmem>>, vector<16xi32>,
      %add3A_259 = arith.constant 80 : i32
      %add3A_260 = vector.broadcast %add3A_259 : i32 to vector<16xi32>
      %add3A_261 = arith.addi %iota3A, %add3A_260 : vector<16xi32>
      %add3A_262 = arith.constant 80 : i32
      %add3A_263 = vector.broadcast %add3A_262 : i32 to vector<16xi32>
      %add3A_264 = arith.addi %add3A_261, %add3A_263 : vector<16xi32>
      %min3A_265 = arith.constant 85 : i32
      %min3A_266 = vector.broadcast %min3A_265 : i32 to vector<16xi32>
      %min3A_267 = arith.minsi %add3A_264, %min3A_266 : vector<16xi32>
      %swap3A_268 = arith.constant 80 : index
      %swap3A_269 = tpu.vector_load %arg15[%swap3A_268] {strides = array<i32>} : memref<96xi32, #tpu.memory_space<vmem>>, vector<16xi32>,
      tpu.vector_store %arg15[%swap3A_268], %min3A_267 {strides = array<i32>} : memref<96xi32, #tpu.memory_space<vmem>>, vector<16xi32>,
      %swap3A_270 = arith.constant 80 : index
      %swap3A_271 = tpu.vector_load %arg16[%swap3A_270] {strides = array<i32>} : memref<96xi32, #tpu.memory_space<vmem>>, vector<16xi32>,
      tpu.vector_store %arg16[%swap3A_270], %min3A_267 {strides = array<i32>} : memref<96xi32, #tpu.memory_space<vmem>>, vector<16xi32>,
    } else {
    }
    %scan3A_73 = arith.constant 0 : i32
    %scan3A_74 = arith.constant 8 : i32
    %scan3A_75 = arith.addi %scan3A_73, %scan3A_74 : i32
    %scan3A_76 = arith.constant 1 : i32
    %scan3A_77:12 = scf.for %scan3A_194 = %scan3A_73 to %scan3A_75 step %scan3A_76 iter_args(%scan3A_195 = %broadcast_in_dim3A_0, %scan3A_196 = %broadcast_in_dim3A_0, %scan3A_197 = %broadcast_in_dim3A_0, %scan3A_198 = %broadcast_in_dim3A_0, %scan3A_199 = %broadcast_in_dim3A_0, %scan3A_200 = %broadcast_in_dim3A_0, %scan3A_201 = %broadcast_in_dim3A_0, %scan3A_202 = %broadcast_in_dim3A_0, %scan3A_203 = %broadcast_in_dim3A_0, %scan3A_204 = %broadcast_in_dim3A_0, %scan3A_205 = %broadcast_in_dim3A_0, %scan3A_206 = %broadcast_in_dim3A_0) -> (vector<16xf32>, vector<16xf32>, vector<16xf32>, vector<16xf32>, vector<16xf32>, vector<16xf32>, vector<16xf32>, vector<16xf32>, vector<16xf32>, vector<16xf32>, vector<16xf32>, vector<16xf32>)  : i32 {
      %mul3A_207 = arith.constant 16 : i32
      %mul3A_208 = arith.muli %scan3A_194, %mul3A_207 : i32
      %add3A_209 = arith.constant 0 : i32
      %add3A_210 = arith.addi %add3A_209, %mul3A_208 : i32
      %get3A = arith.index_cast %add3A_210 : i32 to index
      %get3A_211 = tpu.vector_load %arg11[%get3A] {strides = array<i32>} : memref<768xf32, #tpu.memory_space<vmem>>, vector<16xf32>,
      %mul3A_212 = arith.constant 16 : i32
      %mul3A_213 = arith.muli %scan3A_194, %mul3A_212 : i32
      %add3A_214 = arith.constant 128 : i32
      %add3A_215 = arith.addi %add3A_214, %mul3A_213 : i32
      %get3A_216 = arith.index_cast %add3A_215 : i32 to index
      %get3A_217 = tpu.vector_load %arg11[%get3A_216] {strides = array<i32>} : memref<768xf32, #tpu.memory_space<vmem>>, vector<16xf32>,
      %mul3A_218 = arith.constant 16 : i32
      %mul3A_219 = arith.muli %scan3A_194, %mul3A_218 : i32
      %add3A_220 = arith.constant 256 : i32
      %add3A_221 = arith.addi %add3A_220, %mul3A_219 : i32
      %get3A_222 = arith.index_cast %add3A_221 : i32 to index
      %get3A_223 = tpu.vector_load %arg11[%get3A_222] {strides = array<i32>} : memref<768xf32, #tpu.memory_space<vmem>>, vector<16xf32>,
      %mul3A_224 = arith.constant 16 : i32
      %mul3A_225 = arith.muli %scan3A_194, %mul3A_224 : i32
      %add3A_226 = arith.constant 384 : i32
      %add3A_227 = arith.addi %add3A_226, %mul3A_225 : i32
      %get3A_228 = arith.index_cast %add3A_227 : i32 to index
      %get3A_229 = tpu.vector_load %arg11[%get3A_228] {strides = array<i32>} : memref<768xf32, #tpu.memory_space<vmem>>, vector<16xf32>,
      %mul3A_230 = arith.constant 16 : i32
      %mul3A_231 = arith.muli %scan3A_194, %mul3A_230 : i32
      %add3A_232 = arith.constant 512 : i32
      %add3A_233 = arith.addi %add3A_232, %mul3A_231 : i32
      %get3A_234 = arith.index_cast %add3A_233 : i32 to index
      %get3A_235 = tpu.vector_load %arg11[%get3A_234] {strides = array<i32>} : memref<768xf32, #tpu.memory_space<vmem>>, vector<16xf32>,
      %mul3A_236 = arith.constant 16 : i32
      %mul3A_237 = arith.muli %scan3A_194, %mul3A_236 : i32
      %add3A_238 = arith.constant 640 : i32
      %add3A_239 = arith.addi %add3A_238, %mul3A_237 : i32
      %get3A_240 = arith.index_cast %add3A_239 : i32 to index
      %get3A_241 = tpu.vector_load %arg11[%get3A_240] {strides = array<i32>} : memref<768xf32, #tpu.memory_space<vmem>>, vector<16xf32>,
      %scan3A_242 = arith.constant 0 : i32
      %scan3A_243 = arith.constant 16 : i32
      %scan3A_244 = arith.addi %scan3A_242, %scan3A_243 : i32
      %scan3A_245 = arith.constant 1 : i32
      %scan3A_246:12 = scf.for %scan3A_248 = %scan3A_242 to %scan3A_244 step %scan3A_245 iter_args(%scan3A_249 = %scan3A_195, %scan3A_250 = %scan3A_196, %scan3A_251 = %scan3A_197, %scan3A_252 = %scan3A_198, %scan3A_253 = %scan3A_199, %scan3A_254 = %scan3A_200, %scan3A_255 = %scan3A_201, %scan3A_256 = %scan3A_202, %scan3A_257 = %scan3A_203, %scan3A_258 = %scan3A_204, %scan3A_259 = %scan3A_205, %scan3A_260 = %scan3A_206) -> (vector<16xf32>, vector<16xf32>, vector<16xf32>, vector<16xf32>, vector<16xf32>, vector<16xf32>, vector<16xf32>, vector<16xf32>, vector<16xf32>, vector<16xf32>, vector<16xf32>, vector<16xf32>)  : i32 {
        %mul3A_261 = arith.constant 16 : i32
        %mul3A_262 = arith.muli %scan3A_194, %mul3A_261 : i32
        %add3A_263 = arith.addi %mul3A_262, %scan3A_248 : i32
        %mul3A_264 = arith.constant 20 : i32
        %mul3A_265 = arith.muli %add3A_263, %mul3A_264 : i32
        %get3A_266 = arith.index_cast %mul3A_265 : i32 to index
        %get3A_267 = tpu.vector_load %arg12[%get3A_266] {strides = array<i32>} : memref<2576xf32, #tpu.memory_space<vmem>>, vector<16xf32>,
        %mul3A_268 = arith.constant 20 : i32
        %mul3A_269 = arith.muli %add3A_263, %mul3A_268 : i32
        %add3A_270 = arith.constant 16 : i32
        %add3A_271 = arith.addi %mul3A_269, %add3A_270 : i32
        %get3A_272 = arith.index_cast %add3A_271 : i32 to index
        %get3A_273 = tpu.vector_load %arg12[%get3A_272] {strides = array<i32>} : memref<2576xf32, #tpu.memory_space<vmem>>, vector<16xf32>,
        %broadcast_in_dim3A_274 = arith.constant 0 : i32
        %broadcast_in_dim3A_275 = vector.broadcast %broadcast_in_dim3A_274 : i32 to vector<16xi32>
        %add3A_276 = vector.broadcast %scan3A_248 : i32 to vector<16xi32>
        %add3A_277 = arith.addi %broadcast_in_dim3A_275, %add3A_276 : vector<16xi32>
        %lt3A = arith.constant 0 : i32
        %lt3A_278 = vector.broadcast %lt3A : i32 to vector<16xi32>
        %lt3A_279 = arith.cmpi slt, %add3A_277, %lt3A_278 : vector<16xi32>
        %add3A_280 = arith.constant 16 : i32
        %add3A_281 = vector.broadcast %add3A_280 : i32 to vector<16xi32>
        %add3A_282 = arith.addi %add3A_277, %add3A_281 : vector<16xi32>
        %select_n3A = arith.select %lt3A_279, %add3A_282, %add3A_277 : vector<16xi1>, vector<16xi32>
        %broadcast_in_dim3A_283 = vector.shape_cast %select_n3A : vector<16xi32> to vector<16x1xi32>
        %gather3A = vector.shape_cast %broadcast_in_dim3A_283 : vector<16x1xi32> to vector<16xi32>
        %gather3A_284 = tpu.dynamic_gather %get3A_211[%gather3A] in [0] : vector<16xf32>, vector<16xi32> -> vector<16xf32>
        %mul3A_285 = arith.mulf %gather3A_284, %get3A_267 : vector<16xf32>
        %add3A_286 = arith.addf %scan3A_249, %mul3A_285 : vector<16xf32>
        %mul3A_287 = arith.mulf %gather3A_284, %get3A_273 : vector<16xf32>
        %add3A_288 = arith.addf %scan3A_250, %mul3A_287 : vector<16xf32>
        %lt3A_289 = arith.constant 0 : i32
        %lt3A_290 = vector.broadcast %lt3A_289 : i32 to vector<16xi32>
        %lt3A_291 = arith.cmpi slt, %add3A_277, %lt3A_290 : vector<16xi32>
        %add3A_292 = arith.constant 16 : i32
        %add3A_293 = vector.broadcast %add3A_292 : i32 to vector<16xi32>
        %add3A_294 = arith.addi %add3A_277, %add3A_293 : vector<16xi32>
        %select_n3A_295 = arith.select %lt3A_291, %add3A_294, %add3A_277 : vector<16xi1>, vector<16xi32>
        %broadcast_in_dim3A_296 = vector.shape_cast %select_n3A_295 : vector<16xi32> to vector<16x1xi32>
        %gather3A_297 = vector.shape_cast %broadcast_in_dim3A_296 : vector<16x1xi32> to vector<16xi32>
        %gather3A_298 = tpu.dynamic_gather %get3A_217[%gather3A_297] in [0] : vector<16xf32>, vector<16xi32> -> vector<16xf32>
        %mul3A_299 = arith.mulf %gather3A_298, %get3A_267 : vector<16xf32>
        %add3A_300 = arith.addf %scan3A_251, %mul3A_299 : vector<16xf32>
        %mul3A_301 = arith.mulf %gather3A_298, %get3A_273 : vector<16xf32>
        %add3A_302 = arith.addf %scan3A_252, %mul3A_301 : vector<16xf32>
        %lt3A_303 = arith.constant 0 : i32
        %lt3A_304 = vector.broadcast %lt3A_303 : i32 to vector<16xi32>
        %lt3A_305 = arith.cmpi slt, %add3A_277, %lt3A_304 : vector<16xi32>
        %add3A_306 = arith.constant 16 : i32
        %add3A_307 = vector.broadcast %add3A_306 : i32 to vector<16xi32>
        %add3A_308 = arith.addi %add3A_277, %add3A_307 : vector<16xi32>
        %select_n3A_309 = arith.select %lt3A_305, %add3A_308, %add3A_277 : vector<16xi1>, vector<16xi32>
        %broadcast_in_dim3A_310 = vector.shape_cast %select_n3A_309 : vector<16xi32> to vector<16x1xi32>
        %gather3A_311 = vector.shape_cast %broadcast_in_dim3A_310 : vector<16x1xi32> to vector<16xi32>
        %gather3A_312 = tpu.dynamic_gather %get3A_223[%gather3A_311] in [0] : vector<16xf32>, vector<16xi32> -> vector<16xf32>
        %mul3A_313 = arith.mulf %gather3A_312, %get3A_267 : vector<16xf32>
        %add3A_314 = arith.addf %scan3A_253, %mul3A_313 : vector<16xf32>
        %mul3A_315 = arith.mulf %gather3A_312, %get3A_273 : vector<16xf32>
        %add3A_316 = arith.addf %scan3A_254, %mul3A_315 : vector<16xf32>
        %lt3A_317 = arith.constant 0 : i32
        %lt3A_318 = vector.broadcast %lt3A_317 : i32 to vector<16xi32>
        %lt3A_319 = arith.cmpi slt, %add3A_277, %lt3A_318 : vector<16xi32>
        %add3A_320 = arith.constant 16 : i32
        %add3A_321 = vector.broadcast %add3A_320 : i32 to vector<16xi32>
        %add3A_322 = arith.addi %add3A_277, %add3A_321 : vector<16xi32>
        %select_n3A_323 = arith.select %lt3A_319, %add3A_322, %add3A_277 : vector<16xi1>, vector<16xi32>
        %broadcast_in_dim3A_324 = vector.shape_cast %select_n3A_323 : vector<16xi32> to vector<16x1xi32>
        %gather3A_325 = vector.shape_cast %broadcast_in_dim3A_324 : vector<16x1xi32> to vector<16xi32>
        %gather3A_326 = tpu.dynamic_gather %get3A_229[%gather3A_325] in [0] : vector<16xf32>, vector<16xi32> -> vector<16xf32>
        %mul3A_327 = arith.mulf %gather3A_326, %get3A_267 : vector<16xf32>
        %add3A_328 = arith.addf %scan3A_255, %mul3A_327 : vector<16xf32>
        %mul3A_329 = arith.mulf %gather3A_326, %get3A_273 : vector<16xf32>
        %add3A_330 = arith.addf %scan3A_256, %mul3A_329 : vector<16xf32>
        %lt3A_331 = arith.constant 0 : i32
        %lt3A_332 = vector.broadcast %lt3A_331 : i32 to vector<16xi32>
        %lt3A_333 = arith.cmpi slt, %add3A_277, %lt3A_332 : vector<16xi32>
        %add3A_334 = arith.constant 16 : i32
        %add3A_335 = vector.broadcast %add3A_334 : i32 to vector<16xi32>
        %add3A_336 = arith.addi %add3A_277, %add3A_335 : vector<16xi32>
        %select_n3A_337 = arith.select %lt3A_333, %add3A_336, %add3A_277 : vector<16xi1>, vector<16xi32>
        %broadcast_in_dim3A_338 = vector.shape_cast %select_n3A_337 : vector<16xi32> to vector<16x1xi32>
        %gather3A_339 = vector.shape_cast %broadcast_in_dim3A_338 : vector<16x1xi32> to vector<16xi32>
        %gather3A_340 = tpu.dynamic_gather %get3A_235[%gather3A_339] in [0] : vector<16xf32>, vector<16xi32> -> vector<16xf32>
        %mul3A_341 = arith.mulf %gather3A_340, %get3A_267 : vector<16xf32>
        %add3A_342 = arith.addf %scan3A_257, %mul3A_341 : vector<16xf32>
        %mul3A_343 = arith.mulf %gather3A_340, %get3A_273 : vector<16xf32>
        %add3A_344 = arith.addf %scan3A_258, %mul3A_343 : vector<16xf32>
        %lt3A_345 = arith.constant 0 : i32
        %lt3A_346 = vector.broadcast %lt3A_345 : i32 to vector<16xi32>
        %lt3A_347 = arith.cmpi slt, %add3A_277, %lt3A_346 : vector<16xi32>
        %add3A_348 = arith.constant 16 : i32
        %add3A_349 = vector.broadcast %add3A_348 : i32 to vector<16xi32>
        %add3A_350 = arith.addi %add3A_277, %add3A_349 : vector<16xi32>
        %select_n3A_351 = arith.select %lt3A_347, %add3A_350, %add3A_277 : vector<16xi1>, vector<16xi32>
        %broadcast_in_dim3A_352 = vector.shape_cast %select_n3A_351 : vector<16xi32> to vector<16x1xi32>
        %gather3A_353 = vector.shape_cast %broadcast_in_dim3A_352 : vector<16x1xi32> to vector<16xi32>
        %gather3A_354 = tpu.dynamic_gather %get3A_241[%gather3A_353] in [0] : vector<16xf32>, vector<16xi32> -> vector<16xf32>
        %mul3A_355 = arith.mulf %gather3A_354, %get3A_267 : vector<16xf32>
        %add3A_356 = arith.addf %scan3A_259, %mul3A_355 : vector<16xf32>
        %mul3A_357 = arith.mulf %gather3A_354, %get3A_273 : vector<16xf32>
        %add3A_358 = arith.addf %scan3A_260, %mul3A_357 : vector<16xf32>
        scf.yield %add3A_286, %add3A_288, %add3A_300, %add3A_302, %add3A_314, %add3A_316, %add3A_328, %add3A_330, %add3A_342, %add3A_344, %add3A_356, %add3A_358 : vector<16xf32>, vector<16xf32>, vector<16xf32>, vector<16xf32>, vector<16xf32>, vector<16xf32>, vector<16xf32>, vector<16xf32>, vector<16xf32>, vector<16xf32>, vector<16xf32>, vector<16xf32>
      }
      %scan3A_247 = arith.constant 16 : i32
      scf.yield %scan3A_246#0, %scan3A_246#1, %scan3A_246#2, %scan3A_246#3, %scan3A_246#4, %scan3A_246#5, %scan3A_246#6, %scan3A_246#7, %scan3A_246#8, %scan3A_246#9, %scan3A_246#10, %scan3A_246#11 : vector<16xf32>, vector<16xf32>, vector<16xf32>, vector<16xf32>, vector<16xf32>, vector<16xf32>, vector<16xf32>, vector<16xf32>, vector<16xf32>, vector<16xf32>, vector<16xf32>, vector<16xf32>
    }
    %scan3A_78 = arith.constant 8 : i32
    %swap3A_79 = arith.constant 0 : index
    %swap3A_80 = tpu.vector_load %arg13[%swap3A_79] {strides = array<i32>} : memref<192xf32, #tpu.memory_space<vmem>>, vector<16xf32>,
    tpu.vector_store %arg13[%swap3A_79], %scan3A_77#0 {strides = array<i32>} : memref<192xf32, #tpu.memory_space<vmem>>, vector<16xf32>,
    %swap3A_81 = arith.constant 16 : index
    %swap3A_82 = tpu.vector_load %arg13[%swap3A_81] {strides = array<i32>} : memref<192xf32, #tpu.memory_space<vmem>>, vector<16xf32>,
    tpu.vector_store %arg13[%swap3A_81], %scan3A_77#1 {strides = array<i32>} : memref<192xf32, #tpu.memory_space<vmem>>, vector<16xf32>,
    %swap3A_83 = arith.constant 32 : index
    %swap3A_84 = tpu.vector_load %arg13[%swap3A_83] {strides = array<i32>} : memref<192xf32, #tpu.memory_space<vmem>>, vector<16xf32>,
    tpu.vector_store %arg13[%swap3A_83], %scan3A_77#2 {strides = array<i32>} : memref<192xf32, #tpu.memory_space<vmem>>, vector<16xf32>,
    %swap3A_85 = arith.constant 48 : index
    %swap3A_86 = tpu.vector_load %arg13[%swap3A_85] {strides = array<i32>} : memref<192xf32, #tpu.memory_space<vmem>>, vector<16xf32>,
    tpu.vector_store %arg13[%swap3A_85], %scan3A_77#3 {strides = array<i32>} : memref<192xf32, #tpu.memory_space<vmem>>, vector<16xf32>,
    %swap3A_87 = arith.constant 64 : index
    %swap3A_88 = tpu.vector_load %arg13[%swap3A_87] {strides = array<i32>} : memref<192xf32, #tpu.memory_space<vmem>>, vector<16xf32>,
    tpu.vector_store %arg13[%swap3A_87], %scan3A_77#4 {strides = array<i32>} : memref<192xf32, #tpu.memory_space<vmem>>, vector<16xf32>,
    %swap3A_89 = arith.constant 80 : index
    %swap3A_90 = tpu.vector_load %arg13[%swap3A_89] {strides = array<i32>} : memref<192xf32, #tpu.memory_space<vmem>>, vector<16xf32>,
    tpu.vector_store %arg13[%swap3A_89], %scan3A_77#5 {strides = array<i32>} : memref<192xf32, #tpu.memory_space<vmem>>, vector<16xf32>,
    %swap3A_91 = arith.constant 96 : index
    %swap3A_92 = tpu.vector_load %arg13[%swap3A_91] {strides = array<i32>} : memref<192xf32, #tpu.memory_space<vmem>>, vector<16xf32>,
    tpu.vector_store %arg13[%swap3A_91], %scan3A_77#6 {strides = array<i32>} : memref<192xf32, #tpu.memory_space<vmem>>, vector<16xf32>,
    %swap3A_93 = arith.constant 112 : index
    %swap3A_94 = tpu.vector_load %arg13[%swap3A_93] {strides = array<i32>} : memref<192xf32, #tpu.memory_space<vmem>>, vector<16xf32>,
    tpu.vector_store %arg13[%swap3A_93], %scan3A_77#7 {strides = array<i32>} : memref<192xf32, #tpu.memory_space<vmem>>, vector<16xf32>,
    %swap3A_95 = arith.constant 128 : index
    %swap3A_96 = tpu.vector_load %arg13[%swap3A_95] {strides = array<i32>} : memref<192xf32, #tpu.memory_space<vmem>>, vector<16xf32>,
    tpu.vector_store %arg13[%swap3A_95], %scan3A_77#8 {strides = array<i32>} : memref<192xf32, #tpu.memory_space<vmem>>, vector<16xf32>,
    %swap3A_97 = arith.constant 144 : index
    %swap3A_98 = tpu.vector_load %arg13[%swap3A_97] {strides = array<i32>} : memref<192xf32, #tpu.memory_space<vmem>>, vector<16xf32>,
    tpu.vector_store %arg13[%swap3A_97], %scan3A_77#9 {strides = array<i32>} : memref<192xf32, #tpu.memory_space<vmem>>, vector<16xf32>,
    %swap3A_99 = arith.constant 160 : index
    %swap3A_100 = tpu.vector_load %arg13[%swap3A_99] {strides = array<i32>} : memref<192xf32, #tpu.memory_space<vmem>>, vector<16xf32>,
    tpu.vector_store %arg13[%swap3A_99], %scan3A_77#10 {strides = array<i32>} : memref<192xf32, #tpu.memory_space<vmem>>, vector<16xf32>,
    %swap3A_101 = arith.constant 176 : index
    %swap3A_102 = tpu.vector_load %arg13[%swap3A_101] {strides = array<i32>} : memref<192xf32, #tpu.memory_space<vmem>>, vector<16xf32>,
    tpu.vector_store %arg13[%swap3A_101], %scan3A_77#11 {strides = array<i32>} : memref<192xf32, #tpu.memory_space<vmem>>, vector<16xf32>,
    %scan3A_103 = arith.constant 0 : i32
    %scan3A_104 = arith.constant 0 : i32
    %scan3A_105 = arith.constant 6 : i32
    %scan3A_106 = arith.addi %scan3A_104, %scan3A_105 : i32
    %scan3A_107 = arith.constant 1 : i32
    scf.for %scan3A_194 = %scan3A_104 to %scan3A_106 step %scan3A_107  : i32 {
      %mul3A_195 = arith.constant 16 : i32
      %mul3A_196 = arith.muli %mul3A_195, %scan3A_194 : i32
      %get3A = arith.index_cast %mul3A_196 : i32 to index
      %get3A_197 = tpu.vector_load %arg16[%get3A] {strides = array<i32>} : memref<96xi32, #tpu.memory_space<vmem>>, vector<16xi32>,
      %eq3A_198 = arith.constant 0 : i32
      %eq3A_199 = vector.broadcast %eq3A_198 : i32 to vector<16xi32>
      %eq3A_200 = arith.cmpi eq, %iota3A, %eq3A_199 : vector<16xi32>
      tpu.vector_store_idx %arg17[%get3A_197], %broadcast_in_dim3A_4 masked %eq3A_200 {add = true} : memref<96xi32, #tpu.memory_space<vmem>>[vector<16xi32>], vector<16xi32>, vector<16xi1>
      %eq3A_201 = arith.constant 1 : i32
      %eq3A_202 = vector.broadcast %eq3A_201 : i32 to vector<16xi32>
      %eq3A_203 = arith.cmpi eq, %iota3A, %eq3A_202 : vector<16xi32>
      tpu.vector_store_idx %arg17[%get3A_197], %broadcast_in_dim3A_4 masked %eq3A_203 {add = true} : memref<96xi32, #tpu.memory_space<vmem>>[vector<16xi32>], vector<16xi32>, vector<16xi1>
      %eq3A_204 = arith.constant 2 : i32
      %eq3A_205 = vector.broadcast %eq3A_204 : i32 to vector<16xi32>
      %eq3A_206 = arith.cmpi eq, %iota3A, %eq3A_205 : vector<16xi32>
      tpu.vector_store_idx %arg17[%get3A_197], %broadcast_in_dim3A_4 masked %eq3A_206 {add = true} : memref<96xi32, #tpu.memory_space<vmem>>[vector<16xi32>], vector<16xi32>, vector<16xi1>
      %eq3A_207 = arith.constant 3 : i32
      %eq3A_208 = vector.broadcast %eq3A_207 : i32 to vector<16xi32>
      %eq3A_209 = arith.cmpi eq, %iota3A, %eq3A_208 : vector<16xi32>
      tpu.vector_store_idx %arg17[%get3A_197], %broadcast_in_dim3A_4 masked %eq3A_209 {add = true} : memref<96xi32, #tpu.memory_space<vmem>>[vector<16xi32>], vector<16xi32>, vector<16xi1>
      %eq3A_210 = arith.constant 4 : i32
      %eq3A_211 = vector.broadcast %eq3A_210 : i32 to vector<16xi32>
      %eq3A_212 = arith.cmpi eq, %iota3A, %eq3A_211 : vector<16xi32>
      tpu.vector_store_idx %arg17[%get3A_197], %broadcast_in_dim3A_4 masked %eq3A_212 {add = true} : memref<96xi32, #tpu.memory_space<vmem>>[vector<16xi32>], vector<16xi32>, vector<16xi1>
      %eq3A_213 = arith.constant 5 : i32
      %eq3A_214 = vector.broadcast %eq3A_213 : i32 to vector<16xi32>
      %eq3A_215 = arith.cmpi eq, %iota3A, %eq3A_214 : vector<16xi32>
      tpu.vector_store_idx %arg17[%get3A_197], %broadcast_in_dim3A_4 masked %eq3A_215 {add = true} : memref<96xi32, #tpu.memory_space<vmem>>[vector<16xi32>], vector<16xi32>, vector<16xi1>
      %eq3A_216 = arith.constant 6 : i32
      %eq3A_217 = vector.broadcast %eq3A_216 : i32 to vector<16xi32>
      %eq3A_218 = arith.cmpi eq, %iota3A, %eq3A_217 : vector<16xi32>
      tpu.vector_store_idx %arg17[%get3A_197], %broadcast_in_dim3A_4 masked %eq3A_218 {add = true} : memref<96xi32, #tpu.memory_space<vmem>>[vector<16xi32>], vector<16xi32>, vector<16xi1>
      %eq3A_219 = arith.constant 7 : i32
      %eq3A_220 = vector.broadcast %eq3A_219 : i32 to vector<16xi32>
      %eq3A_221 = arith.cmpi eq, %iota3A, %eq3A_220 : vector<16xi32>
      tpu.vector_store_idx %arg17[%get3A_197], %broadcast_in_dim3A_4 masked %eq3A_221 {add = true} : memref<96xi32, #tpu.memory_space<vmem>>[vector<16xi32>], vector<16xi32>, vector<16xi1>
      %eq3A_222 = arith.constant 8 : i32
      %eq3A_223 = vector.broadcast %eq3A_222 : i32 to vector<16xi32>
      %eq3A_224 = arith.cmpi eq, %iota3A, %eq3A_223 : vector<16xi32>
      tpu.vector_store_idx %arg17[%get3A_197], %broadcast_in_dim3A_4 masked %eq3A_224 {add = true} : memref<96xi32, #tpu.memory_space<vmem>>[vector<16xi32>], vector<16xi32>, vector<16xi1>
      %eq3A_225 = arith.constant 9 : i32
      %eq3A_226 = vector.broadcast %eq3A_225 : i32 to vector<16xi32>
      %eq3A_227 = arith.cmpi eq, %iota3A, %eq3A_226 : vector<16xi32>
      tpu.vector_store_idx %arg17[%get3A_197], %broadcast_in_dim3A_4 masked %eq3A_227 {add = true} : memref<96xi32, #tpu.memory_space<vmem>>[vector<16xi32>], vector<16xi32>, vector<16xi1>
      %eq3A_228 = arith.constant 10 : i32
      %eq3A_229 = vector.broadcast %eq3A_228 : i32 to vector<16xi32>
      %eq3A_230 = arith.cmpi eq, %iota3A, %eq3A_229 : vector<16xi32>
      tpu.vector_store_idx %arg17[%get3A_197], %broadcast_in_dim3A_4 masked %eq3A_230 {add = true} : memref<96xi32, #tpu.memory_space<vmem>>[vector<16xi32>], vector<16xi32>, vector<16xi1>
      %eq3A_231 = arith.constant 11 : i32
      %eq3A_232 = vector.broadcast %eq3A_231 : i32 to vector<16xi32>
      %eq3A_233 = arith.cmpi eq, %iota3A, %eq3A_232 : vector<16xi32>
      tpu.vector_store_idx %arg17[%get3A_197], %broadcast_in_dim3A_4 masked %eq3A_233 {add = true} : memref<96xi32, #tpu.memory_space<vmem>>[vector<16xi32>], vector<16xi32>, vector<16xi1>
      %eq3A_234 = arith.constant 12 : i32
      %eq3A_235 = vector.broadcast %eq3A_234 : i32 to vector<16xi32>
      %eq3A_236 = arith.cmpi eq, %iota3A, %eq3A_235 : vector<16xi32>
      tpu.vector_store_idx %arg17[%get3A_197], %broadcast_in_dim3A_4 masked %eq3A_236 {add = true} : memref<96xi32, #tpu.memory_space<vmem>>[vector<16xi32>], vector<16xi32>, vector<16xi1>
      %eq3A_237 = arith.constant 13 : i32
      %eq3A_238 = vector.broadcast %eq3A_237 : i32 to vector<16xi32>
      %eq3A_239 = arith.cmpi eq, %iota3A, %eq3A_238 : vector<16xi32>
      tpu.vector_store_idx %arg17[%get3A_197], %broadcast_in_dim3A_4 masked %eq3A_239 {add = true} : memref<96xi32, #tpu.memory_space<vmem>>[vector<16xi32>], vector<16xi32>, vector<16xi1>
      %eq3A_240 = arith.constant 14 : i32
      %eq3A_241 = vector.broadcast %eq3A_240 : i32 to vector<16xi32>
      %eq3A_242 = arith.cmpi eq, %iota3A, %eq3A_241 : vector<16xi32>
      tpu.vector_store_idx %arg17[%get3A_197], %broadcast_in_dim3A_4 masked %eq3A_242 {add = true} : memref<96xi32, #tpu.memory_space<vmem>>[vector<16xi32>], vector<16xi32>, vector<16xi1>
      %eq3A_243 = arith.constant 15 : i32
      %eq3A_244 = vector.broadcast %eq3A_243 : i32 to vector<16xi32>
      %eq3A_245 = arith.cmpi eq, %iota3A, %eq3A_244 : vector<16xi32>
      tpu.vector_store_idx %arg17[%get3A_197], %broadcast_in_dim3A_4 masked %eq3A_245 {add = true} : memref<96xi32, #tpu.memory_space<vmem>>[vector<16xi32>], vector<16xi32>, vector<16xi1>
    }
    %scan3A_108 = arith.constant 6 : i32
    %mul3A_109 = arith.constant 32 : i32
    %mul3A_110 = arith.muli %min3A_6, %mul3A_109 : i32
    %mul3A_111 = arith.constant 96 : i32
    %mul3A_112 = arith.muli %arg1, %mul3A_111 : i32
    %dma_start3A_113 = tpu.memref_slice %arg33[%mul3A_110] : memref<3072xf32, #tpu.memory_space<vmem_shared>> -> memref<192xf32, #tpu.memory_space<vmem_shared>>
    %dma_start3A_114 = tpu.memref_slice %arg33[%mul3A_110] : memref<3072xf32, #tpu.memory_space<vmem_shared>> -> memref<192xf32, #tpu.memory_space<vmem_shared>>
    tpu.enqueue_dma source(%arg13 : memref<192xf32, #tpu.memory_space<vmem>>) target(%dma_start3A_114 : memref<192xf32, #tpu.memory_space<vmem_shared>>) target_semaphore(%arg31 : memref<!tpu.dma_semaphore, #tpu.memory_space<semaphore_mem>>)
    %dma_start3A_115 = tpu.memref_slice %arg34[%mul3A_112] : memref<1536xi32, #tpu.memory_space<vmem_shared>> -> memref<96xi32, #tpu.memory_space<vmem_shared>>
    %dma_start3A_116 = tpu.memref_slice %arg34[%mul3A_112] : memref<1536xi32, #tpu.memory_space<vmem_shared>> -> memref<96xi32, #tpu.memory_space<vmem_shared>>
    tpu.enqueue_dma source(%arg17 : memref<96xi32, #tpu.memory_space<vmem>>) target(%dma_start3A_116 : memref<96xi32, #tpu.memory_space<vmem_shared>>) target_semaphore(%arg31 : memref<!tpu.dma_semaphore, #tpu.memory_space<semaphore_mem>>)
    %dma_wait3A_117 = tpu.memref_slice %arg33[%mul3A_110] : memref<3072xf32, #tpu.memory_space<vmem_shared>> -> memref<192xf32, #tpu.memory_space<vmem_shared>>
    %dma_wait3A_118 = tpu.memref_slice %arg33[%mul3A_110] : memref<3072xf32, #tpu.memory_space<vmem_shared>> -> memref<192xf32, #tpu.memory_space<vmem_shared>>
    tpu.wait_dma2 semaphore(%arg31 : memref<!tpu.dma_semaphore, #tpu.memory_space<semaphore_mem>>) src(%arg13 : memref<192xf32, #tpu.memory_space<vmem>>) dst(%dma_wait3A_118 : memref<192xf32, #tpu.memory_space<vmem_shared>>)
    %dma_wait3A_119 = tpu.memref_slice %arg34[%mul3A_112] : memref<1536xi32, #tpu.memory_space<vmem_shared>> -> memref<96xi32, #tpu.memory_space<vmem_shared>>
    %dma_wait3A_120 = tpu.memref_slice %arg34[%mul3A_112] : memref<1536xi32, #tpu.memory_space<vmem_shared>> -> memref<96xi32, #tpu.memory_space<vmem_shared>>
    tpu.wait_dma2 semaphore(%arg31 : memref<!tpu.dma_semaphore, #tpu.memory_space<semaphore_mem>>) src(%arg17 : memref<96xi32, #tpu.memory_space<vmem>>) dst(%dma_wait3A_120 : memref<96xi32, #tpu.memory_space<vmem_shared>>)
    %barrier3A = arith.constant 0 : index
    tpu.barrier barrier_id(%barrier3A)
    tpu.enqueue_dma source(%arg33 : memref<3072xf32, #tpu.memory_space<vmem_shared>>) target(%arg14 : memref<3072xf32, #tpu.memory_space<vmem>>) target_semaphore(%arg31 : memref<!tpu.dma_semaphore, #tpu.memory_space<semaphore_mem>>)
    tpu.enqueue_dma source(%arg34 : memref<1536xi32, #tpu.memory_space<vmem_shared>>) target(%arg18 : memref<1536xi32, #tpu.memory_space<vmem>>) target_semaphore(%arg31 : memref<!tpu.dma_semaphore, #tpu.memory_space<semaphore_mem>>)
    tpu.wait_dma2 semaphore(%arg31 : memref<!tpu.dma_semaphore, #tpu.memory_space<semaphore_mem>>) src(%arg33 : memref<3072xf32, #tpu.memory_space<vmem_shared>>) dst(%arg14 : memref<3072xf32, #tpu.memory_space<vmem>>)
    tpu.wait_dma2 semaphore(%arg31 : memref<!tpu.dma_semaphore, #tpu.memory_space<semaphore_mem>>) src(%arg34 : memref<1536xi32, #tpu.memory_space<vmem_shared>>) dst(%arg18 : memref<1536xi32, #tpu.memory_space<vmem>>)
    tpu.wait_dma2 semaphore(%arg32 : memref<!tpu.dma_semaphore, #tpu.memory_space<semaphore_mem>>) src(%arg8 : memref<1536xf32, #tpu.memory_space<hbm>>) dst(%arg20 : memref<1536xf32, #tpu.memory_space<vmem>>)
    %dma_wait3A_121 = arith.constant 0 : i32
    %dma_wait3A_122 = tpu.memref_slice %arg24[%dma_wait3A_121] : memref<32xf32, #tpu.memory_space<vmem>> -> memref<20xf32, #tpu.memory_space<vmem>>
    %dma_wait3A_123 = arith.constant 0 : i32
    %dma_wait3A_124 = tpu.memref_slice %arg24[%dma_wait3A_123] : memref<32xf32, #tpu.memory_space<vmem>> -> memref<20xf32, #tpu.memory_space<vmem>>
    tpu.wait_dma2 semaphore(%arg32 : memref<!tpu.dma_semaphore, #tpu.memory_space<semaphore_mem>>) src(%arg5 : memref<20xf32, #tpu.memory_space<hbm>>) dst(%dma_wait3A_124 : memref<20xf32, #tpu.memory_space<vmem>>)
    %dma_wait3A_125 = arith.constant 0 : i32
    %dma_wait3A_126 = tpu.memref_slice %arg26[%dma_wait3A_125] : memref<272xf32, #tpu.memory_space<vmem>> -> memref<119xf32, #tpu.memory_space<vmem>>
    %dma_wait3A_127 = arith.constant 0 : i32
    %dma_wait3A_128 = tpu.memref_slice %arg26[%dma_wait3A_127] : memref<272xf32, #tpu.memory_space<vmem>> -> memref<119xf32, #tpu.memory_space<vmem>>
    tpu.wait_dma2 semaphore(%arg32 : memref<!tpu.dma_semaphore, #tpu.memory_space<semaphore_mem>>) src(%arg6 : memref<119xf32, #tpu.memory_space<hbm>>) dst(%dma_wait3A_128 : memref<119xf32, #tpu.memory_space<vmem>>)
    %dma_wait3A_129 = arith.constant 0 : i32
    %dma_wait3A_130 = tpu.memref_slice %arg28[%dma_wait3A_129] : memref<16xf32, #tpu.memory_space<vmem>> -> memref<7xf32, #tpu.memory_space<vmem>>
    %dma_wait3A_131 = arith.constant 0 : i32
    %dma_wait3A_132 = tpu.memref_slice %arg28[%dma_wait3A_131] : memref<16xf32, #tpu.memory_space<vmem>> -> memref<7xf32, #tpu.memory_space<vmem>>
    tpu.wait_dma2 semaphore(%arg32 : memref<!tpu.dma_semaphore, #tpu.memory_space<semaphore_mem>>) src(%arg7 : memref<7xf32, #tpu.memory_space<hbm>>) dst(%dma_wait3A_132 : memref<7xf32, #tpu.memory_space<vmem>>)
    %dma_wait3A_133 = tpu.memref_slice %arg9[%mul3A_17] : memref<3584xi32, #tpu.memory_space<hbm>> -> memref<224xi32, #tpu.memory_space<hbm>>
    %dma_wait3A_134 = tpu.memref_slice %arg9[%mul3A_17] : memref<3584xi32, #tpu.memory_space<hbm>> -> memref<224xi32, #tpu.memory_space<hbm>>
    tpu.wait_dma2 semaphore(%arg32 : memref<!tpu.dma_semaphore, #tpu.memory_space<semaphore_mem>>) src(%dma_wait3A_134 : memref<224xi32, #tpu.memory_space<hbm>>) dst(%arg29 : memref<224xi32, #tpu.memory_space<vmem>>)
    %mul3A_135 = arith.constant 17 : i32
    %mul3A_136 = vector.broadcast %mul3A_135 : i32 to vector<16xi32>
    %mul3A_137 = arith.muli %iota3A, %mul3A_136 : vector<16xi32>
    %scan3A_138 = arith.constant 0 : i32
    %scan3A_139 = arith.constant 0 : i32
    %scan3A_140 = arith.constant 17 : i32
    %scan3A_141 = arith.addi %scan3A_139, %scan3A_140 : i32
    %scan3A_142 = arith.constant 1 : i32
    scf.for %scan3A_194 = %scan3A_139 to %scan3A_141 step %scan3A_142  : i32 {
      %add3A_195 = vector.broadcast %scan3A_194 : i32 to vector<16xi32>
      %add3A_196 = arith.addi %mul3A_137, %add3A_195 : vector<16xi32>
      %gather3A = tpu.vector_load_idx %arg26[%add3A_196] : memref<272xf32, #tpu.memory_space<vmem>>[vector<16xi32>], vector<16xf32>,
      %mul3A_197 = arith.constant 16 : i32
      %mul3A_198 = arith.muli %mul3A_197, %scan3A_194 : i32
      %swap3A_199 = arith.index_cast %mul3A_198 : i32 to index
      %swap3A_200 = tpu.vector_load %arg27[%swap3A_199] {strides = array<i32>} : memref<272xf32, #tpu.memory_space<vmem>>, vector<16xf32>,
      tpu.vector_store %arg27[%swap3A_199], %gather3A {strides = array<i32>} : memref<272xf32, #tpu.memory_space<vmem>>, vector<16xf32>,
    }
    %scan3A_143 = arith.constant 17 : i32
    %scan3A_144 = arith.constant 0 : i32
    %scan3A_145 = arith.constant 0 : i32
    %scan3A_146 = arith.constant 6 : i32
    %scan3A_147 = arith.addi %scan3A_145, %scan3A_146 : i32
    %scan3A_148 = arith.constant 1 : i32
    scf.for %scan3A_194 = %scan3A_145 to %scan3A_147 step %scan3A_148  : i32 {
      %mul3A_195 = arith.constant 16 : i32
      %mul3A_196 = arith.muli %mul3A_195, %scan3A_194 : i32
      %get3A = arith.index_cast %mul3A_196 : i32 to index
      %get3A_197 = tpu.vector_load %arg18[%get3A] {strides = array<i32>} : memref<1536xi32, #tpu.memory_space<vmem>>, vector<16xi32>,
      %mul3A_198 = arith.constant 16 : i32
      %mul3A_199 = arith.muli %mul3A_198, %scan3A_194 : i32
      %add3A_200 = arith.constant 96 : i32
      %add3A_201 = arith.addi %add3A_200, %mul3A_199 : i32
      %get3A_202 = arith.index_cast %add3A_201 : i32 to index
      %get3A_203 = tpu.vector_load %arg18[%get3A_202] {strides = array<i32>} : memref<1536xi32, #tpu.memory_space<vmem>>, vector<16xi32>,
      %add3A_204 = arith.addi %get3A_197, %get3A_203 : vector<16xi32>
      %mul3A_205 = arith.constant 16 : i32
      %mul3A_206 = arith.muli %mul3A_205, %scan3A_194 : i32
      %add3A_207 = arith.constant 192 : i32
      %add3A_208 = arith.addi %add3A_207, %mul3A_206 : i32
      %get3A_209 = arith.index_cast %add3A_208 : i32 to index
      %get3A_210 = tpu.vector_load %arg18[%get3A_209] {strides = array<i32>} : memref<1536xi32, #tpu.memory_space<vmem>>, vector<16xi32>,
      %add3A_211 = arith.addi %add3A_204, %get3A_210 : vector<16xi32>
      %mul3A_212 = arith.constant 16 : i32
      %mul3A_213 = arith.muli %mul3A_212, %scan3A_194 : i32
      %add3A_214 = arith.constant 288 : i32
      %add3A_215 = arith.addi %add3A_214, %mul3A_213 : i32
      %get3A_216 = arith.index_cast %add3A_215 : i32 to index
      %get3A_217 = tpu.vector_load %arg18[%get3A_216] {strides = array<i32>} : memref<1536xi32, #tpu.memory_space<vmem>>, vector<16xi32>,
      %add3A_218 = arith.addi %add3A_211, %get3A_217 : vector<16xi32>
      %mul3A_219 = arith.constant 16 : i32
      %mul3A_220 = arith.muli %mul3A_219, %scan3A_194 : i32
      %add3A_221 = arith.constant 384 : i32
      %add3A_222 = arith.addi %add3A_221, %mul3A_220 : i32
      %get3A_223 = arith.index_cast %add3A_222 : i32 to index
      %get3A_224 = tpu.vector_load %arg18[%get3A_223] {strides = array<i32>} : memref<1536xi32, #tpu.memory_space<vmem>>, vector<16xi32>,
      %add3A_225 = arith.addi %add3A_218, %get3A_224 : vector<16xi32>
      %mul3A_226 = arith.constant 16 : i32
      %mul3A_227 = arith.muli %mul3A_226, %scan3A_194 : i32
      %add3A_228 = arith.constant 480 : i32
      %add3A_229 = arith.addi %add3A_228, %mul3A_227 : i32
      %get3A_230 = arith.index_cast %add3A_229 : i32 to index
      %get3A_231 = tpu.vector_load %arg18[%get3A_230] {strides = array<i32>} : memref<1536xi32, #tpu.memory_space<vmem>>, vector<16xi32>,
      %add3A_232 = arith.addi %add3A_225, %get3A_231 : vector<16xi32>
      %mul3A_233 = arith.constant 16 : i32
      %mul3A_234 = arith.muli %mul3A_233, %scan3A_194 : i32
      %add3A_235 = arith.constant 576 : i32
      %add3A_236 = arith.addi %add3A_235, %mul3A_234 : i32
      %get3A_237 = arith.index_cast %add3A_236 : i32 to index
      %get3A_238 = tpu.vector_load %arg18[%get3A_237] {strides = array<i32>} : memref<1536xi32, #tpu.memory_space<vmem>>, vector<16xi32>,
      %add3A_239 = arith.addi %add3A_232, %get3A_238 : vector<16xi32>
      %mul3A_240 = arith.constant 16 : i32
      %mul3A_241 = arith.muli %mul3A_240, %scan3A_194 : i32
      %add3A_242 = arith.constant 672 : i32
      %add3A_243 = arith.addi %add3A_242, %mul3A_241 : i32
      %get3A_244 = arith.index_cast %add3A_243 : i32 to index
      %get3A_245 = tpu.vector_load %arg18[%get3A_244] {strides = array<i32>} : memref<1536xi32, #tpu.memory_space<vmem>>, vector<16xi32>,
      %add3A_246 = arith.addi %add3A_239, %get3A_245 : vector<16xi32>
      %mul3A_247 = arith.constant 16 : i32
      %mul3A_248 = arith.muli %mul3A_247, %scan3A_194 : i32
      %add3A_249 = arith.constant 768 : i32
      %add3A_250 = arith.addi %add3A_249, %mul3A_248 : i32
      %get3A_251 = arith.index_cast %add3A_250 : i32 to index
      %get3A_252 = tpu.vector_load %arg18[%get3A_251] {strides = array<i32>} : memref<1536xi32, #tpu.memory_space<vmem>>, vector<16xi32>,
      %add3A_253 = arith.addi %add3A_246, %get3A_252 : vector<16xi32>
      %mul3A_254 = arith.constant 16 : i32
      %mul3A_255 = arith.muli %mul3A_254, %scan3A_194 : i32
      %add3A_256 = arith.constant 864 : i32
      %add3A_257 = arith.addi %add3A_256, %mul3A_255 : i32
      %get3A_258 = arith.index_cast %add3A_257 : i32 to index
      %get3A_259 = tpu.vector_load %arg18[%get3A_258] {strides = array<i32>} : memref<1536xi32, #tpu.memory_space<vmem>>, vector<16xi32>,
      %add3A_260 = arith.addi %add3A_253, %get3A_259 : vector<16xi32>
      %mul3A_261 = arith.constant 16 : i32
      %mul3A_262 = arith.muli %mul3A_261, %scan3A_194 : i32
      %add3A_263 = arith.constant 960 : i32
      %add3A_264 = arith.addi %add3A_263, %mul3A_262 : i32
      %get3A_265 = arith.index_cast %add3A_264 : i32 to index
      %get3A_266 = tpu.vector_load %arg18[%get3A_265] {strides = array<i32>} : memref<1536xi32, #tpu.memory_space<vmem>>, vector<16xi32>,
      %add3A_267 = arith.addi %add3A_260, %get3A_266 : vector<16xi32>
      %mul3A_268 = arith.constant 16 : i32
      %mul3A_269 = arith.muli %mul3A_268, %scan3A_194 : i32
      %add3A_270 = arith.constant 1056 : i32
      %add3A_271 = arith.addi %add3A_270, %mul3A_269 : i32
      %get3A_272 = arith.index_cast %add3A_271 : i32 to index
      %get3A_273 = tpu.vector_load %arg18[%get3A_272] {strides = array<i32>} : memref<1536xi32, #tpu.memory_space<vmem>>, vector<16xi32>,
      %add3A_274 = arith.addi %add3A_267, %get3A_273 : vector<16xi32>
      %mul3A_275 = arith.constant 16 : i32
      %mul3A_276 = arith.muli %mul3A_275, %scan3A_194 : i32
      %add3A_277 = arith.constant 1152 : i32
      %add3A_278 = arith.addi %add3A_277, %mul3A_276 : i32
      %get3A_279 = arith.index_cast %add3A_278 : i32 to index
      %get3A_280 = tpu.vector_load %arg18[%get3A_279] {strides = array<i32>} : memref<1536xi32, #tpu.memory_space<vmem>>, vector<16xi32>,
      %add3A_281 = arith.addi %add3A_274, %get3A_280 : vector<16xi32>
      %mul3A_282 = arith.constant 16 : i32
      %mul3A_283 = arith.muli %mul3A_282, %scan3A_194 : i32
      %add3A_284 = arith.constant 1248 : i32
      %add3A_285 = arith.addi %add3A_284, %mul3A_283 : i32
      %get3A_286 = arith.index_cast %add3A_285 : i32 to index
      %get3A_287 = tpu.vector_load %arg18[%get3A_286] {strides = array<i32>} : memref<1536xi32, #tpu.memory_space<vmem>>, vector<16xi32>,
      %add3A_288 = arith.addi %add3A_281, %get3A_287 : vector<16xi32>
      %mul3A_289 = arith.constant 16 : i32
      %mul3A_290 = arith.muli %mul3A_289, %scan3A_194 : i32
      %add3A_291 = arith.constant 1344 : i32
      %add3A_292 = arith.addi %add3A_291, %mul3A_290 : i32
      %get3A_293 = arith.index_cast %add3A_292 : i32 to index
      %get3A_294 = tpu.vector_load %arg18[%get3A_293] {strides = array<i32>} : memref<1536xi32, #tpu.memory_space<vmem>>, vector<16xi32>,
      %add3A_295 = arith.addi %add3A_288, %get3A_294 : vector<16xi32>
      %mul3A_296 = arith.constant 16 : i32
      %mul3A_297 = arith.muli %mul3A_296, %scan3A_194 : i32
      %add3A_298 = arith.constant 1440 : i32
      %add3A_299 = arith.addi %add3A_298, %mul3A_297 : i32
      %get3A_300 = arith.index_cast %add3A_299 : i32 to index
      %get3A_301 = tpu.vector_load %arg18[%get3A_300] {strides = array<i32>} : memref<1536xi32, #tpu.memory_space<vmem>>, vector<16xi32>,
      %add3A_302 = arith.addi %add3A_295, %get3A_301 : vector<16xi32>
      %sub3A = arith.constant 1 : i32
      %sub3A_303 = vector.broadcast %sub3A : i32 to vector<16xi32>
      %sub3A_304 = arith.subi %add3A_302, %sub3A_303 : vector<16xi32>
      %max3A = arith.constant 0 : i32
      %max3A_305 = vector.broadcast %max3A : i32 to vector<16xi32>
      %max3A_306 = arith.maxsi %sub3A_304, %max3A_305 : vector<16xi32>
      %gather3A = tpu.vector_load_idx %arg20[%max3A_306] : memref<1536xf32, #tpu.memory_space<vmem>>[vector<16xi32>], vector<16xf32>,
      %mul3A_307 = arith.constant 16 : i32
      %mul3A_308 = arith.muli %mul3A_307, %scan3A_194 : i32
      %swap3A_309 = arith.index_cast %mul3A_308 : i32 to index
      %swap3A_310 = tpu.vector_load %arg19[%swap3A_309] {strides = array<i32>} : memref<96xf32, #tpu.memory_space<vmem>>, vector<16xf32>,
      tpu.vector_store %arg19[%swap3A_309], %gather3A {strides = array<i32>} : memref<96xf32, #tpu.memory_space<vmem>>, vector<16xf32>,
    }
    %scan3A_149 = arith.constant 6 : i32
    %scan3A_150 = arith.constant 0 : i32
    %scan3A_151 = arith.constant 0 : i32
    %scan3A_152 = arith.constant 6 : i32
    %scan3A_153 = arith.addi %scan3A_151, %scan3A_152 : i32
    %scan3A_154 = arith.constant 1 : i32
    scf.for %scan3A_194 = %scan3A_151 to %scan3A_153 step %scan3A_154  : i32 {
      %mul3A_195 = arith.constant 16 : i32
      %mul3A_196 = arith.muli %mul3A_195, %scan3A_194 : i32
      %get3A = arith.index_cast %mul3A_196 : i32 to index
      %get3A_197 = tpu.vector_load %arg15[%get3A] {strides = array<i32>} : memref<96xi32, #tpu.memory_space<vmem>>, vector<16xi32>,
      %mul3A_198 = arith.constant 16 : i32
      %mul3A_199 = arith.muli %mul3A_198, %scan3A_194 : i32
      %get3A_200 = arith.index_cast %mul3A_199 : i32 to index
      %get3A_201 = tpu.vector_load %arg16[%get3A_200] {strides = array<i32>} : memref<96xi32, #tpu.memory_space<vmem>>, vector<16xi32>,
      %gather3A = tpu.vector_load_idx %arg19[%get3A_197] : memref<96xf32, #tpu.memory_space<vmem>>[vector<16xi32>], vector<16xf32>,
      %gather3A_202 = tpu.vector_load_idx %arg19[%get3A_201] : memref<96xf32, #tpu.memory_space<vmem>>[vector<16xi32>], vector<16xf32>,
      %mul3A_203 = arith.mulf %gather3A, %gather3A_202 : vector<16xf32>
      %slice3A = vector.extract_strided_slice %get3A_197 {offsets = [0], sizes = [1], strides = [1]} : vector<16xi32> to vector<1xi32>
      %squeeze3A = vector.extract %slice3A[0] : i32 from vector<1xi32>
      %slice3A_204 = vector.extract_strided_slice %get3A_201 {offsets = [0], sizes = [1], strides = [1]} : vector<16xi32> to vector<1xi32>
      %squeeze3A_205 = vector.extract %slice3A_204[0] : i32 from vector<1xi32>
      %slice3A_206 = vector.extract_strided_slice %mul3A_203 {offsets = [0], sizes = [1], strides = [1]} : vector<16xf32> to vector<1xf32>
      %squeeze3A_207 = vector.extract %slice3A_206[0] : f32 from vector<1xf32>
      %mul3A_208 = arith.constant 32 : i32
      %mul3A_209 = arith.muli %squeeze3A, %mul3A_208 : i32
      %get3A_210 = arith.index_cast %mul3A_209 : i32 to index
      %get3A_211 = tpu.vector_load %arg14[%get3A_210] {strides = array<i32>} : memref<3072xf32, #tpu.memory_space<vmem>>, vector<16xf32>,
      %mul3A_212 = vector.broadcast %squeeze3A_207 : f32 to vector<16xf32>
      %mul3A_213 = arith.mulf %mul3A_212, %get3A_211 : vector<16xf32>
      %mul3A_214 = arith.constant 32 : i32
      %mul3A_215 = arith.muli %squeeze3A, %mul3A_214 : i32
      %add3A_216 = arith.constant 16 : i32
      %add3A_217 = arith.addi %mul3A_215, %add3A_216 : i32
      %get3A_218 = arith.index_cast %add3A_217 : i32 to index
      %get3A_219 = tpu.vector_load %arg14[%get3A_218] {strides = array<i32>} : memref<3072xf32, #tpu.memory_space<vmem>>, vector<16xf32>,
      %mul3A_220 = vector.broadcast %squeeze3A_207 : f32 to vector<16xf32>
      %mul3A_221 = arith.mulf %mul3A_220, %get3A_219 : vector<16xf32>
      %mul3A_222 = arith.constant 32 : i32
      %mul3A_223 = arith.muli %squeeze3A_205, %mul3A_222 : i32
      %get3A_224 = arith.index_cast %mul3A_223 : i32 to index
      %get3A_225 = tpu.vector_load %arg21[%get3A_224] {strides = array<i32>} : memref<3072xf32, #tpu.memory_space<vmem>>, vector<16xf32>,
      %add3A_226 = arith.addf %get3A_225, %mul3A_213 : vector<16xf32>
      %mul3A_227 = arith.constant 32 : i32
      %mul3A_228 = arith.muli %squeeze3A_205, %mul3A_227 : i32
      %swap3A_229 = arith.index_cast %mul3A_228 : i32 to index
      %swap3A_230 = tpu.vector_load %arg21[%swap3A_229] {strides = array<i32>} : memref<3072xf32, #tpu.memory_space<vmem>>, vector<16xf32>,
      tpu.vector_store %arg21[%swap3A_229], %add3A_226 {strides = array<i32>} : memref<3072xf32, #tpu.memory_space<vmem>>, vector<16xf32>,
      %mul3A_231 = arith.constant 32 : i32
      %mul3A_232 = arith.muli %squeeze3A_205, %mul3A_231 : i32
      %add3A_233 = arith.constant 16 : i32
      %add3A_234 = arith.addi %mul3A_232, %add3A_233 : i32
      %get3A_235 = arith.index_cast %add3A_234 : i32 to index
      %get3A_236 = tpu.vector_load %arg21[%get3A_235] {strides = array<i32>} : memref<3072xf32, #tpu.memory_space<vmem>>, vector<16xf32>,
      %add3A_237 = arith.addf %get3A_236, %mul3A_221 : vector<16xf32>
      %mul3A_238 = arith.constant 32 : i32
      %mul3A_239 = arith.muli %squeeze3A_205, %mul3A_238 : i32
      %add3A_240 = arith.constant 16 : i32
      %add3A_241 = arith.addi %mul3A_239, %add3A_240 : i32
      %swap3A_242 = arith.index_cast %add3A_241 : i32 to index
      %swap3A_243 = tpu.vector_load %arg21[%swap3A_242] {strides = array<i32>} : memref<3072xf32, #tpu.memory_space<vmem>>, vector<16xf32>,
      tpu.vector_store %arg21[%swap3A_242], %add3A_237 {strides = array<i32>} : memref<3072xf32, #tpu.memory_space<vmem>>, vector<16xf32>,
      %slice3A_244 = vector.extract_strided_slice %get3A_197 {offsets = [1], sizes = [1], strides = [1]} : vector<16xi32> to vector<1xi32>
      %squeeze3A_245 = vector.extract %slice3A_244[0] : i32 from vector<1xi32>
      %slice3A_246 = vector.extract_strided_slice %get3A_201 {offsets = [1], sizes = [1], strides = [1]} : vector<16xi32> to vector<1xi32>
      %squeeze3A_247 = vector.extract %slice3A_246[0] : i32 from vector<1xi32>
      %slice3A_248 = vector.extract_strided_slice %mul3A_203 {offsets = [1], sizes = [1], strides = [1]} : vector<16xf32> to vector<1xf32>
      %squeeze3A_249 = vector.extract %slice3A_248[0] : f32 from vector<1xf32>
      %mul3A_250 = arith.constant 32 : i32
      %mul3A_251 = arith.muli %squeeze3A_245, %mul3A_250 : i32
      %get3A_252 = arith.index_cast %mul3A_251 : i32 to index
      %get3A_253 = tpu.vector_load %arg14[%get3A_252] {strides = array<i32>} : memref<3072xf32, #tpu.memory_space<vmem>>, vector<16xf32>,
      %mul3A_254 = vector.broadcast %squeeze3A_249 : f32 to vector<16xf32>
      %mul3A_255 = arith.mulf %mul3A_254, %get3A_253 : vector<16xf32>
      %mul3A_256 = arith.constant 32 : i32
      %mul3A_257 = arith.muli %squeeze3A_245, %mul3A_256 : i32
      %add3A_258 = arith.constant 16 : i32
      %add3A_259 = arith.addi %mul3A_257, %add3A_258 : i32
      %get3A_260 = arith.index_cast %add3A_259 : i32 to index
      %get3A_261 = tpu.vector_load %arg14[%get3A_260] {strides = array<i32>} : memref<3072xf32, #tpu.memory_space<vmem>>, vector<16xf32>,
      %mul3A_262 = vector.broadcast %squeeze3A_249 : f32 to vector<16xf32>
      %mul3A_263 = arith.mulf %mul3A_262, %get3A_261 : vector<16xf32>
      %mul3A_264 = arith.constant 32 : i32
      %mul3A_265 = arith.muli %squeeze3A_247, %mul3A_264 : i32
      %get3A_266 = arith.index_cast %mul3A_265 : i32 to index
      %get3A_267 = tpu.vector_load %arg21[%get3A_266] {strides = array<i32>} : memref<3072xf32, #tpu.memory_space<vmem>>, vector<16xf32>,
      %add3A_268 = arith.addf %get3A_267, %mul3A_255 : vector<16xf32>
      %mul3A_269 = arith.constant 32 : i32
      %mul3A_270 = arith.muli %squeeze3A_247, %mul3A_269 : i32
      %swap3A_271 = arith.index_cast %mul3A_270 : i32 to index
      %swap3A_272 = tpu.vector_load %arg21[%swap3A_271] {strides = array<i32>} : memref<3072xf32, #tpu.memory_space<vmem>>, vector<16xf32>,
      tpu.vector_store %arg21[%swap3A_271], %add3A_268 {strides = array<i32>} : memref<3072xf32, #tpu.memory_space<vmem>>, vector<16xf32>,
      %mul3A_273 = arith.constant 32 : i32
      %mul3A_274 = arith.muli %squeeze3A_247, %mul3A_273 : i32
      %add3A_275 = arith.constant 16 : i32
      %add3A_276 = arith.addi %mul3A_274, %add3A_275 : i32
      %get3A_277 = arith.index_cast %add3A_276 : i32 to index
      %get3A_278 = tpu.vector_load %arg21[%get3A_277] {strides = array<i32>} : memref<3072xf32, #tpu.memory_space<vmem>>, vector<16xf32>,
      %add3A_279 = arith.addf %get3A_278, %mul3A_263 : vector<16xf32>
      %mul3A_280 = arith.constant 32 : i32
      %mul3A_281 = arith.muli %squeeze3A_247, %mul3A_280 : i32
      %add3A_282 = arith.constant 16 : i32
      %add3A_283 = arith.addi %mul3A_281, %add3A_282 : i32
      %swap3A_284 = arith.index_cast %add3A_283 : i32 to index
      %swap3A_285 = tpu.vector_load %arg21[%swap3A_284] {strides = array<i32>} : memref<3072xf32, #tpu.memory_space<vmem>>, vector<16xf32>,
      tpu.vector_store %arg21[%swap3A_284], %add3A_279 {strides = array<i32>} : memref<3072xf32, #tpu.memory_space<vmem>>, vector<16xf32>,
      %slice3A_286 = vector.extract_strided_slice %get3A_197 {offsets = [2], sizes = [1], strides = [1]} : vector<16xi32> to vector<1xi32>
      %squeeze3A_287 = vector.extract %slice3A_286[0] : i32 from vector<1xi32>
      %slice3A_288 = vector.extract_strided_slice %get3A_201 {offsets = [2], sizes = [1], strides = [1]} : vector<16xi32> to vector<1xi32>
      %squeeze3A_289 = vector.extract %slice3A_288[0] : i32 from vector<1xi32>
      %slice3A_290 = vector.extract_strided_slice %mul3A_203 {offsets = [2], sizes = [1], strides = [1]} : vector<16xf32> to vector<1xf32>
      %squeeze3A_291 = vector.extract %slice3A_290[0] : f32 from vector<1xf32>
      %mul3A_292 = arith.constant 32 : i32
      %mul3A_293 = arith.muli %squeeze3A_287, %mul3A_292 : i32
      %get3A_294 = arith.index_cast %mul3A_293 : i32 to index
      %get3A_295 = tpu.vector_load %arg14[%get3A_294] {strides = array<i32>} : memref<3072xf32, #tpu.memory_space<vmem>>, vector<16xf32>,
      %mul3A_296 = vector.broadcast %squeeze3A_291 : f32 to vector<16xf32>
      %mul3A_297 = arith.mulf %mul3A_296, %get3A_295 : vector<16xf32>
      %mul3A_298 = arith.constant 32 : i32
      %mul3A_299 = arith.muli %squeeze3A_287, %mul3A_298 : i32
      %add3A_300 = arith.constant 16 : i32
      %add3A_301 = arith.addi %mul3A_299, %add3A_300 : i32
      %get3A_302 = arith.index_cast %add3A_301 : i32 to index
      %get3A_303 = tpu.vector_load %arg14[%get3A_302] {strides = array<i32>} : memref<3072xf32, #tpu.memory_space<vmem>>, vector<16xf32>,
      %mul3A_304 = vector.broadcast %squeeze3A_291 : f32 to vector<16xf32>
      %mul3A_305 = arith.mulf %mul3A_304, %get3A_303 : vector<16xf32>
      %mul3A_306 = arith.constant 32 : i32
      %mul3A_307 = arith.muli %squeeze3A_289, %mul3A_306 : i32
      %get3A_308 = arith.index_cast %mul3A_307 : i32 to index
      %get3A_309 = tpu.vector_load %arg21[%get3A_308] {strides = array<i32>} : memref<3072xf32, #tpu.memory_space<vmem>>, vector<16xf32>,
      %add3A_310 = arith.addf %get3A_309, %mul3A_297 : vector<16xf32>
      %mul3A_311 = arith.constant 32 : i32
      %mul3A_312 = arith.muli %squeeze3A_289, %mul3A_311 : i32
      %swap3A_313 = arith.index_cast %mul3A_312 : i32 to index
      %swap3A_314 = tpu.vector_load %arg21[%swap3A_313] {strides = array<i32>} : memref<3072xf32, #tpu.memory_space<vmem>>, vector<16xf32>,
      tpu.vector_store %arg21[%swap3A_313], %add3A_310 {strides = array<i32>} : memref<3072xf32, #tpu.memory_space<vmem>>, vector<16xf32>,
      %mul3A_315 = arith.constant 32 : i32
      %mul3A_316 = arith.muli %squeeze3A_289, %mul3A_315 : i32
      %add3A_317 = arith.constant 16 : i32
      %add3A_318 = arith.addi %mul3A_316, %add3A_317 : i32
      %get3A_319 = arith.index_cast %add3A_318 : i32 to index
      %get3A_320 = tpu.vector_load %arg21[%get3A_319] {strides = array<i32>} : memref<3072xf32, #tpu.memory_space<vmem>>, vector<16xf32>,
      %add3A_321 = arith.addf %get3A_320, %mul3A_305 : vector<16xf32>
      %mul3A_322 = arith.constant 32 : i32
      %mul3A_323 = arith.muli %squeeze3A_289, %mul3A_322 : i32
      %add3A_324 = arith.constant 16 : i32
      %add3A_325 = arith.addi %mul3A_323, %add3A_324 : i32
      %swap3A_326 = arith.index_cast %add3A_325 : i32 to index
      %swap3A_327 = tpu.vector_load %arg21[%swap3A_326] {strides = array<i32>} : memref<3072xf32, #tpu.memory_space<vmem>>, vector<16xf32>,
      tpu.vector_store %arg21[%swap3A_326], %add3A_321 {strides = array<i32>} : memref<3072xf32, #tpu.memory_space<vmem>>, vector<16xf32>,
      %slice3A_328 = vector.extract_strided_slice %get3A_197 {offsets = [3], sizes = [1], strides = [1]} : vector<16xi32> to vector<1xi32>
      %squeeze3A_329 = vector.extract %slice3A_328[0] : i32 from vector<1xi32>
      %slice3A_330 = vector.extract_strided_slice %get3A_201 {offsets = [3], sizes = [1], strides = [1]} : vector<16xi32> to vector<1xi32>
      %squeeze3A_331 = vector.extract %slice3A_330[0] : i32 from vector<1xi32>
      %slice3A_332 = vector.extract_strided_slice %mul3A_203 {offsets = [3], sizes = [1], strides = [1]} : vector<16xf32> to vector<1xf32>
      %squeeze3A_333 = vector.extract %slice3A_332[0] : f32 from vector<1xf32>
      %mul3A_334 = arith.constant 32 : i32
      %mul3A_335 = arith.muli %squeeze3A_329, %mul3A_334 : i32
      %get3A_336 = arith.index_cast %mul3A_335 : i32 to index
      %get3A_337 = tpu.vector_load %arg14[%get3A_336] {strides = array<i32>} : memref<3072xf32, #tpu.memory_space<vmem>>, vector<16xf32>,
      %mul3A_338 = vector.broadcast %squeeze3A_333 : f32 to vector<16xf32>
      %mul3A_339 = arith.mulf %mul3A_338, %get3A_337 : vector<16xf32>
      %mul3A_340 = arith.constant 32 : i32
      %mul3A_341 = arith.muli %squeeze3A_329, %mul3A_340 : i32
      %add3A_342 = arith.constant 16 : i32
      %add3A_343 = arith.addi %mul3A_341, %add3A_342 : i32
      %get3A_344 = arith.index_cast %add3A_343 : i32 to index
      %get3A_345 = tpu.vector_load %arg14[%get3A_344] {strides = array<i32>} : memref<3072xf32, #tpu.memory_space<vmem>>, vector<16xf32>,
      %mul3A_346 = vector.broadcast %squeeze3A_333 : f32 to vector<16xf32>
      %mul3A_347 = arith.mulf %mul3A_346, %get3A_345 : vector<16xf32>
      %mul3A_348 = arith.constant 32 : i32
      %mul3A_349 = arith.muli %squeeze3A_331, %mul3A_348 : i32
      %get3A_350 = arith.index_cast %mul3A_349 : i32 to index
      %get3A_351 = tpu.vector_load %arg21[%get3A_350] {strides = array<i32>} : memref<3072xf32, #tpu.memory_space<vmem>>, vector<16xf32>,
      %add3A_352 = arith.addf %get3A_351, %mul3A_339 : vector<16xf32>
      %mul3A_353 = arith.constant 32 : i32
      %mul3A_354 = arith.muli %squeeze3A_331, %mul3A_353 : i32
      %swap3A_355 = arith.index_cast %mul3A_354 : i32 to index
      %swap3A_356 = tpu.vector_load %arg21[%swap3A_355] {strides = array<i32>} : memref<3072xf32, #tpu.memory_space<vmem>>, vector<16xf32>,
      tpu.vector_store %arg21[%swap3A_355], %add3A_352 {strides = array<i32>} : memref<3072xf32, #tpu.memory_space<vmem>>, vector<16xf32>,
      %mul3A_357 = arith.constant 32 : i32
      %mul3A_358 = arith.muli %squeeze3A_331, %mul3A_357 : i32
      %add3A_359 = arith.constant 16 : i32
      %add3A_360 = arith.addi %mul3A_358, %add3A_359 : i32
      %get3A_361 = arith.index_cast %add3A_360 : i32 to index
      %get3A_362 = tpu.vector_load %arg21[%get3A_361] {strides = array<i32>} : memref<3072xf32, #tpu.memory_space<vmem>>, vector<16xf32>,
      %add3A_363 = arith.addf %get3A_362, %mul3A_347 : vector<16xf32>
      %mul3A_364 = arith.constant 32 : i32
      %mul3A_365 = arith.muli %squeeze3A_331, %mul3A_364 : i32
      %add3A_366 = arith.constant 16 : i32
      %add3A_367 = arith.addi %mul3A_365, %add3A_366 : i32
      %swap3A_368 = arith.index_cast %add3A_367 : i32 to index
      %swap3A_369 = tpu.vector_load %arg21[%swap3A_368] {strides = array<i32>} : memref<3072xf32, #tpu.memory_space<vmem>>, vector<16xf32>,
      tpu.vector_store %arg21[%swap3A_368], %add3A_363 {strides = array<i32>} : memref<3072xf32, #tpu.memory_space<vmem>>, vector<16xf32>,
      %slice3A_370 = vector.extract_strided_slice %get3A_197 {offsets = [4], sizes = [1], strides = [1]} : vector<16xi32> to vector<1xi32>
      %squeeze3A_371 = vector.extract %slice3A_370[0] : i32 from vector<1xi32>
      %slice3A_372 = vector.extract_strided_slice %get3A_201 {offsets = [4], sizes = [1], strides = [1]} : vector<16xi32> to vector<1xi32>
      %squeeze3A_373 = vector.extract %slice3A_372[0] : i32 from vector<1xi32>
      %slice3A_374 = vector.extract_strided_slice %mul3A_203 {offsets = [4], sizes = [1], strides = [1]} : vector<16xf32> to vector<1xf32>
      %squeeze3A_375 = vector.extract %slice3A_374[0] : f32 from vector<1xf32>
      %mul3A_376 = arith.constant 32 : i32
      %mul3A_377 = arith.muli %squeeze3A_371, %mul3A_376 : i32
      %get3A_378 = arith.index_cast %mul3A_377 : i32 to index
      %get3A_379 = tpu.vector_load %arg14[%get3A_378] {strides = array<i32>} : memref<3072xf32, #tpu.memory_space<vmem>>, vector<16xf32>,
      %mul3A_380 = vector.broadcast %squeeze3A_375 : f32 to vector<16xf32>
      %mul3A_381 = arith.mulf %mul3A_380, %get3A_379 : vector<16xf32>
      %mul3A_382 = arith.constant 32 : i32
      %mul3A_383 = arith.muli %squeeze3A_371, %mul3A_382 : i32
      %add3A_384 = arith.constant 16 : i32
      %add3A_385 = arith.addi %mul3A_383, %add3A_384 : i32
      %get3A_386 = arith.index_cast %add3A_385 : i32 to index
      %get3A_387 = tpu.vector_load %arg14[%get3A_386] {strides = array<i32>} : memref<3072xf32, #tpu.memory_space<vmem>>, vector<16xf32>,
      %mul3A_388 = vector.broadcast %squeeze3A_375 : f32 to vector<16xf32>
      %mul3A_389 = arith.mulf %mul3A_388, %get3A_387 : vector<16xf32>
      %mul3A_390 = arith.constant 32 : i32
      %mul3A_391 = arith.muli %squeeze3A_373, %mul3A_390 : i32
      %get3A_392 = arith.index_cast %mul3A_391 : i32 to index
      %get3A_393 = tpu.vector_load %arg21[%get3A_392] {strides = array<i32>} : memref<3072xf32, #tpu.memory_space<vmem>>, vector<16xf32>,
      %add3A_394 = arith.addf %get3A_393, %mul3A_381 : vector<16xf32>
      %mul3A_395 = arith.constant 32 : i32
      %mul3A_396 = arith.muli %squeeze3A_373, %mul3A_395 : i32
      %swap3A_397 = arith.index_cast %mul3A_396 : i32 to index
      %swap3A_398 = tpu.vector_load %arg21[%swap3A_397] {strides = array<i32>} : memref<3072xf32, #tpu.memory_space<vmem>>, vector<16xf32>,
      tpu.vector_store %arg21[%swap3A_397], %add3A_394 {strides = array<i32>} : memref<3072xf32, #tpu.memory_space<vmem>>, vector<16xf32>,
      %mul3A_399 = arith.constant 32 : i32
      %mul3A_400 = arith.muli %squeeze3A_373, %mul3A_399 : i32
      %add3A_401 = arith.constant 16 : i32
      %add3A_402 = arith.addi %mul3A_400, %add3A_401 : i32
      %get3A_403 = arith.index_cast %add3A_402 : i32 to index
      %get3A_404 = tpu.vector_load %arg21[%get3A_403] {strides = array<i32>} : memref<3072xf32, #tpu.memory_space<vmem>>, vector<16xf32>,
      %add3A_405 = arith.addf %get3A_404, %mul3A_389 : vector<16xf32>
      %mul3A_406 = arith.constant 32 : i32
      %mul3A_407 = arith.muli %squeeze3A_373, %mul3A_406 : i32
      %add3A_408 = arith.constant 16 : i32
      %add3A_409 = arith.addi %mul3A_407, %add3A_408 : i32
      %swap3A_410 = arith.index_cast %add3A_409 : i32 to index
      %swap3A_411 = tpu.vector_load %arg21[%swap3A_410] {strides = array<i32>} : memref<3072xf32, #tpu.memory_space<vmem>>, vector<16xf32>,
      tpu.vector_store %arg21[%swap3A_410], %add3A_405 {strides = array<i32>} : memref<3072xf32, #tpu.memory_space<vmem>>, vector<16xf32>,
      %slice3A_412 = vector.extract_strided_slice %get3A_197 {offsets = [5], sizes = [1], strides = [1]} : vector<16xi32> to vector<1xi32>
      %squeeze3A_413 = vector.extract %slice3A_412[0] : i32 from vector<1xi32>
      %slice3A_414 = vector.extract_strided_slice %get3A_201 {offsets = [5], sizes = [1], strides = [1]} : vector<16xi32> to vector<1xi32>
      %squeeze3A_415 = vector.extract %slice3A_414[0] : i32 from vector<1xi32>
      %slice3A_416 = vector.extract_strided_slice %mul3A_203 {offsets = [5], sizes = [1], strides = [1]} : vector<16xf32> to vector<1xf32>
      %squeeze3A_417 = vector.extract %slice3A_416[0] : f32 from vector<1xf32>
      %mul3A_418 = arith.constant 32 : i32
      %mul3A_419 = arith.muli %squeeze3A_413, %mul3A_418 : i32
      %get3A_420 = arith.index_cast %mul3A_419 : i32 to index
      %get3A_421 = tpu.vector_load %arg14[%get3A_420] {strides = array<i32>} : memref<3072xf32, #tpu.memory_space<vmem>>, vector<16xf32>,
      %mul3A_422 = vector.broadcast %squeeze3A_417 : f32 to vector<16xf32>
      %mul3A_423 = arith.mulf %mul3A_422, %get3A_421 : vector<16xf32>
      %mul3A_424 = arith.constant 32 : i32
      %mul3A_425 = arith.muli %squeeze3A_413, %mul3A_424 : i32
      %add3A_426 = arith.constant 16 : i32
      %add3A_427 = arith.addi %mul3A_425, %add3A_426 : i32
      %get3A_428 = arith.index_cast %add3A_427 : i32 to index
      %get3A_429 = tpu.vector_load %arg14[%get3A_428] {strides = array<i32>} : memref<3072xf32, #tpu.memory_space<vmem>>, vector<16xf32>,
      %mul3A_430 = vector.broadcast %squeeze3A_417 : f32 to vector<16xf32>
      %mul3A_431 = arith.mulf %mul3A_430, %get3A_429 : vector<16xf32>
      %mul3A_432 = arith.constant 32 : i32
      %mul3A_433 = arith.muli %squeeze3A_415, %mul3A_432 : i32
      %get3A_434 = arith.index_cast %mul3A_433 : i32 to index
      %get3A_435 = tpu.vector_load %arg21[%get3A_434] {strides = array<i32>} : memref<3072xf32, #tpu.memory_space<vmem>>, vector<16xf32>,
      %add3A_436 = arith.addf %get3A_435, %mul3A_423 : vector<16xf32>
      %mul3A_437 = arith.constant 32 : i32
      %mul3A_438 = arith.muli %squeeze3A_415, %mul3A_437 : i32
      %swap3A_439 = arith.index_cast %mul3A_438 : i32 to index
      %swap3A_440 = tpu.vector_load %arg21[%swap3A_439] {strides = array<i32>} : memref<3072xf32, #tpu.memory_space<vmem>>, vector<16xf32>,
      tpu.vector_store %arg21[%swap3A_439], %add3A_436 {strides = array<i32>} : memref<3072xf32, #tpu.memory_space<vmem>>, vector<16xf32>,
      %mul3A_441 = arith.constant 32 : i32
      %mul3A_442 = arith.muli %squeeze3A_415, %mul3A_441 : i32
      %add3A_443 = arith.constant 16 : i32
      %add3A_444 = arith.addi %mul3A_442, %add3A_443 : i32
      %get3A_445 = arith.index_cast %add3A_444 : i32 to index
      %get3A_446 = tpu.vector_load %arg21[%get3A_445] {strides = array<i32>} : memref<3072xf32, #tpu.memory_space<vmem>>, vector<16xf32>,
      %add3A_447 = arith.addf %get3A_446, %mul3A_431 : vector<16xf32>
      %mul3A_448 = arith.constant 32 : i32
      %mul3A_449 = arith.muli %squeeze3A_415, %mul3A_448 : i32
      %add3A_450 = arith.constant 16 : i32
      %add3A_451 = arith.addi %mul3A_449, %add3A_450 : i32
      %swap3A_452 = arith.index_cast %add3A_451 : i32 to index
      %swap3A_453 = tpu.vector_load %arg21[%swap3A_452] {strides = array<i32>} : memref<3072xf32, #tpu.memory_space<vmem>>, vector<16xf32>,
      tpu.vector_store %arg21[%swap3A_452], %add3A_447 {strides = array<i32>} : memref<3072xf32, #tpu.memory_space<vmem>>, vector<16xf32>,
      %slice3A_454 = vector.extract_strided_slice %get3A_197 {offsets = [6], sizes = [1], strides = [1]} : vector<16xi32> to vector<1xi32>
      %squeeze3A_455 = vector.extract %slice3A_454[0] : i32 from vector<1xi32>
      %slice3A_456 = vector.extract_strided_slice %get3A_201 {offsets = [6], sizes = [1], strides = [1]} : vector<16xi32> to vector<1xi32>
      %squeeze3A_457 = vector.extract %slice3A_456[0] : i32 from vector<1xi32>
      %slice3A_458 = vector.extract_strided_slice %mul3A_203 {offsets = [6], sizes = [1], strides = [1]} : vector<16xf32> to vector<1xf32>
      %squeeze3A_459 = vector.extract %slice3A_458[0] : f32 from vector<1xf32>
      %mul3A_460 = arith.constant 32 : i32
      %mul3A_461 = arith.muli %squeeze3A_455, %mul3A_460 : i32
      %get3A_462 = arith.index_cast %mul3A_461 : i32 to index
      %get3A_463 = tpu.vector_load %arg14[%get3A_462] {strides = array<i32>} : memref<3072xf32, #tpu.memory_space<vmem>>, vector<16xf32>,
      %mul3A_464 = vector.broadcast %squeeze3A_459 : f32 to vector<16xf32>
      %mul3A_465 = arith.mulf %mul3A_464, %get3A_463 : vector<16xf32>
      %mul3A_466 = arith.constant 32 : i32
      %mul3A_467 = arith.muli %squeeze3A_455, %mul3A_466 : i32
      %add3A_468 = arith.constant 16 : i32
      %add3A_469 = arith.addi %mul3A_467, %add3A_468 : i32
      %get3A_470 = arith.index_cast %add3A_469 : i32 to index
      %get3A_471 = tpu.vector_load %arg14[%get3A_470] {strides = array<i32>} : memref<3072xf32, #tpu.memory_space<vmem>>, vector<16xf32>,
      %mul3A_472 = vector.broadcast %squeeze3A_459 : f32 to vector<16xf32>
      %mul3A_473 = arith.mulf %mul3A_472, %get3A_471 : vector<16xf32>
      %mul3A_474 = arith.constant 32 : i32
      %mul3A_475 = arith.muli %squeeze3A_457, %mul3A_474 : i32
      %get3A_476 = arith.index_cast %mul3A_475 : i32 to index
      %get3A_477 = tpu.vector_load %arg21[%get3A_476] {strides = array<i32>} : memref<3072xf32, #tpu.memory_space<vmem>>, vector<16xf32>,
      %add3A_478 = arith.addf %get3A_477, %mul3A_465 : vector<16xf32>
      %mul3A_479 = arith.constant 32 : i32
      %mul3A_480 = arith.muli %squeeze3A_457, %mul3A_479 : i32
      %swap3A_481 = arith.index_cast %mul3A_480 : i32 to index
      %swap3A_482 = tpu.vector_load %arg21[%swap3A_481] {strides = array<i32>} : memref<3072xf32, #tpu.memory_space<vmem>>, vector<16xf32>,
      tpu.vector_store %arg21[%swap3A_481], %add3A_478 {strides = array<i32>} : memref<3072xf32, #tpu.memory_space<vmem>>, vector<16xf32>,
      %mul3A_483 = arith.constant 32 : i32
      %mul3A_484 = arith.muli %squeeze3A_457, %mul3A_483 : i32
      %add3A_485 = arith.constant 16 : i32
      %add3A_486 = arith.addi %mul3A_484, %add3A_485 : i32
      %get3A_487 = arith.index_cast %add3A_486 : i32 to index
      %get3A_488 = tpu.vector_load %arg21[%get3A_487] {strides = array<i32>} : memref<3072xf32, #tpu.memory_space<vmem>>, vector<16xf32>,
      %add3A_489 = arith.addf %get3A_488, %mul3A_473 : vector<16xf32>
      %mul3A_490 = arith.constant 32 : i32
      %mul3A_491 = arith.muli %squeeze3A_457, %mul3A_490 : i32
      %add3A_492 = arith.constant 16 : i32
      %add3A_493 = arith.addi %mul3A_491, %add3A_492 : i32
      %swap3A_494 = arith.index_cast %add3A_493 : i32 to index
      %swap3A_495 = tpu.vector_load %arg21[%swap3A_494] {strides = array<i32>} : memref<3072xf32, #tpu.memory_space<vmem>>, vector<16xf32>,
      tpu.vector_store %arg21[%swap3A_494], %add3A_489 {strides = array<i32>} : memref<3072xf32, #tpu.memory_space<vmem>>, vector<16xf32>,
      %slice3A_496 = vector.extract_strided_slice %get3A_197 {offsets = [7], sizes = [1], strides = [1]} : vector<16xi32> to vector<1xi32>
      %squeeze3A_497 = vector.extract %slice3A_496[0] : i32 from vector<1xi32>
      %slice3A_498 = vector.extract_strided_slice %get3A_201 {offsets = [7], sizes = [1], strides = [1]} : vector<16xi32> to vector<1xi32>
      %squeeze3A_499 = vector.extract %slice3A_498[0] : i32 from vector<1xi32>
      %slice3A_500 = vector.extract_strided_slice %mul3A_203 {offsets = [7], sizes = [1], strides = [1]} : vector<16xf32> to vector<1xf32>
      %squeeze3A_501 = vector.extract %slice3A_500[0] : f32 from vector<1xf32>
      %mul3A_502 = arith.constant 32 : i32
      %mul3A_503 = arith.muli %squeeze3A_497, %mul3A_502 : i32
      %get3A_504 = arith.index_cast %mul3A_503 : i32 to index
      %get3A_505 = tpu.vector_load %arg14[%get3A_504] {strides = array<i32>} : memref<3072xf32, #tpu.memory_space<vmem>>, vector<16xf32>,
      %mul3A_506 = vector.broadcast %squeeze3A_501 : f32 to vector<16xf32>
      %mul3A_507 = arith.mulf %mul3A_506, %get3A_505 : vector<16xf32>
      %mul3A_508 = arith.constant 32 : i32
      %mul3A_509 = arith.muli %squeeze3A_497, %mul3A_508 : i32
      %add3A_510 = arith.constant 16 : i32
      %add3A_511 = arith.addi %mul3A_509, %add3A_510 : i32
      %get3A_512 = arith.index_cast %add3A_511 : i32 to index
      %get3A_513 = tpu.vector_load %arg14[%get3A_512] {strides = array<i32>} : memref<3072xf32, #tpu.memory_space<vmem>>, vector<16xf32>,
      %mul3A_514 = vector.broadcast %squeeze3A_501 : f32 to vector<16xf32>
      %mul3A_515 = arith.mulf %mul3A_514, %get3A_513 : vector<16xf32>
      %mul3A_516 = arith.constant 32 : i32
      %mul3A_517 = arith.muli %squeeze3A_499, %mul3A_516 : i32
      %get3A_518 = arith.index_cast %mul3A_517 : i32 to index
      %get3A_519 = tpu.vector_load %arg21[%get3A_518] {strides = array<i32>} : memref<3072xf32, #tpu.memory_space<vmem>>, vector<16xf32>,
      %add3A_520 = arith.addf %get3A_519, %mul3A_507 : vector<16xf32>
      %mul3A_521 = arith.constant 32 : i32
      %mul3A_522 = arith.muli %squeeze3A_499, %mul3A_521 : i32
      %swap3A_523 = arith.index_cast %mul3A_522 : i32 to index
      %swap3A_524 = tpu.vector_load %arg21[%swap3A_523] {strides = array<i32>} : memref<3072xf32, #tpu.memory_space<vmem>>, vector<16xf32>,
      tpu.vector_store %arg21[%swap3A_523], %add3A_520 {strides = array<i32>} : memref<3072xf32, #tpu.memory_space<vmem>>, vector<16xf32>,
      %mul3A_525 = arith.constant 32 : i32
      %mul3A_526 = arith.muli %squeeze3A_499, %mul3A_525 : i32
      %add3A_527 = arith.constant 16 : i32
      %add3A_528 = arith.addi %mul3A_526, %add3A_527 : i32
      %get3A_529 = arith.index_cast %add3A_528 : i32 to index
      %get3A_530 = tpu.vector_load %arg21[%get3A_529] {strides = array<i32>} : memref<3072xf32, #tpu.memory_space<vmem>>, vector<16xf32>,
      %add3A_531 = arith.addf %get3A_530, %mul3A_515 : vector<16xf32>
      %mul3A_532 = arith.constant 32 : i32
      %mul3A_533 = arith.muli %squeeze3A_499, %mul3A_532 : i32
      %add3A_534 = arith.constant 16 : i32
      %add3A_535 = arith.addi %mul3A_533, %add3A_534 : i32
      %swap3A_536 = arith.index_cast %add3A_535 : i32 to index
      %swap3A_537 = tpu.vector_load %arg21[%swap3A_536] {strides = array<i32>} : memref<3072xf32, #tpu.memory_space<vmem>>, vector<16xf32>,
      tpu.vector_store %arg21[%swap3A_536], %add3A_531 {strides = array<i32>} : memref<3072xf32, #tpu.memory_space<vmem>>, vector<16xf32>,
      %slice3A_538 = vector.extract_strided_slice %get3A_197 {offsets = [8], sizes = [1], strides = [1]} : vector<16xi32> to vector<1xi32>
      %squeeze3A_539 = vector.extract %slice3A_538[0] : i32 from vector<1xi32>
      %slice3A_540 = vector.extract_strided_slice %get3A_201 {offsets = [8], sizes = [1], strides = [1]} : vector<16xi32> to vector<1xi32>
      %squeeze3A_541 = vector.extract %slice3A_540[0] : i32 from vector<1xi32>
      %slice3A_542 = vector.extract_strided_slice %mul3A_203 {offsets = [8], sizes = [1], strides = [1]} : vector<16xf32> to vector<1xf32>
      %squeeze3A_543 = vector.extract %slice3A_542[0] : f32 from vector<1xf32>
      %mul3A_544 = arith.constant 32 : i32
      %mul3A_545 = arith.muli %squeeze3A_539, %mul3A_544 : i32
      %get3A_546 = arith.index_cast %mul3A_545 : i32 to index
      %get3A_547 = tpu.vector_load %arg14[%get3A_546] {strides = array<i32>} : memref<3072xf32, #tpu.memory_space<vmem>>, vector<16xf32>,
      %mul3A_548 = vector.broadcast %squeeze3A_543 : f32 to vector<16xf32>
      %mul3A_549 = arith.mulf %mul3A_548, %get3A_547 : vector<16xf32>
      %mul3A_550 = arith.constant 32 : i32
      %mul3A_551 = arith.muli %squeeze3A_539, %mul3A_550 : i32
      %add3A_552 = arith.constant 16 : i32
      %add3A_553 = arith.addi %mul3A_551, %add3A_552 : i32
      %get3A_554 = arith.index_cast %add3A_553 : i32 to index
      %get3A_555 = tpu.vector_load %arg14[%get3A_554] {strides = array<i32>} : memref<3072xf32, #tpu.memory_space<vmem>>, vector<16xf32>,
      %mul3A_556 = vector.broadcast %squeeze3A_543 : f32 to vector<16xf32>
      %mul3A_557 = arith.mulf %mul3A_556, %get3A_555 : vector<16xf32>
      %mul3A_558 = arith.constant 32 : i32
      %mul3A_559 = arith.muli %squeeze3A_541, %mul3A_558 : i32
      %get3A_560 = arith.index_cast %mul3A_559 : i32 to index
      %get3A_561 = tpu.vector_load %arg21[%get3A_560] {strides = array<i32>} : memref<3072xf32, #tpu.memory_space<vmem>>, vector<16xf32>,
      %add3A_562 = arith.addf %get3A_561, %mul3A_549 : vector<16xf32>
      %mul3A_563 = arith.constant 32 : i32
      %mul3A_564 = arith.muli %squeeze3A_541, %mul3A_563 : i32
      %swap3A_565 = arith.index_cast %mul3A_564 : i32 to index
      %swap3A_566 = tpu.vector_load %arg21[%swap3A_565] {strides = array<i32>} : memref<3072xf32, #tpu.memory_space<vmem>>, vector<16xf32>,
      tpu.vector_store %arg21[%swap3A_565], %add3A_562 {strides = array<i32>} : memref<3072xf32, #tpu.memory_space<vmem>>, vector<16xf32>,
      %mul3A_567 = arith.constant 32 : i32
      %mul3A_568 = arith.muli %squeeze3A_541, %mul3A_567 : i32
      %add3A_569 = arith.constant 16 : i32
      %add3A_570 = arith.addi %mul3A_568, %add3A_569 : i32
      %get3A_571 = arith.index_cast %add3A_570 : i32 to index
      %get3A_572 = tpu.vector_load %arg21[%get3A_571] {strides = array<i32>} : memref<3072xf32, #tpu.memory_space<vmem>>, vector<16xf32>,
      %add3A_573 = arith.addf %get3A_572, %mul3A_557 : vector<16xf32>
      %mul3A_574 = arith.constant 32 : i32
      %mul3A_575 = arith.muli %squeeze3A_541, %mul3A_574 : i32
      %add3A_576 = arith.constant 16 : i32
      %add3A_577 = arith.addi %mul3A_575, %add3A_576 : i32
      %swap3A_578 = arith.index_cast %add3A_577 : i32 to index
      %swap3A_579 = tpu.vector_load %arg21[%swap3A_578] {strides = array<i32>} : memref<3072xf32, #tpu.memory_space<vmem>>, vector<16xf32>,
      tpu.vector_store %arg21[%swap3A_578], %add3A_573 {strides = array<i32>} : memref<3072xf32, #tpu.memory_space<vmem>>, vector<16xf32>,
      %slice3A_580 = vector.extract_strided_slice %get3A_197 {offsets = [9], sizes = [1], strides = [1]} : vector<16xi32> to vector<1xi32>
      %squeeze3A_581 = vector.extract %slice3A_580[0] : i32 from vector<1xi32>
      %slice3A_582 = vector.extract_strided_slice %get3A_201 {offsets = [9], sizes = [1], strides = [1]} : vector<16xi32> to vector<1xi32>
      %squeeze3A_583 = vector.extract %slice3A_582[0] : i32 from vector<1xi32>
      %slice3A_584 = vector.extract_strided_slice %mul3A_203 {offsets = [9], sizes = [1], strides = [1]} : vector<16xf32> to vector<1xf32>
      %squeeze3A_585 = vector.extract %slice3A_584[0] : f32 from vector<1xf32>
      %mul3A_586 = arith.constant 32 : i32
      %mul3A_587 = arith.muli %squeeze3A_581, %mul3A_586 : i32
      %get3A_588 = arith.index_cast %mul3A_587 : i32 to index
      %get3A_589 = tpu.vector_load %arg14[%get3A_588] {strides = array<i32>} : memref<3072xf32, #tpu.memory_space<vmem>>, vector<16xf32>,
      %mul3A_590 = vector.broadcast %squeeze3A_585 : f32 to vector<16xf32>
      %mul3A_591 = arith.mulf %mul3A_590, %get3A_589 : vector<16xf32>
      %mul3A_592 = arith.constant 32 : i32
      %mul3A_593 = arith.muli %squeeze3A_581, %mul3A_592 : i32
      %add3A_594 = arith.constant 16 : i32
      %add3A_595 = arith.addi %mul3A_593, %add3A_594 : i32
      %get3A_596 = arith.index_cast %add3A_595 : i32 to index
      %get3A_597 = tpu.vector_load %arg14[%get3A_596] {strides = array<i32>} : memref<3072xf32, #tpu.memory_space<vmem>>, vector<16xf32>,
      %mul3A_598 = vector.broadcast %squeeze3A_585 : f32 to vector<16xf32>
      %mul3A_599 = arith.mulf %mul3A_598, %get3A_597 : vector<16xf32>
      %mul3A_600 = arith.constant 32 : i32
      %mul3A_601 = arith.muli %squeeze3A_583, %mul3A_600 : i32
      %get3A_602 = arith.index_cast %mul3A_601 : i32 to index
      %get3A_603 = tpu.vector_load %arg21[%get3A_602] {strides = array<i32>} : memref<3072xf32, #tpu.memory_space<vmem>>, vector<16xf32>,
      %add3A_604 = arith.addf %get3A_603, %mul3A_591 : vector<16xf32>
      %mul3A_605 = arith.constant 32 : i32
      %mul3A_606 = arith.muli %squeeze3A_583, %mul3A_605 : i32
      %swap3A_607 = arith.index_cast %mul3A_606 : i32 to index
      %swap3A_608 = tpu.vector_load %arg21[%swap3A_607] {strides = array<i32>} : memref<3072xf32, #tpu.memory_space<vmem>>, vector<16xf32>,
      tpu.vector_store %arg21[%swap3A_607], %add3A_604 {strides = array<i32>} : memref<3072xf32, #tpu.memory_space<vmem>>, vector<16xf32>,
      %mul3A_609 = arith.constant 32 : i32
      %mul3A_610 = arith.muli %squeeze3A_583, %mul3A_609 : i32
      %add3A_611 = arith.constant 16 : i32
      %add3A_612 = arith.addi %mul3A_610, %add3A_611 : i32
      %get3A_613 = arith.index_cast %add3A_612 : i32 to index
      %get3A_614 = tpu.vector_load %arg21[%get3A_613] {strides = array<i32>} : memref<3072xf32, #tpu.memory_space<vmem>>, vector<16xf32>,
      %add3A_615 = arith.addf %get3A_614, %mul3A_599 : vector<16xf32>
      %mul3A_616 = arith.constant 32 : i32
      %mul3A_617 = arith.muli %squeeze3A_583, %mul3A_616 : i32
      %add3A_618 = arith.constant 16 : i32
      %add3A_619 = arith.addi %mul3A_617, %add3A_618 : i32
      %swap3A_620 = arith.index_cast %add3A_619 : i32 to index
      %swap3A_621 = tpu.vector_load %arg21[%swap3A_620] {strides = array<i32>} : memref<3072xf32, #tpu.memory_space<vmem>>, vector<16xf32>,
      tpu.vector_store %arg21[%swap3A_620], %add3A_615 {strides = array<i32>} : memref<3072xf32, #tpu.memory_space<vmem>>, vector<16xf32>,
      %slice3A_622 = vector.extract_strided_slice %get3A_197 {offsets = [10], sizes = [1], strides = [1]} : vector<16xi32> to vector<1xi32>
      %squeeze3A_623 = vector.extract %slice3A_622[0] : i32 from vector<1xi32>
      %slice3A_624 = vector.extract_strided_slice %get3A_201 {offsets = [10], sizes = [1], strides = [1]} : vector<16xi32> to vector<1xi32>
      %squeeze3A_625 = vector.extract %slice3A_624[0] : i32 from vector<1xi32>
      %slice3A_626 = vector.extract_strided_slice %mul3A_203 {offsets = [10], sizes = [1], strides = [1]} : vector<16xf32> to vector<1xf32>
      %squeeze3A_627 = vector.extract %slice3A_626[0] : f32 from vector<1xf32>
      %mul3A_628 = arith.constant 32 : i32
      %mul3A_629 = arith.muli %squeeze3A_623, %mul3A_628 : i32
      %get3A_630 = arith.index_cast %mul3A_629 : i32 to index
      %get3A_631 = tpu.vector_load %arg14[%get3A_630] {strides = array<i32>} : memref<3072xf32, #tpu.memory_space<vmem>>, vector<16xf32>,
      %mul3A_632 = vector.broadcast %squeeze3A_627 : f32 to vector<16xf32>
      %mul3A_633 = arith.mulf %mul3A_632, %get3A_631 : vector<16xf32>
      %mul3A_634 = arith.constant 32 : i32
      %mul3A_635 = arith.muli %squeeze3A_623, %mul3A_634 : i32
      %add3A_636 = arith.constant 16 : i32
      %add3A_637 = arith.addi %mul3A_635, %add3A_636 : i32
      %get3A_638 = arith.index_cast %add3A_637 : i32 to index
      %get3A_639 = tpu.vector_load %arg14[%get3A_638] {strides = array<i32>} : memref<3072xf32, #tpu.memory_space<vmem>>, vector<16xf32>,
      %mul3A_640 = vector.broadcast %squeeze3A_627 : f32 to vector<16xf32>
      %mul3A_641 = arith.mulf %mul3A_640, %get3A_639 : vector<16xf32>
      %mul3A_642 = arith.constant 32 : i32
      %mul3A_643 = arith.muli %squeeze3A_625, %mul3A_642 : i32
      %get3A_644 = arith.index_cast %mul3A_643 : i32 to index
      %get3A_645 = tpu.vector_load %arg21[%get3A_644] {strides = array<i32>} : memref<3072xf32, #tpu.memory_space<vmem>>, vector<16xf32>,
      %add3A_646 = arith.addf %get3A_645, %mul3A_633 : vector<16xf32>
      %mul3A_647 = arith.constant 32 : i32
      %mul3A_648 = arith.muli %squeeze3A_625, %mul3A_647 : i32
      %swap3A_649 = arith.index_cast %mul3A_648 : i32 to index
      %swap3A_650 = tpu.vector_load %arg21[%swap3A_649] {strides = array<i32>} : memref<3072xf32, #tpu.memory_space<vmem>>, vector<16xf32>,
      tpu.vector_store %arg21[%swap3A_649], %add3A_646 {strides = array<i32>} : memref<3072xf32, #tpu.memory_space<vmem>>, vector<16xf32>,
      %mul3A_651 = arith.constant 32 : i32
      %mul3A_652 = arith.muli %squeeze3A_625, %mul3A_651 : i32
      %add3A_653 = arith.constant 16 : i32
      %add3A_654 = arith.addi %mul3A_652, %add3A_653 : i32
      %get3A_655 = arith.index_cast %add3A_654 : i32 to index
      %get3A_656 = tpu.vector_load %arg21[%get3A_655] {strides = array<i32>} : memref<3072xf32, #tpu.memory_space<vmem>>, vector<16xf32>,
      %add3A_657 = arith.addf %get3A_656, %mul3A_641 : vector<16xf32>
      %mul3A_658 = arith.constant 32 : i32
      %mul3A_659 = arith.muli %squeeze3A_625, %mul3A_658 : i32
      %add3A_660 = arith.constant 16 : i32
      %add3A_661 = arith.addi %mul3A_659, %add3A_660 : i32
      %swap3A_662 = arith.index_cast %add3A_661 : i32 to index
      %swap3A_663 = tpu.vector_load %arg21[%swap3A_662] {strides = array<i32>} : memref<3072xf32, #tpu.memory_space<vmem>>, vector<16xf32>,
      tpu.vector_store %arg21[%swap3A_662], %add3A_657 {strides = array<i32>} : memref<3072xf32, #tpu.memory_space<vmem>>, vector<16xf32>,
      %slice3A_664 = vector.extract_strided_slice %get3A_197 {offsets = [11], sizes = [1], strides = [1]} : vector<16xi32> to vector<1xi32>
      %squeeze3A_665 = vector.extract %slice3A_664[0] : i32 from vector<1xi32>
      %slice3A_666 = vector.extract_strided_slice %get3A_201 {offsets = [11], sizes = [1], strides = [1]} : vector<16xi32> to vector<1xi32>
      %squeeze3A_667 = vector.extract %slice3A_666[0] : i32 from vector<1xi32>
      %slice3A_668 = vector.extract_strided_slice %mul3A_203 {offsets = [11], sizes = [1], strides = [1]} : vector<16xf32> to vector<1xf32>
      %squeeze3A_669 = vector.extract %slice3A_668[0] : f32 from vector<1xf32>
      %mul3A_670 = arith.constant 32 : i32
      %mul3A_671 = arith.muli %squeeze3A_665, %mul3A_670 : i32
      %get3A_672 = arith.index_cast %mul3A_671 : i32 to index
      %get3A_673 = tpu.vector_load %arg14[%get3A_672] {strides = array<i32>} : memref<3072xf32, #tpu.memory_space<vmem>>, vector<16xf32>,
      %mul3A_674 = vector.broadcast %squeeze3A_669 : f32 to vector<16xf32>
      %mul3A_675 = arith.mulf %mul3A_674, %get3A_673 : vector<16xf32>
      %mul3A_676 = arith.constant 32 : i32
      %mul3A_677 = arith.muli %squeeze3A_665, %mul3A_676 : i32
      %add3A_678 = arith.constant 16 : i32
      %add3A_679 = arith.addi %mul3A_677, %add3A_678 : i32
      %get3A_680 = arith.index_cast %add3A_679 : i32 to index
      %get3A_681 = tpu.vector_load %arg14[%get3A_680] {strides = array<i32>} : memref<3072xf32, #tpu.memory_space<vmem>>, vector<16xf32>,
      %mul3A_682 = vector.broadcast %squeeze3A_669 : f32 to vector<16xf32>
      %mul3A_683 = arith.mulf %mul3A_682, %get3A_681 : vector<16xf32>
      %mul3A_684 = arith.constant 32 : i32
      %mul3A_685 = arith.muli %squeeze3A_667, %mul3A_684 : i32
      %get3A_686 = arith.index_cast %mul3A_685 : i32 to index
      %get3A_687 = tpu.vector_load %arg21[%get3A_686] {strides = array<i32>} : memref<3072xf32, #tpu.memory_space<vmem>>, vector<16xf32>,
      %add3A_688 = arith.addf %get3A_687, %mul3A_675 : vector<16xf32>
      %mul3A_689 = arith.constant 32 : i32
      %mul3A_690 = arith.muli %squeeze3A_667, %mul3A_689 : i32
      %swap3A_691 = arith.index_cast %mul3A_690 : i32 to index
      %swap3A_692 = tpu.vector_load %arg21[%swap3A_691] {strides = array<i32>} : memref<3072xf32, #tpu.memory_space<vmem>>, vector<16xf32>,
      tpu.vector_store %arg21[%swap3A_691], %add3A_688 {strides = array<i32>} : memref<3072xf32, #tpu.memory_space<vmem>>, vector<16xf32>,
      %mul3A_693 = arith.constant 32 : i32
      %mul3A_694 = arith.muli %squeeze3A_667, %mul3A_693 : i32
      %add3A_695 = arith.constant 16 : i32
      %add3A_696 = arith.addi %mul3A_694, %add3A_695 : i32
      %get3A_697 = arith.index_cast %add3A_696 : i32 to index
      %get3A_698 = tpu.vector_load %arg21[%get3A_697] {strides = array<i32>} : memref<3072xf32, #tpu.memory_space<vmem>>, vector<16xf32>,
      %add3A_699 = arith.addf %get3A_698, %mul3A_683 : vector<16xf32>
      %mul3A_700 = arith.constant 32 : i32
      %mul3A_701 = arith.muli %squeeze3A_667, %mul3A_700 : i32
      %add3A_702 = arith.constant 16 : i32
      %add3A_703 = arith.addi %mul3A_701, %add3A_702 : i32
      %swap3A_704 = arith.index_cast %add3A_703 : i32 to index
      %swap3A_705 = tpu.vector_load %arg21[%swap3A_704] {strides = array<i32>} : memref<3072xf32, #tpu.memory_space<vmem>>, vector<16xf32>,
      tpu.vector_store %arg21[%swap3A_704], %add3A_699 {strides = array<i32>} : memref<3072xf32, #tpu.memory_space<vmem>>, vector<16xf32>,
      %slice3A_706 = vector.extract_strided_slice %get3A_197 {offsets = [12], sizes = [1], strides = [1]} : vector<16xi32> to vector<1xi32>
      %squeeze3A_707 = vector.extract %slice3A_706[0] : i32 from vector<1xi32>
      %slice3A_708 = vector.extract_strided_slice %get3A_201 {offsets = [12], sizes = [1], strides = [1]} : vector<16xi32> to vector<1xi32>
      %squeeze3A_709 = vector.extract %slice3A_708[0] : i32 from vector<1xi32>
      %slice3A_710 = vector.extract_strided_slice %mul3A_203 {offsets = [12], sizes = [1], strides = [1]} : vector<16xf32> to vector<1xf32>
      %squeeze3A_711 = vector.extract %slice3A_710[0] : f32 from vector<1xf32>
      %mul3A_712 = arith.constant 32 : i32
      %mul3A_713 = arith.muli %squeeze3A_707, %mul3A_712 : i32
      %get3A_714 = arith.index_cast %mul3A_713 : i32 to index
      %get3A_715 = tpu.vector_load %arg14[%get3A_714] {strides = array<i32>} : memref<3072xf32, #tpu.memory_space<vmem>>, vector<16xf32>,
      %mul3A_716 = vector.broadcast %squeeze3A_711 : f32 to vector<16xf32>
      %mul3A_717 = arith.mulf %mul3A_716, %get3A_715 : vector<16xf32>
      %mul3A_718 = arith.constant 32 : i32
      %mul3A_719 = arith.muli %squeeze3A_707, %mul3A_718 : i32
      %add3A_720 = arith.constant 16 : i32
      %add3A_721 = arith.addi %mul3A_719, %add3A_720 : i32
      %get3A_722 = arith.index_cast %add3A_721 : i32 to index
      %get3A_723 = tpu.vector_load %arg14[%get3A_722] {strides = array<i32>} : memref<3072xf32, #tpu.memory_space<vmem>>, vector<16xf32>,
      %mul3A_724 = vector.broadcast %squeeze3A_711 : f32 to vector<16xf32>
      %mul3A_725 = arith.mulf %mul3A_724, %get3A_723 : vector<16xf32>
      %mul3A_726 = arith.constant 32 : i32
      %mul3A_727 = arith.muli %squeeze3A_709, %mul3A_726 : i32
      %get3A_728 = arith.index_cast %mul3A_727 : i32 to index
      %get3A_729 = tpu.vector_load %arg21[%get3A_728] {strides = array<i32>} : memref<3072xf32, #tpu.memory_space<vmem>>, vector<16xf32>,
      %add3A_730 = arith.addf %get3A_729, %mul3A_717 : vector<16xf32>
      %mul3A_731 = arith.constant 32 : i32
      %mul3A_732 = arith.muli %squeeze3A_709, %mul3A_731 : i32
      %swap3A_733 = arith.index_cast %mul3A_732 : i32 to index
      %swap3A_734 = tpu.vector_load %arg21[%swap3A_733] {strides = array<i32>} : memref<3072xf32, #tpu.memory_space<vmem>>, vector<16xf32>,
      tpu.vector_store %arg21[%swap3A_733], %add3A_730 {strides = array<i32>} : memref<3072xf32, #tpu.memory_space<vmem>>, vector<16xf32>,
      %mul3A_735 = arith.constant 32 : i32
      %mul3A_736 = arith.muli %squeeze3A_709, %mul3A_735 : i32
      %add3A_737 = arith.constant 16 : i32
      %add3A_738 = arith.addi %mul3A_736, %add3A_737 : i32
      %get3A_739 = arith.index_cast %add3A_738 : i32 to index
      %get3A_740 = tpu.vector_load %arg21[%get3A_739] {strides = array<i32>} : memref<3072xf32, #tpu.memory_space<vmem>>, vector<16xf32>,
      %add3A_741 = arith.addf %get3A_740, %mul3A_725 : vector<16xf32>
      %mul3A_742 = arith.constant 32 : i32
      %mul3A_743 = arith.muli %squeeze3A_709, %mul3A_742 : i32
      %add3A_744 = arith.constant 16 : i32
      %add3A_745 = arith.addi %mul3A_743, %add3A_744 : i32
      %swap3A_746 = arith.index_cast %add3A_745 : i32 to index
      %swap3A_747 = tpu.vector_load %arg21[%swap3A_746] {strides = array<i32>} : memref<3072xf32, #tpu.memory_space<vmem>>, vector<16xf32>,
      tpu.vector_store %arg21[%swap3A_746], %add3A_741 {strides = array<i32>} : memref<3072xf32, #tpu.memory_space<vmem>>, vector<16xf32>,
      %slice3A_748 = vector.extract_strided_slice %get3A_197 {offsets = [13], sizes = [1], strides = [1]} : vector<16xi32> to vector<1xi32>
      %squeeze3A_749 = vector.extract %slice3A_748[0] : i32 from vector<1xi32>
      %slice3A_750 = vector.extract_strided_slice %get3A_201 {offsets = [13], sizes = [1], strides = [1]} : vector<16xi32> to vector<1xi32>
      %squeeze3A_751 = vector.extract %slice3A_750[0] : i32 from vector<1xi32>
      %slice3A_752 = vector.extract_strided_slice %mul3A_203 {offsets = [13], sizes = [1], strides = [1]} : vector<16xf32> to vector<1xf32>
      %squeeze3A_753 = vector.extract %slice3A_752[0] : f32 from vector<1xf32>
      %mul3A_754 = arith.constant 32 : i32
      %mul3A_755 = arith.muli %squeeze3A_749, %mul3A_754 : i32
      %get3A_756 = arith.index_cast %mul3A_755 : i32 to index
      %get3A_757 = tpu.vector_load %arg14[%get3A_756] {strides = array<i32>} : memref<3072xf32, #tpu.memory_space<vmem>>, vector<16xf32>,
      %mul3A_758 = vector.broadcast %squeeze3A_753 : f32 to vector<16xf32>
      %mul3A_759 = arith.mulf %mul3A_758, %get3A_757 : vector<16xf32>
      %mul3A_760 = arith.constant 32 : i32
      %mul3A_761 = arith.muli %squeeze3A_749, %mul3A_760 : i32
      %add3A_762 = arith.constant 16 : i32
      %add3A_763 = arith.addi %mul3A_761, %add3A_762 : i32
      %get3A_764 = arith.index_cast %add3A_763 : i32 to index
      %get3A_765 = tpu.vector_load %arg14[%get3A_764] {strides = array<i32>} : memref<3072xf32, #tpu.memory_space<vmem>>, vector<16xf32>,
      %mul3A_766 = vector.broadcast %squeeze3A_753 : f32 to vector<16xf32>
      %mul3A_767 = arith.mulf %mul3A_766, %get3A_765 : vector<16xf32>
      %mul3A_768 = arith.constant 32 : i32
      %mul3A_769 = arith.muli %squeeze3A_751, %mul3A_768 : i32
      %get3A_770 = arith.index_cast %mul3A_769 : i32 to index
      %get3A_771 = tpu.vector_load %arg21[%get3A_770] {strides = array<i32>} : memref<3072xf32, #tpu.memory_space<vmem>>, vector<16xf32>,
      %add3A_772 = arith.addf %get3A_771, %mul3A_759 : vector<16xf32>
      %mul3A_773 = arith.constant 32 : i32
      %mul3A_774 = arith.muli %squeeze3A_751, %mul3A_773 : i32
      %swap3A_775 = arith.index_cast %mul3A_774 : i32 to index
      %swap3A_776 = tpu.vector_load %arg21[%swap3A_775] {strides = array<i32>} : memref<3072xf32, #tpu.memory_space<vmem>>, vector<16xf32>,
      tpu.vector_store %arg21[%swap3A_775], %add3A_772 {strides = array<i32>} : memref<3072xf32, #tpu.memory_space<vmem>>, vector<16xf32>,
      %mul3A_777 = arith.constant 32 : i32
      %mul3A_778 = arith.muli %squeeze3A_751, %mul3A_777 : i32
      %add3A_779 = arith.constant 16 : i32
      %add3A_780 = arith.addi %mul3A_778, %add3A_779 : i32
      %get3A_781 = arith.index_cast %add3A_780 : i32 to index
      %get3A_782 = tpu.vector_load %arg21[%get3A_781] {strides = array<i32>} : memref<3072xf32, #tpu.memory_space<vmem>>, vector<16xf32>,
      %add3A_783 = arith.addf %get3A_782, %mul3A_767 : vector<16xf32>
      %mul3A_784 = arith.constant 32 : i32
      %mul3A_785 = arith.muli %squeeze3A_751, %mul3A_784 : i32
      %add3A_786 = arith.constant 16 : i32
      %add3A_787 = arith.addi %mul3A_785, %add3A_786 : i32
      %swap3A_788 = arith.index_cast %add3A_787 : i32 to index
      %swap3A_789 = tpu.vector_load %arg21[%swap3A_788] {strides = array<i32>} : memref<3072xf32, #tpu.memory_space<vmem>>, vector<16xf32>,
      tpu.vector_store %arg21[%swap3A_788], %add3A_783 {strides = array<i32>} : memref<3072xf32, #tpu.memory_space<vmem>>, vector<16xf32>,
      %slice3A_790 = vector.extract_strided_slice %get3A_197 {offsets = [14], sizes = [1], strides = [1]} : vector<16xi32> to vector<1xi32>
      %squeeze3A_791 = vector.extract %slice3A_790[0] : i32 from vector<1xi32>
      %slice3A_792 = vector.extract_strided_slice %get3A_201 {offsets = [14], sizes = [1], strides = [1]} : vector<16xi32> to vector<1xi32>
      %squeeze3A_793 = vector.extract %slice3A_792[0] : i32 from vector<1xi32>
      %slice3A_794 = vector.extract_strided_slice %mul3A_203 {offsets = [14], sizes = [1], strides = [1]} : vector<16xf32> to vector<1xf32>
      %squeeze3A_795 = vector.extract %slice3A_794[0] : f32 from vector<1xf32>
      %mul3A_796 = arith.constant 32 : i32
      %mul3A_797 = arith.muli %squeeze3A_791, %mul3A_796 : i32
      %get3A_798 = arith.index_cast %mul3A_797 : i32 to index
      %get3A_799 = tpu.vector_load %arg14[%get3A_798] {strides = array<i32>} : memref<3072xf32, #tpu.memory_space<vmem>>, vector<16xf32>,
      %mul3A_800 = vector.broadcast %squeeze3A_795 : f32 to vector<16xf32>
      %mul3A_801 = arith.mulf %mul3A_800, %get3A_799 : vector<16xf32>
      %mul3A_802 = arith.constant 32 : i32
      %mul3A_803 = arith.muli %squeeze3A_791, %mul3A_802 : i32
      %add3A_804 = arith.constant 16 : i32
      %add3A_805 = arith.addi %mul3A_803, %add3A_804 : i32
      %get3A_806 = arith.index_cast %add3A_805 : i32 to index
      %get3A_807 = tpu.vector_load %arg14[%get3A_806] {strides = array<i32>} : memref<3072xf32, #tpu.memory_space<vmem>>, vector<16xf32>,
      %mul3A_808 = vector.broadcast %squeeze3A_795 : f32 to vector<16xf32>
      %mul3A_809 = arith.mulf %mul3A_808, %get3A_807 : vector<16xf32>
      %mul3A_810 = arith.constant 32 : i32
      %mul3A_811 = arith.muli %squeeze3A_793, %mul3A_810 : i32
      %get3A_812 = arith.index_cast %mul3A_811 : i32 to index
      %get3A_813 = tpu.vector_load %arg21[%get3A_812] {strides = array<i32>} : memref<3072xf32, #tpu.memory_space<vmem>>, vector<16xf32>,
      %add3A_814 = arith.addf %get3A_813, %mul3A_801 : vector<16xf32>
      %mul3A_815 = arith.constant 32 : i32
      %mul3A_816 = arith.muli %squeeze3A_793, %mul3A_815 : i32
      %swap3A_817 = arith.index_cast %mul3A_816 : i32 to index
      %swap3A_818 = tpu.vector_load %arg21[%swap3A_817] {strides = array<i32>} : memref<3072xf32, #tpu.memory_space<vmem>>, vector<16xf32>,
      tpu.vector_store %arg21[%swap3A_817], %add3A_814 {strides = array<i32>} : memref<3072xf32, #tpu.memory_space<vmem>>, vector<16xf32>,
      %mul3A_819 = arith.constant 32 : i32
      %mul3A_820 = arith.muli %squeeze3A_793, %mul3A_819 : i32
      %add3A_821 = arith.constant 16 : i32
      %add3A_822 = arith.addi %mul3A_820, %add3A_821 : i32
      %get3A_823 = arith.index_cast %add3A_822 : i32 to index
      %get3A_824 = tpu.vector_load %arg21[%get3A_823] {strides = array<i32>} : memref<3072xf32, #tpu.memory_space<vmem>>, vector<16xf32>,
      %add3A_825 = arith.addf %get3A_824, %mul3A_809 : vector<16xf32>
      %mul3A_826 = arith.constant 32 : i32
      %mul3A_827 = arith.muli %squeeze3A_793, %mul3A_826 : i32
      %add3A_828 = arith.constant 16 : i32
      %add3A_829 = arith.addi %mul3A_827, %add3A_828 : i32
      %swap3A_830 = arith.index_cast %add3A_829 : i32 to index
      %swap3A_831 = tpu.vector_load %arg21[%swap3A_830] {strides = array<i32>} : memref<3072xf32, #tpu.memory_space<vmem>>, vector<16xf32>,
      tpu.vector_store %arg21[%swap3A_830], %add3A_825 {strides = array<i32>} : memref<3072xf32, #tpu.memory_space<vmem>>, vector<16xf32>,
      %slice3A_832 = vector.extract_strided_slice %get3A_197 {offsets = [15], sizes = [1], strides = [1]} : vector<16xi32> to vector<1xi32>
      %squeeze3A_833 = vector.extract %slice3A_832[0] : i32 from vector<1xi32>
      %slice3A_834 = vector.extract_strided_slice %get3A_201 {offsets = [15], sizes = [1], strides = [1]} : vector<16xi32> to vector<1xi32>
      %squeeze3A_835 = vector.extract %slice3A_834[0] : i32 from vector<1xi32>
      %slice3A_836 = vector.extract_strided_slice %mul3A_203 {offsets = [15], sizes = [1], strides = [1]} : vector<16xf32> to vector<1xf32>
      %squeeze3A_837 = vector.extract %slice3A_836[0] : f32 from vector<1xf32>
      %mul3A_838 = arith.constant 32 : i32
      %mul3A_839 = arith.muli %squeeze3A_833, %mul3A_838 : i32
      %get3A_840 = arith.index_cast %mul3A_839 : i32 to index
      %get3A_841 = tpu.vector_load %arg14[%get3A_840] {strides = array<i32>} : memref<3072xf32, #tpu.memory_space<vmem>>, vector<16xf32>,
      %mul3A_842 = vector.broadcast %squeeze3A_837 : f32 to vector<16xf32>
      %mul3A_843 = arith.mulf %mul3A_842, %get3A_841 : vector<16xf32>
      %mul3A_844 = arith.constant 32 : i32
      %mul3A_845 = arith.muli %squeeze3A_833, %mul3A_844 : i32
      %add3A_846 = arith.constant 16 : i32
      %add3A_847 = arith.addi %mul3A_845, %add3A_846 : i32
      %get3A_848 = arith.index_cast %add3A_847 : i32 to index
      %get3A_849 = tpu.vector_load %arg14[%get3A_848] {strides = array<i32>} : memref<3072xf32, #tpu.memory_space<vmem>>, vector<16xf32>,
      %mul3A_850 = vector.broadcast %squeeze3A_837 : f32 to vector<16xf32>
      %mul3A_851 = arith.mulf %mul3A_850, %get3A_849 : vector<16xf32>
      %mul3A_852 = arith.constant 32 : i32
      %mul3A_853 = arith.muli %squeeze3A_835, %mul3A_852 : i32
      %get3A_854 = arith.index_cast %mul3A_853 : i32 to index
      %get3A_855 = tpu.vector_load %arg21[%get3A_854] {strides = array<i32>} : memref<3072xf32, #tpu.memory_space<vmem>>, vector<16xf32>,
      %add3A_856 = arith.addf %get3A_855, %mul3A_843 : vector<16xf32>
      %mul3A_857 = arith.constant 32 : i32
      %mul3A_858 = arith.muli %squeeze3A_835, %mul3A_857 : i32
      %swap3A_859 = arith.index_cast %mul3A_858 : i32 to index
      %swap3A_860 = tpu.vector_load %arg21[%swap3A_859] {strides = array<i32>} : memref<3072xf32, #tpu.memory_space<vmem>>, vector<16xf32>,
      tpu.vector_store %arg21[%swap3A_859], %add3A_856 {strides = array<i32>} : memref<3072xf32, #tpu.memory_space<vmem>>, vector<16xf32>,
      %mul3A_861 = arith.constant 32 : i32
      %mul3A_862 = arith.muli %squeeze3A_835, %mul3A_861 : i32
      %add3A_863 = arith.constant 16 : i32
      %add3A_864 = arith.addi %mul3A_862, %add3A_863 : i32
      %get3A_865 = arith.index_cast %add3A_864 : i32 to index
      %get3A_866 = tpu.vector_load %arg21[%get3A_865] {strides = array<i32>} : memref<3072xf32, #tpu.memory_space<vmem>>, vector<16xf32>,
      %add3A_867 = arith.addf %get3A_866, %mul3A_851 : vector<16xf32>
      %mul3A_868 = arith.constant 32 : i32
      %mul3A_869 = arith.muli %squeeze3A_835, %mul3A_868 : i32
      %add3A_870 = arith.constant 16 : i32
      %add3A_871 = arith.addi %mul3A_869, %add3A_870 : i32
      %swap3A_872 = arith.index_cast %add3A_871 : i32 to index
      %swap3A_873 = tpu.vector_load %arg21[%swap3A_872] {strides = array<i32>} : memref<3072xf32, #tpu.memory_space<vmem>>, vector<16xf32>,
      tpu.vector_store %arg21[%swap3A_872], %add3A_867 {strides = array<i32>} : memref<3072xf32, #tpu.memory_space<vmem>>, vector<16xf32>,
    }
    %scan3A_155 = arith.constant 6 : i32
    %mul3A_156 = arith.constant 96 : i32
    %mul3A_157 = arith.muli %arg1, %mul3A_156 : i32
    %mul3A_158 = arith.constant 32 : i32
    %mul3A_159 = arith.muli %mul3A_157, %mul3A_158 : i32
    "tpu.region"() ({
      %run_scoped3A = tpu.sem_alloc : memref<!tpu.dma_semaphore, #tpu.memory_space<semaphore_mem>>
      %dma_start3A_194 = tpu.memref_slice %arg35[%mul3A_159] : memref<49152xf32, #tpu.memory_space<vmem_shared>> -> memref<3072xf32, #tpu.memory_space<vmem_shared>>
      %dma_start3A_195 = tpu.memref_slice %arg35[%mul3A_159] : memref<49152xf32, #tpu.memory_space<vmem_shared>> -> memref<3072xf32, #tpu.memory_space<vmem_shared>>
      tpu.enqueue_dma source(%arg21 : memref<3072xf32, #tpu.memory_space<vmem>>) target(%dma_start3A_195 : memref<3072xf32, #tpu.memory_space<vmem_shared>>) target_semaphore(%run_scoped3A : memref<!tpu.dma_semaphore, #tpu.memory_space<semaphore_mem>>)
      %dma_wait3A_196 = tpu.memref_slice %arg35[%mul3A_159] : memref<49152xf32, #tpu.memory_space<vmem_shared>> -> memref<3072xf32, #tpu.memory_space<vmem_shared>>
      %dma_wait3A_197 = tpu.memref_slice %arg35[%mul3A_159] : memref<49152xf32, #tpu.memory_space<vmem_shared>> -> memref<3072xf32, #tpu.memory_space<vmem_shared>>
      tpu.wait_dma2 semaphore(%run_scoped3A : memref<!tpu.dma_semaphore, #tpu.memory_space<semaphore_mem>>) src(%arg21 : memref<3072xf32, #tpu.memory_space<vmem>>) dst(%dma_wait3A_197 : memref<3072xf32, #tpu.memory_space<vmem_shared>>)
      tpu.yield
    }) : () -> ()
    %barrier3A_160 = arith.constant 0 : index
    tpu.barrier barrier_id(%barrier3A_160)
    %scan3A_161 = arith.constant 0 : i32
    %scan3A_162 = arith.constant 0 : i32
    %scan3A_163 = arith.constant 16 : i32
    %scan3A_164 = arith.addi %scan3A_162, %scan3A_163 : i32
    %scan3A_165 = arith.constant 1 : i32
    scf.for %scan3A_194 = %scan3A_162 to %scan3A_164 step %scan3A_165  : i32 {
      %mul3A_195 = arith.constant 96 : i32
      %mul3A_196 = arith.muli %scan3A_194, %mul3A_195 : i32
      %mul3A_197 = arith.constant 32 : i32
      %mul3A_198 = arith.muli %mul3A_196, %mul3A_197 : i32
      %mul3A_199 = arith.constant 6 : i32
      %mul3A_200 = arith.muli %arg1, %mul3A_199 : i32
      %mul3A_201 = arith.constant 32 : i32
      %mul3A_202 = arith.muli %mul3A_200, %mul3A_201 : i32
      %add3A_203 = arith.addi %mul3A_198, %mul3A_202 : i32
      %mul3A_204 = arith.constant 6 : i32
      %mul3A_205 = arith.muli %scan3A_194, %mul3A_204 : i32
      %mul3A_206 = arith.constant 32 : i32
      %mul3A_207 = arith.muli %mul3A_205, %mul3A_206 : i32
      %dma_start3A_208 = tpu.memref_slice %arg22[%mul3A_207] : memref<3072xf32, #tpu.memory_space<vmem>> -> memref<192xf32, #tpu.memory_space<vmem>>
      %dma_start3A_209 = tpu.memref_slice %arg35[%add3A_203] : memref<49152xf32, #tpu.memory_space<vmem_shared>> -> memref<192xf32, #tpu.memory_space<vmem_shared>>
      %dma_start3A_210 = tpu.memref_slice %arg22[%mul3A_207] : memref<3072xf32, #tpu.memory_space<vmem>> -> memref<192xf32, #tpu.memory_space<vmem>>
      %dma_start3A_211 = tpu.memref_slice %arg35[%add3A_203] : memref<49152xf32, #tpu.memory_space<vmem_shared>> -> memref<192xf32, #tpu.memory_space<vmem_shared>>
      tpu.enqueue_dma source(%dma_start3A_211 : memref<192xf32, #tpu.memory_space<vmem_shared>>) target(%dma_start3A_210 : memref<192xf32, #tpu.memory_space<vmem>>) target_semaphore(%arg31 : memref<!tpu.dma_semaphore, #tpu.memory_space<semaphore_mem>>)
    }
    %scan3A_166 = arith.constant 16 : i32
    %scan3A_167 = arith.constant 0 : i32
    %scan3A_168 = arith.constant 0 : i32
    %scan3A_169 = arith.constant 16 : i32
    %scan3A_170 = arith.addi %scan3A_168, %scan3A_169 : i32
    %scan3A_171 = arith.constant 1 : i32
    scf.for %scan3A_194 = %scan3A_168 to %scan3A_170 step %scan3A_171  : i32 {
      %mul3A_195 = arith.constant 96 : i32
      %mul3A_196 = arith.muli %scan3A_194, %mul3A_195 : i32
      %mul3A_197 = arith.constant 32 : i32
      %mul3A_198 = arith.muli %mul3A_196, %mul3A_197 : i32
      %mul3A_199 = arith.constant 6 : i32
      %mul3A_200 = arith.muli %arg1, %mul3A_199 : i32
      %mul3A_201 = arith.constant 32 : i32
      %mul3A_202 = arith.muli %mul3A_200, %mul3A_201 : i32
      %add3A_203 = arith.addi %mul3A_198, %mul3A_202 : i32
      %mul3A_204 = arith.constant 6 : i32
      %mul3A_205 = arith.muli %scan3A_194, %mul3A_204 : i32
      %mul3A_206 = arith.constant 32 : i32
      %mul3A_207 = arith.muli %mul3A_205, %mul3A_206 : i32
      %dma_wait3A_208 = tpu.memref_slice %arg22[%mul3A_207] : memref<3072xf32, #tpu.memory_space<vmem>> -> memref<192xf32, #tpu.memory_space<vmem>>
      %dma_wait3A_209 = tpu.memref_slice %arg35[%add3A_203] : memref<49152xf32, #tpu.memory_space<vmem_shared>> -> memref<192xf32, #tpu.memory_space<vmem_shared>>
      %dma_wait3A_210 = tpu.memref_slice %arg22[%mul3A_207] : memref<3072xf32, #tpu.memory_space<vmem>> -> memref<192xf32, #tpu.memory_space<vmem>>
      %dma_wait3A_211 = tpu.memref_slice %arg35[%add3A_203] : memref<49152xf32, #tpu.memory_space<vmem_shared>> -> memref<192xf32, #tpu.memory_space<vmem_shared>>
      tpu.wait_dma2 semaphore(%arg31 : memref<!tpu.dma_semaphore, #tpu.memory_space<semaphore_mem>>) src(%dma_wait3A_211 : memref<192xf32, #tpu.memory_space<vmem_shared>>) dst(%dma_wait3A_210 : memref<192xf32, #tpu.memory_space<vmem>>)
    }
    %scan3A_172 = arith.constant 16 : i32
    %scan3A_173 = arith.constant 0 : i32
    %scan3A_174 = arith.constant 0 : i32
    %scan3A_175 = arith.constant 6 : i32
    %scan3A_176 = arith.addi %scan3A_174, %scan3A_175 : i32
    %scan3A_177 = arith.constant 1 : i32
    scf.for %scan3A_194 = %scan3A_174 to %scan3A_176 step %scan3A_177  : i32 {
      %get3A = arith.constant 0 : index
      %get3A_195 = tpu.vector_load %arg24[%get3A] {strides = array<i32>} : memref<32xf32, #tpu.memory_space<vmem>>, vector<16xf32>,
      %get3A_196 = arith.constant 16 : index
      %get3A_197 = tpu.vector_load %arg24[%get3A_196] {strides = array<i32>} : memref<32xf32, #tpu.memory_space<vmem>>, vector<16xf32>,
      %mul3A_198 = arith.constant 32 : i32
      %mul3A_199 = arith.muli %scan3A_194, %mul3A_198 : i32
      %add3A_200 = arith.constant 0 : i32
      %add3A_201 = arith.addi %add3A_200, %mul3A_199 : i32
      %get3A_202 = arith.index_cast %add3A_201 : i32 to index
      %get3A_203 = tpu.vector_load %arg22[%get3A_202] {strides = array<i32>} : memref<3072xf32, #tpu.memory_space<vmem>>, vector<16xf32>,
      %add3A_204 = arith.addf %get3A_195, %get3A_203 : vector<16xf32>
      %mul3A_205 = arith.constant 32 : i32
      %mul3A_206 = arith.muli %scan3A_194, %mul3A_205 : i32
      %add3A_207 = arith.constant 0 : i32
      %add3A_208 = arith.addi %add3A_207, %mul3A_206 : i32
      %add3A_209 = arith.constant 16 : i32
      %add3A_210 = arith.addi %add3A_208, %add3A_209 : i32
      %get3A_211 = arith.index_cast %add3A_210 : i32 to index
      %get3A_212 = tpu.vector_load %arg22[%get3A_211] {strides = array<i32>} : memref<3072xf32, #tpu.memory_space<vmem>>, vector<16xf32>,
      %add3A_213 = arith.addf %get3A_197, %get3A_212 : vector<16xf32>
      %mul3A_214 = arith.constant 32 : i32
      %mul3A_215 = arith.muli %scan3A_194, %mul3A_214 : i32
      %add3A_216 = arith.constant 192 : i32
      %add3A_217 = arith.addi %add3A_216, %mul3A_215 : i32
      %get3A_218 = arith.index_cast %add3A_217 : i32 to index
      %get3A_219 = tpu.vector_load %arg22[%get3A_218] {strides = array<i32>} : memref<3072xf32, #tpu.memory_space<vmem>>, vector<16xf32>,
      %add3A_220 = arith.addf %add3A_204, %get3A_219 : vector<16xf32>
      %mul3A_221 = arith.constant 32 : i32
      %mul3A_222 = arith.muli %scan3A_194, %mul3A_221 : i32
      %add3A_223 = arith.constant 192 : i32
      %add3A_224 = arith.addi %add3A_223, %mul3A_222 : i32
      %add3A_225 = arith.constant 16 : i32
      %add3A_226 = arith.addi %add3A_224, %add3A_225 : i32
      %get3A_227 = arith.index_cast %add3A_226 : i32 to index
      %get3A_228 = tpu.vector_load %arg22[%get3A_227] {strides = array<i32>} : memref<3072xf32, #tpu.memory_space<vmem>>, vector<16xf32>,
      %add3A_229 = arith.addf %add3A_213, %get3A_228 : vector<16xf32>
      %mul3A_230 = arith.constant 32 : i32
      %mul3A_231 = arith.muli %scan3A_194, %mul3A_230 : i32
      %add3A_232 = arith.constant 384 : i32
      %add3A_233 = arith.addi %add3A_232, %mul3A_231 : i32
      %get3A_234 = arith.index_cast %add3A_233 : i32 to index
      %get3A_235 = tpu.vector_load %arg22[%get3A_234] {strides = array<i32>} : memref<3072xf32, #tpu.memory_space<vmem>>, vector<16xf32>,
      %add3A_236 = arith.addf %add3A_220, %get3A_235 : vector<16xf32>
      %mul3A_237 = arith.constant 32 : i32
      %mul3A_238 = arith.muli %scan3A_194, %mul3A_237 : i32
      %add3A_239 = arith.constant 384 : i32
      %add3A_240 = arith.addi %add3A_239, %mul3A_238 : i32
      %add3A_241 = arith.constant 16 : i32
      %add3A_242 = arith.addi %add3A_240, %add3A_241 : i32
      %get3A_243 = arith.index_cast %add3A_242 : i32 to index
      %get3A_244 = tpu.vector_load %arg22[%get3A_243] {strides = array<i32>} : memref<3072xf32, #tpu.memory_space<vmem>>, vector<16xf32>,
      %add3A_245 = arith.addf %add3A_229, %get3A_244 : vector<16xf32>
      %mul3A_246 = arith.constant 32 : i32
      %mul3A_247 = arith.muli %scan3A_194, %mul3A_246 : i32
      %add3A_248 = arith.constant 576 : i32
      %add3A_249 = arith.addi %add3A_248, %mul3A_247 : i32
      %get3A_250 = arith.index_cast %add3A_249 : i32 to index
      %get3A_251 = tpu.vector_load %arg22[%get3A_250] {strides = array<i32>} : memref<3072xf32, #tpu.memory_space<vmem>>, vector<16xf32>,
      %add3A_252 = arith.addf %add3A_236, %get3A_251 : vector<16xf32>
      %mul3A_253 = arith.constant 32 : i32
      %mul3A_254 = arith.muli %scan3A_194, %mul3A_253 : i32
      %add3A_255 = arith.constant 576 : i32
      %add3A_256 = arith.addi %add3A_255, %mul3A_254 : i32
      %add3A_257 = arith.constant 16 : i32
      %add3A_258 = arith.addi %add3A_256, %add3A_257 : i32
      %get3A_259 = arith.index_cast %add3A_258 : i32 to index
      %get3A_260 = tpu.vector_load %arg22[%get3A_259] {strides = array<i32>} : memref<3072xf32, #tpu.memory_space<vmem>>, vector<16xf32>,
      %add3A_261 = arith.addf %add3A_245, %get3A_260 : vector<16xf32>
      %mul3A_262 = arith.constant 32 : i32
      %mul3A_263 = arith.muli %scan3A_194, %mul3A_262 : i32
      %add3A_264 = arith.constant 768 : i32
      %add3A_265 = arith.addi %add3A_264, %mul3A_263 : i32
      %get3A_266 = arith.index_cast %add3A_265 : i32 to index
      %get3A_267 = tpu.vector_load %arg22[%get3A_266] {strides = array<i32>} : memref<3072xf32, #tpu.memory_space<vmem>>, vector<16xf32>,
      %add3A_268 = arith.addf %add3A_252, %get3A_267 : vector<16xf32>
      %mul3A_269 = arith.constant 32 : i32
      %mul3A_270 = arith.muli %scan3A_194, %mul3A_269 : i32
      %add3A_271 = arith.constant 768 : i32
      %add3A_272 = arith.addi %add3A_271, %mul3A_270 : i32
      %add3A_273 = arith.constant 16 : i32
      %add3A_274 = arith.addi %add3A_272, %add3A_273 : i32
      %get3A_275 = arith.index_cast %add3A_274 : i32 to index
      %get3A_276 = tpu.vector_load %arg22[%get3A_275] {strides = array<i32>} : memref<3072xf32, #tpu.memory_space<vmem>>, vector<16xf32>,
      %add3A_277 = arith.addf %add3A_261, %get3A_276 : vector<16xf32>
      %mul3A_278 = arith.constant 32 : i32
      %mul3A_279 = arith.muli %scan3A_194, %mul3A_278 : i32
      %add3A_280 = arith.constant 960 : i32
      %add3A_281 = arith.addi %add3A_280, %mul3A_279 : i32
      %get3A_282 = arith.index_cast %add3A_281 : i32 to index
      %get3A_283 = tpu.vector_load %arg22[%get3A_282] {strides = array<i32>} : memref<3072xf32, #tpu.memory_space<vmem>>, vector<16xf32>,
      %add3A_284 = arith.addf %add3A_268, %get3A_283 : vector<16xf32>
      %mul3A_285 = arith.constant 32 : i32
      %mul3A_286 = arith.muli %scan3A_194, %mul3A_285 : i32
      %add3A_287 = arith.constant 960 : i32
      %add3A_288 = arith.addi %add3A_287, %mul3A_286 : i32
      %add3A_289 = arith.constant 16 : i32
      %add3A_290 = arith.addi %add3A_288, %add3A_289 : i32
      %get3A_291 = arith.index_cast %add3A_290 : i32 to index
      %get3A_292 = tpu.vector_load %arg22[%get3A_291] {strides = array<i32>} : memref<3072xf32, #tpu.memory_space<vmem>>, vector<16xf32>,
      %add3A_293 = arith.addf %add3A_277, %get3A_292 : vector<16xf32>
      %mul3A_294 = arith.constant 32 : i32
      %mul3A_295 = arith.muli %scan3A_194, %mul3A_294 : i32
      %add3A_296 = arith.constant 1152 : i32
      %add3A_297 = arith.addi %add3A_296, %mul3A_295 : i32
      %get3A_298 = arith.index_cast %add3A_297 : i32 to index
      %get3A_299 = tpu.vector_load %arg22[%get3A_298] {strides = array<i32>} : memref<3072xf32, #tpu.memory_space<vmem>>, vector<16xf32>,
      %add3A_300 = arith.addf %add3A_284, %get3A_299 : vector<16xf32>
      %mul3A_301 = arith.constant 32 : i32
      %mul3A_302 = arith.muli %scan3A_194, %mul3A_301 : i32
      %add3A_303 = arith.constant 1152 : i32
      %add3A_304 = arith.addi %add3A_303, %mul3A_302 : i32
      %add3A_305 = arith.constant 16 : i32
      %add3A_306 = arith.addi %add3A_304, %add3A_305 : i32
      %get3A_307 = arith.index_cast %add3A_306 : i32 to index
      %get3A_308 = tpu.vector_load %arg22[%get3A_307] {strides = array<i32>} : memref<3072xf32, #tpu.memory_space<vmem>>, vector<16xf32>,
      %add3A_309 = arith.addf %add3A_293, %get3A_308 : vector<16xf32>
      %mul3A_310 = arith.constant 32 : i32
      %mul3A_311 = arith.muli %scan3A_194, %mul3A_310 : i32
      %add3A_312 = arith.constant 1344 : i32
      %add3A_313 = arith.addi %add3A_312, %mul3A_311 : i32
      %get3A_314 = arith.index_cast %add3A_313 : i32 to index
      %get3A_315 = tpu.vector_load %arg22[%get3A_314] {strides = array<i32>} : memref<3072xf32, #tpu.memory_space<vmem>>, vector<16xf32>,
      %add3A_316 = arith.addf %add3A_300, %get3A_315 : vector<16xf32>
      %mul3A_317 = arith.constant 32 : i32
      %mul3A_318 = arith.muli %scan3A_194, %mul3A_317 : i32
      %add3A_319 = arith.constant 1344 : i32
      %add3A_320 = arith.addi %add3A_319, %mul3A_318 : i32
      %add3A_321 = arith.constant 16 : i32
      %add3A_322 = arith.addi %add3A_320, %add3A_321 : i32
      %get3A_323 = arith.index_cast %add3A_322 : i32 to index
      %get3A_324 = tpu.vector_load %arg22[%get3A_323] {strides = array<i32>} : memref<3072xf32, #tpu.memory_space<vmem>>, vector<16xf32>,
      %add3A_325 = arith.addf %add3A_309, %get3A_324 : vector<16xf32>
      %mul3A_326 = arith.constant 32 : i32
      %mul3A_327 = arith.muli %scan3A_194, %mul3A_326 : i32
      %add3A_328 = arith.constant 1536 : i32
      %add3A_329 = arith.addi %add3A_328, %mul3A_327 : i32
      %get3A_330 = arith.index_cast %add3A_329 : i32 to index
      %get3A_331 = tpu.vector_load %arg22[%get3A_330] {strides = array<i32>} : memref<3072xf32, #tpu.memory_space<vmem>>, vector<16xf32>,
      %add3A_332 = arith.addf %add3A_316, %get3A_331 : vector<16xf32>
      %mul3A_333 = arith.constant 32 : i32
      %mul3A_334 = arith.muli %scan3A_194, %mul3A_333 : i32
      %add3A_335 = arith.constant 1536 : i32
      %add3A_336 = arith.addi %add3A_335, %mul3A_334 : i32
      %add3A_337 = arith.constant 16 : i32
      %add3A_338 = arith.addi %add3A_336, %add3A_337 : i32
      %get3A_339 = arith.index_cast %add3A_338 : i32 to index
      %get3A_340 = tpu.vector_load %arg22[%get3A_339] {strides = array<i32>} : memref<3072xf32, #tpu.memory_space<vmem>>, vector<16xf32>,
      %add3A_341 = arith.addf %add3A_325, %get3A_340 : vector<16xf32>
      %mul3A_342 = arith.constant 32 : i32
      %mul3A_343 = arith.muli %scan3A_194, %mul3A_342 : i32
      %add3A_344 = arith.constant 1728 : i32
      %add3A_345 = arith.addi %add3A_344, %mul3A_343 : i32
      %get3A_346 = arith.index_cast %add3A_345 : i32 to index
      %get3A_347 = tpu.vector_load %arg22[%get3A_346] {strides = array<i32>} : memref<3072xf32, #tpu.memory_space<vmem>>, vector<16xf32>,
      %add3A_348 = arith.addf %add3A_332, %get3A_347 : vector<16xf32>
      %mul3A_349 = arith.constant 32 : i32
      %mul3A_350 = arith.muli %scan3A_194, %mul3A_349 : i32
      %add3A_351 = arith.constant 1728 : i32
      %add3A_352 = arith.addi %add3A_351, %mul3A_350 : i32
      %add3A_353 = arith.constant 16 : i32
      %add3A_354 = arith.addi %add3A_352, %add3A_353 : i32
      %get3A_355 = arith.index_cast %add3A_354 : i32 to index
      %get3A_356 = tpu.vector_load %arg22[%get3A_355] {strides = array<i32>} : memref<3072xf32, #tpu.memory_space<vmem>>, vector<16xf32>,
      %add3A_357 = arith.addf %add3A_341, %get3A_356 : vector<16xf32>
      %mul3A_358 = arith.constant 32 : i32
      %mul3A_359 = arith.muli %scan3A_194, %mul3A_358 : i32
      %add3A_360 = arith.constant 1920 : i32
      %add3A_361 = arith.addi %add3A_360, %mul3A_359 : i32
      %get3A_362 = arith.index_cast %add3A_361 : i32 to index
      %get3A_363 = tpu.vector_load %arg22[%get3A_362] {strides = array<i32>} : memref<3072xf32, #tpu.memory_space<vmem>>, vector<16xf32>,
      %add3A_364 = arith.addf %add3A_348, %get3A_363 : vector<16xf32>
      %mul3A_365 = arith.constant 32 : i32
      %mul3A_366 = arith.muli %scan3A_194, %mul3A_365 : i32
      %add3A_367 = arith.constant 1920 : i32
      %add3A_368 = arith.addi %add3A_367, %mul3A_366 : i32
      %add3A_369 = arith.constant 16 : i32
      %add3A_370 = arith.addi %add3A_368, %add3A_369 : i32
      %get3A_371 = arith.index_cast %add3A_370 : i32 to index
      %get3A_372 = tpu.vector_load %arg22[%get3A_371] {strides = array<i32>} : memref<3072xf32, #tpu.memory_space<vmem>>, vector<16xf32>,
      %add3A_373 = arith.addf %add3A_357, %get3A_372 : vector<16xf32>
      %mul3A_374 = arith.constant 32 : i32
      %mul3A_375 = arith.muli %scan3A_194, %mul3A_374 : i32
      %add3A_376 = arith.constant 2112 : i32
      %add3A_377 = arith.addi %add3A_376, %mul3A_375 : i32
      %get3A_378 = arith.index_cast %add3A_377 : i32 to index
      %get3A_379 = tpu.vector_load %arg22[%get3A_378] {strides = array<i32>} : memref<3072xf32, #tpu.memory_space<vmem>>, vector<16xf32>,
      %add3A_380 = arith.addf %add3A_364, %get3A_379 : vector<16xf32>
      %mul3A_381 = arith.constant 32 : i32
      %mul3A_382 = arith.muli %scan3A_194, %mul3A_381 : i32
      %add3A_383 = arith.constant 2112 : i32
      %add3A_384 = arith.addi %add3A_383, %mul3A_382 : i32
      %add3A_385 = arith.constant 16 : i32
      %add3A_386 = arith.addi %add3A_384, %add3A_385 : i32
      %get3A_387 = arith.index_cast %add3A_386 : i32 to index
      %get3A_388 = tpu.vector_load %arg22[%get3A_387] {strides = array<i32>} : memref<3072xf32, #tpu.memory_space<vmem>>, vector<16xf32>,
      %add3A_389 = arith.addf %add3A_373, %get3A_388 : vector<16xf32>
      %mul3A_390 = arith.constant 32 : i32
      %mul3A_391 = arith.muli %scan3A_194, %mul3A_390 : i32
      %add3A_392 = arith.constant 2304 : i32
      %add3A_393 = arith.addi %add3A_392, %mul3A_391 : i32
      %get3A_394 = arith.index_cast %add3A_393 : i32 to index
      %get3A_395 = tpu.vector_load %arg22[%get3A_394] {strides = array<i32>} : memref<3072xf32, #tpu.memory_space<vmem>>, vector<16xf32>,
      %add3A_396 = arith.addf %add3A_380, %get3A_395 : vector<16xf32>
      %mul3A_397 = arith.constant 32 : i32
      %mul3A_398 = arith.muli %scan3A_194, %mul3A_397 : i32
      %add3A_399 = arith.constant 2304 : i32
      %add3A_400 = arith.addi %add3A_399, %mul3A_398 : i32
      %add3A_401 = arith.constant 16 : i32
      %add3A_402 = arith.addi %add3A_400, %add3A_401 : i32
      %get3A_403 = arith.index_cast %add3A_402 : i32 to index
      %get3A_404 = tpu.vector_load %arg22[%get3A_403] {strides = array<i32>} : memref<3072xf32, #tpu.memory_space<vmem>>, vector<16xf32>,
      %add3A_405 = arith.addf %add3A_389, %get3A_404 : vector<16xf32>
      %mul3A_406 = arith.constant 32 : i32
      %mul3A_407 = arith.muli %scan3A_194, %mul3A_406 : i32
      %add3A_408 = arith.constant 2496 : i32
      %add3A_409 = arith.addi %add3A_408, %mul3A_407 : i32
      %get3A_410 = arith.index_cast %add3A_409 : i32 to index
      %get3A_411 = tpu.vector_load %arg22[%get3A_410] {strides = array<i32>} : memref<3072xf32, #tpu.memory_space<vmem>>, vector<16xf32>,
      %add3A_412 = arith.addf %add3A_396, %get3A_411 : vector<16xf32>
      %mul3A_413 = arith.constant 32 : i32
      %mul3A_414 = arith.muli %scan3A_194, %mul3A_413 : i32
      %add3A_415 = arith.constant 2496 : i32
      %add3A_416 = arith.addi %add3A_415, %mul3A_414 : i32
      %add3A_417 = arith.constant 16 : i32
      %add3A_418 = arith.addi %add3A_416, %add3A_417 : i32
      %get3A_419 = arith.index_cast %add3A_418 : i32 to index
      %get3A_420 = tpu.vector_load %arg22[%get3A_419] {strides = array<i32>} : memref<3072xf32, #tpu.memory_space<vmem>>, vector<16xf32>,
      %add3A_421 = arith.addf %add3A_405, %get3A_420 : vector<16xf32>
      %mul3A_422 = arith.constant 32 : i32
      %mul3A_423 = arith.muli %scan3A_194, %mul3A_422 : i32
      %add3A_424 = arith.constant 2688 : i32
      %add3A_425 = arith.addi %add3A_424, %mul3A_423 : i32
      %get3A_426 = arith.index_cast %add3A_425 : i32 to index
      %get3A_427 = tpu.vector_load %arg22[%get3A_426] {strides = array<i32>} : memref<3072xf32, #tpu.memory_space<vmem>>, vector<16xf32>,
      %add3A_428 = arith.addf %add3A_412, %get3A_427 : vector<16xf32>
      %mul3A_429 = arith.constant 32 : i32
      %mul3A_430 = arith.muli %scan3A_194, %mul3A_429 : i32
      %add3A_431 = arith.constant 2688 : i32
      %add3A_432 = arith.addi %add3A_431, %mul3A_430 : i32
      %add3A_433 = arith.constant 16 : i32
      %add3A_434 = arith.addi %add3A_432, %add3A_433 : i32
      %get3A_435 = arith.index_cast %add3A_434 : i32 to index
      %get3A_436 = tpu.vector_load %arg22[%get3A_435] {strides = array<i32>} : memref<3072xf32, #tpu.memory_space<vmem>>, vector<16xf32>,
      %add3A_437 = arith.addf %add3A_421, %get3A_436 : vector<16xf32>
      %mul3A_438 = arith.constant 32 : i32
      %mul3A_439 = arith.muli %scan3A_194, %mul3A_438 : i32
      %add3A_440 = arith.constant 2880 : i32
      %add3A_441 = arith.addi %add3A_440, %mul3A_439 : i32
      %get3A_442 = arith.index_cast %add3A_441 : i32 to index
      %get3A_443 = tpu.vector_load %arg22[%get3A_442] {strides = array<i32>} : memref<3072xf32, #tpu.memory_space<vmem>>, vector<16xf32>,
      %add3A_444 = arith.addf %add3A_428, %get3A_443 : vector<16xf32>
      %mul3A_445 = arith.constant 32 : i32
      %mul3A_446 = arith.muli %scan3A_194, %mul3A_445 : i32
      %add3A_447 = arith.constant 2880 : i32
      %add3A_448 = arith.addi %add3A_447, %mul3A_446 : i32
      %add3A_449 = arith.constant 16 : i32
      %add3A_450 = arith.addi %add3A_448, %add3A_449 : i32
      %get3A_451 = arith.index_cast %add3A_450 : i32 to index
      %get3A_452 = tpu.vector_load %arg22[%get3A_451] {strides = array<i32>} : memref<3072xf32, #tpu.memory_space<vmem>>, vector<16xf32>,
      %add3A_453 = arith.addf %add3A_437, %get3A_452 : vector<16xf32>
      %mul3A_454 = arith.constant 32 : i32
      %mul3A_455 = arith.muli %scan3A_194, %mul3A_454 : i32
      %swap3A_456 = arith.index_cast %mul3A_455 : i32 to index
      %swap3A_457 = tpu.vector_load %arg23[%swap3A_456] {strides = array<i32>} : memref<192xf32, #tpu.memory_space<vmem>>, vector<16xf32>,
      tpu.vector_store %arg23[%swap3A_456], %add3A_444 {strides = array<i32>} : memref<192xf32, #tpu.memory_space<vmem>>, vector<16xf32>,
      %mul3A_458 = arith.constant 32 : i32
      %mul3A_459 = arith.muli %scan3A_194, %mul3A_458 : i32
      %add3A_460 = arith.constant 16 : i32
      %add3A_461 = arith.addi %mul3A_459, %add3A_460 : i32
      %swap3A_462 = arith.index_cast %add3A_461 : i32 to index
      %swap3A_463 = tpu.vector_load %arg23[%swap3A_462] {strides = array<i32>} : memref<192xf32, #tpu.memory_space<vmem>>, vector<16xf32>,
      tpu.vector_store %arg23[%swap3A_462], %add3A_453 {strides = array<i32>} : memref<192xf32, #tpu.memory_space<vmem>>, vector<16xf32>,
    }
    %scan3A_178 = arith.constant 6 : i32
    %mul3A_179 = arith.constant 6 : i32
    %mul3A_180 = arith.muli %arg1, %mul3A_179 : i32
    %mul3A_181 = arith.constant 32 : i32
    %mul3A_182 = arith.muli %mul3A_180, %mul3A_181 : i32
    "tpu.region"() ({
      %run_scoped3A = tpu.sem_alloc : memref<!tpu.dma_semaphore, #tpu.memory_space<semaphore_mem>>
      %dma_start3A_194 = tpu.memref_slice %arg36[%mul3A_182] : memref<3072xf32, #tpu.memory_space<vmem_shared>> -> memref<192xf32, #tpu.memory_space<vmem_shared>>
      %dma_start3A_195 = tpu.memref_slice %arg36[%mul3A_182] : memref<3072xf32, #tpu.memory_space<vmem_shared>> -> memref<192xf32, #tpu.memory_space<vmem_shared>>
      tpu.enqueue_dma source(%arg23 : memref<192xf32, #tpu.memory_space<vmem>>) target(%dma_start3A_195 : memref<192xf32, #tpu.memory_space<vmem_shared>>) target_semaphore(%run_scoped3A : memref<!tpu.dma_semaphore, #tpu.memory_space<semaphore_mem>>)
      %dma_wait3A_196 = tpu.memref_slice %arg36[%mul3A_182] : memref<3072xf32, #tpu.memory_space<vmem_shared>> -> memref<192xf32, #tpu.memory_space<vmem_shared>>
      %dma_wait3A_197 = tpu.memref_slice %arg36[%mul3A_182] : memref<3072xf32, #tpu.memory_space<vmem_shared>> -> memref<192xf32, #tpu.memory_space<vmem_shared>>
      tpu.wait_dma2 semaphore(%run_scoped3A : memref<!tpu.dma_semaphore, #tpu.memory_space<semaphore_mem>>) src(%arg23 : memref<192xf32, #tpu.memory_space<vmem>>) dst(%dma_wait3A_197 : memref<192xf32, #tpu.memory_space<vmem_shared>>)
      tpu.yield
    }) : () -> ()
    %barrier3A_183 = arith.constant 0 : index
    tpu.barrier barrier_id(%barrier3A_183)
    "tpu.region"() ({
      %run_scoped3A = tpu.sem_alloc : memref<!tpu.dma_semaphore, #tpu.memory_space<semaphore_mem>>
      tpu.enqueue_dma source(%arg36 : memref<3072xf32, #tpu.memory_space<vmem_shared>>) target(%arg25 : memref<3072xf32, #tpu.memory_space<vmem>>) target_semaphore(%run_scoped3A : memref<!tpu.dma_semaphore, #tpu.memory_space<semaphore_mem>>)
      tpu.wait_dma2 semaphore(%run_scoped3A : memref<!tpu.dma_semaphore, #tpu.memory_space<semaphore_mem>>) src(%arg36 : memref<3072xf32, #tpu.memory_space<vmem_shared>>) dst(%arg25 : memref<3072xf32, #tpu.memory_space<vmem>>)
      tpu.yield
    }) : () -> ()
    %scan3A_184 = arith.constant 0 : i32
    %scan3A_185 = arith.constant 0 : i32
    %scan3A_186 = arith.constant 7 : i32
    %scan3A_187 = arith.addi %scan3A_185, %scan3A_186 : i32
    %scan3A_188 = arith.constant 1 : i32
    scf.for %scan3A_194 = %scan3A_185 to %scan3A_187 step %scan3A_188  : i32 {
      %mul3A_195 = arith.constant 32 : i32
      %mul3A_196 = arith.muli %scan3A_194, %mul3A_195 : i32
      %get3A = arith.index_cast %mul3A_196 : i32 to index
      %get3A_197 = tpu.vector_load %arg29[%get3A] {strides = array<i32>} : memref<224xi32, #tpu.memory_space<vmem>>, vector<16xi32>,
      %mul3A_198 = arith.constant 32 : i32
      %mul3A_199 = arith.muli %scan3A_194, %mul3A_198 : i32
      %add3A_200 = arith.constant 16 : i32
      %add3A_201 = arith.addi %mul3A_199, %add3A_200 : i32
      %get3A_202 = arith.index_cast %add3A_201 : i32 to index
      %get3A_203 = tpu.vector_load %arg29[%get3A_202] {strides = array<i32>} : memref<224xi32, #tpu.memory_space<vmem>>, vector<16xi32>,
      %gather3A = tpu.vector_load_idx %arg25[%get3A_197] : memref<3072xf32, #tpu.memory_space<vmem>>[vector<16xi32>], vector<16xf32>,
      %max3A = arith.constant 0.000000e+00 : f32
      %max3A_204 = vector.broadcast %max3A : f32 to vector<16xf32>
      %max3A_205 = arith.maximumf %gather3A, %max3A_204 : vector<16xf32>
      %gather3A_206 = tpu.vector_load_idx %arg25[%get3A_203] : memref<3072xf32, #tpu.memory_space<vmem>>[vector<16xi32>], vector<16xf32>,
      %max3A_207 = arith.constant 0.000000e+00 : f32
      %max3A_208 = vector.broadcast %max3A_207 : f32 to vector<16xf32>
      %max3A_209 = arith.maximumf %gather3A_206, %max3A_208 : vector<16xf32>
      %get3A_210 = arith.constant 0 : index
      %get3A_211 = tpu.vector_load %arg28[%get3A_210] {strides = array<i32>} : memref<16xf32, #tpu.memory_space<vmem>>, vector<16xf32>,
      %slice3A = vector.extract_strided_slice %max3A_205 {offsets = [0], sizes = [1], strides = [1]} : vector<16xf32> to vector<1xf32>
      %squeeze3A = vector.extract %slice3A[0] : f32 from vector<1xf32>
      %get3A_212 = arith.constant 0 : index
      %get3A_213 = tpu.vector_load %arg27[%get3A_212] {strides = array<i32>} : memref<272xf32, #tpu.memory_space<vmem>>, vector<16xf32>,
      %mul3A_214 = vector.broadcast %squeeze3A : f32 to vector<16xf32>
      %mul3A_215 = arith.mulf %mul3A_214, %get3A_213 : vector<16xf32>
      %add3A_216 = arith.addf %get3A_211, %mul3A_215 : vector<16xf32>
      %slice3A_217 = vector.extract_strided_slice %max3A_205 {offsets = [1], sizes = [1], strides = [1]} : vector<16xf32> to vector<1xf32>
      %squeeze3A_218 = vector.extract %slice3A_217[0] : f32 from vector<1xf32>
      %get3A_219 = arith.constant 16 : index
      %get3A_220 = tpu.vector_load %arg27[%get3A_219] {strides = array<i32>} : memref<272xf32, #tpu.memory_space<vmem>>, vector<16xf32>,
      %mul3A_221 = vector.broadcast %squeeze3A_218 : f32 to vector<16xf32>
      %mul3A_222 = arith.mulf %mul3A_221, %get3A_220 : vector<16xf32>
      %add3A_223 = arith.addf %add3A_216, %mul3A_222 : vector<16xf32>
      %slice3A_224 = vector.extract_strided_slice %max3A_205 {offsets = [2], sizes = [1], strides = [1]} : vector<16xf32> to vector<1xf32>
      %squeeze3A_225 = vector.extract %slice3A_224[0] : f32 from vector<1xf32>
      %get3A_226 = arith.constant 32 : index
      %get3A_227 = tpu.vector_load %arg27[%get3A_226] {strides = array<i32>} : memref<272xf32, #tpu.memory_space<vmem>>, vector<16xf32>,
      %mul3A_228 = vector.broadcast %squeeze3A_225 : f32 to vector<16xf32>
      %mul3A_229 = arith.mulf %mul3A_228, %get3A_227 : vector<16xf32>
      %add3A_230 = arith.addf %add3A_223, %mul3A_229 : vector<16xf32>
      %slice3A_231 = vector.extract_strided_slice %max3A_205 {offsets = [3], sizes = [1], strides = [1]} : vector<16xf32> to vector<1xf32>
      %squeeze3A_232 = vector.extract %slice3A_231[0] : f32 from vector<1xf32>
      %get3A_233 = arith.constant 48 : index
      %get3A_234 = tpu.vector_load %arg27[%get3A_233] {strides = array<i32>} : memref<272xf32, #tpu.memory_space<vmem>>, vector<16xf32>,
      %mul3A_235 = vector.broadcast %squeeze3A_232 : f32 to vector<16xf32>
      %mul3A_236 = arith.mulf %mul3A_235, %get3A_234 : vector<16xf32>
      %add3A_237 = arith.addf %add3A_230, %mul3A_236 : vector<16xf32>
      %slice3A_238 = vector.extract_strided_slice %max3A_205 {offsets = [4], sizes = [1], strides = [1]} : vector<16xf32> to vector<1xf32>
      %squeeze3A_239 = vector.extract %slice3A_238[0] : f32 from vector<1xf32>
      %get3A_240 = arith.constant 64 : index
      %get3A_241 = tpu.vector_load %arg27[%get3A_240] {strides = array<i32>} : memref<272xf32, #tpu.memory_space<vmem>>, vector<16xf32>,
      %mul3A_242 = vector.broadcast %squeeze3A_239 : f32 to vector<16xf32>
      %mul3A_243 = arith.mulf %mul3A_242, %get3A_241 : vector<16xf32>
      %add3A_244 = arith.addf %add3A_237, %mul3A_243 : vector<16xf32>
      %slice3A_245 = vector.extract_strided_slice %max3A_205 {offsets = [5], sizes = [1], strides = [1]} : vector<16xf32> to vector<1xf32>
      %squeeze3A_246 = vector.extract %slice3A_245[0] : f32 from vector<1xf32>
      %get3A_247 = arith.constant 80 : index
      %get3A_248 = tpu.vector_load %arg27[%get3A_247] {strides = array<i32>} : memref<272xf32, #tpu.memory_space<vmem>>, vector<16xf32>,
      %mul3A_249 = vector.broadcast %squeeze3A_246 : f32 to vector<16xf32>
      %mul3A_250 = arith.mulf %mul3A_249, %get3A_248 : vector<16xf32>
      %add3A_251 = arith.addf %add3A_244, %mul3A_250 : vector<16xf32>
      %slice3A_252 = vector.extract_strided_slice %max3A_205 {offsets = [6], sizes = [1], strides = [1]} : vector<16xf32> to vector<1xf32>
      %squeeze3A_253 = vector.extract %slice3A_252[0] : f32 from vector<1xf32>
      %get3A_254 = arith.constant 96 : index
      %get3A_255 = tpu.vector_load %arg27[%get3A_254] {strides = array<i32>} : memref<272xf32, #tpu.memory_space<vmem>>, vector<16xf32>,
      %mul3A_256 = vector.broadcast %squeeze3A_253 : f32 to vector<16xf32>
      %mul3A_257 = arith.mulf %mul3A_256, %get3A_255 : vector<16xf32>
      %add3A_258 = arith.addf %add3A_251, %mul3A_257 : vector<16xf32>
      %slice3A_259 = vector.extract_strided_slice %max3A_205 {offsets = [7], sizes = [1], strides = [1]} : vector<16xf32> to vector<1xf32>
      %squeeze3A_260 = vector.extract %slice3A_259[0] : f32 from vector<1xf32>
      %get3A_261 = arith.constant 112 : index
      %get3A_262 = tpu.vector_load %arg27[%get3A_261] {strides = array<i32>} : memref<272xf32, #tpu.memory_space<vmem>>, vector<16xf32>,
      %mul3A_263 = vector.broadcast %squeeze3A_260 : f32 to vector<16xf32>
      %mul3A_264 = arith.mulf %mul3A_263, %get3A_262 : vector<16xf32>
      %add3A_265 = arith.addf %add3A_258, %mul3A_264 : vector<16xf32>
      %slice3A_266 = vector.extract_strided_slice %max3A_205 {offsets = [8], sizes = [1], strides = [1]} : vector<16xf32> to vector<1xf32>
      %squeeze3A_267 = vector.extract %slice3A_266[0] : f32 from vector<1xf32>
      %get3A_268 = arith.constant 128 : index
      %get3A_269 = tpu.vector_load %arg27[%get3A_268] {strides = array<i32>} : memref<272xf32, #tpu.memory_space<vmem>>, vector<16xf32>,
      %mul3A_270 = vector.broadcast %squeeze3A_267 : f32 to vector<16xf32>
      %mul3A_271 = arith.mulf %mul3A_270, %get3A_269 : vector<16xf32>
      %add3A_272 = arith.addf %add3A_265, %mul3A_271 : vector<16xf32>
      %slice3A_273 = vector.extract_strided_slice %max3A_205 {offsets = [9], sizes = [1], strides = [1]} : vector<16xf32> to vector<1xf32>
      %squeeze3A_274 = vector.extract %slice3A_273[0] : f32 from vector<1xf32>
      %get3A_275 = arith.constant 144 : index
      %get3A_276 = tpu.vector_load %arg27[%get3A_275] {strides = array<i32>} : memref<272xf32, #tpu.memory_space<vmem>>, vector<16xf32>,
      %mul3A_277 = vector.broadcast %squeeze3A_274 : f32 to vector<16xf32>
      %mul3A_278 = arith.mulf %mul3A_277, %get3A_276 : vector<16xf32>
      %add3A_279 = arith.addf %add3A_272, %mul3A_278 : vector<16xf32>
      %slice3A_280 = vector.extract_strided_slice %max3A_205 {offsets = [10], sizes = [1], strides = [1]} : vector<16xf32> to vector<1xf32>
      %squeeze3A_281 = vector.extract %slice3A_280[0] : f32 from vector<1xf32>
      %get3A_282 = arith.constant 160 : index
      %get3A_283 = tpu.vector_load %arg27[%get3A_282] {strides = array<i32>} : memref<272xf32, #tpu.memory_space<vmem>>, vector<16xf32>,
      %mul3A_284 = vector.broadcast %squeeze3A_281 : f32 to vector<16xf32>
      %mul3A_285 = arith.mulf %mul3A_284, %get3A_283 : vector<16xf32>
      %add3A_286 = arith.addf %add3A_279, %mul3A_285 : vector<16xf32>
      %slice3A_287 = vector.extract_strided_slice %max3A_205 {offsets = [11], sizes = [1], strides = [1]} : vector<16xf32> to vector<1xf32>
      %squeeze3A_288 = vector.extract %slice3A_287[0] : f32 from vector<1xf32>
      %get3A_289 = arith.constant 176 : index
      %get3A_290 = tpu.vector_load %arg27[%get3A_289] {strides = array<i32>} : memref<272xf32, #tpu.memory_space<vmem>>, vector<16xf32>,
      %mul3A_291 = vector.broadcast %squeeze3A_288 : f32 to vector<16xf32>
      %mul3A_292 = arith.mulf %mul3A_291, %get3A_290 : vector<16xf32>
      %add3A_293 = arith.addf %add3A_286, %mul3A_292 : vector<16xf32>
      %slice3A_294 = vector.extract_strided_slice %max3A_205 {offsets = [12], sizes = [1], strides = [1]} : vector<16xf32> to vector<1xf32>
      %squeeze3A_295 = vector.extract %slice3A_294[0] : f32 from vector<1xf32>
      %get3A_296 = arith.constant 192 : index
      %get3A_297 = tpu.vector_load %arg27[%get3A_296] {strides = array<i32>} : memref<272xf32, #tpu.memory_space<vmem>>, vector<16xf32>,
      %mul3A_298 = vector.broadcast %squeeze3A_295 : f32 to vector<16xf32>
      %mul3A_299 = arith.mulf %mul3A_298, %get3A_297 : vector<16xf32>
      %add3A_300 = arith.addf %add3A_293, %mul3A_299 : vector<16xf32>
      %slice3A_301 = vector.extract_strided_slice %max3A_205 {offsets = [13], sizes = [1], strides = [1]} : vector<16xf32> to vector<1xf32>
      %squeeze3A_302 = vector.extract %slice3A_301[0] : f32 from vector<1xf32>
      %get3A_303 = arith.constant 208 : index
      %get3A_304 = tpu.vector_load %arg27[%get3A_303] {strides = array<i32>} : memref<272xf32, #tpu.memory_space<vmem>>, vector<16xf32>,
      %mul3A_305 = vector.broadcast %squeeze3A_302 : f32 to vector<16xf32>
      %mul3A_306 = arith.mulf %mul3A_305, %get3A_304 : vector<16xf32>
      %add3A_307 = arith.addf %add3A_300, %mul3A_306 : vector<16xf32>
      %slice3A_308 = vector.extract_strided_slice %max3A_205 {offsets = [14], sizes = [1], strides = [1]} : vector<16xf32> to vector<1xf32>
      %squeeze3A_309 = vector.extract %slice3A_308[0] : f32 from vector<1xf32>
      %get3A_310 = arith.constant 224 : index
      %get3A_311 = tpu.vector_load %arg27[%get3A_310] {strides = array<i32>} : memref<272xf32, #tpu.memory_space<vmem>>, vector<16xf32>,
      %mul3A_312 = vector.broadcast %squeeze3A_309 : f32 to vector<16xf32>
      %mul3A_313 = arith.mulf %mul3A_312, %get3A_311 : vector<16xf32>
      %add3A_314 = arith.addf %add3A_307, %mul3A_313 : vector<16xf32>
      %slice3A_315 = vector.extract_strided_slice %max3A_205 {offsets = [15], sizes = [1], strides = [1]} : vector<16xf32> to vector<1xf32>
      %squeeze3A_316 = vector.extract %slice3A_315[0] : f32 from vector<1xf32>
      %get3A_317 = arith.constant 240 : index
      %get3A_318 = tpu.vector_load %arg27[%get3A_317] {strides = array<i32>} : memref<272xf32, #tpu.memory_space<vmem>>, vector<16xf32>,
      %mul3A_319 = vector.broadcast %squeeze3A_316 : f32 to vector<16xf32>
      %mul3A_320 = arith.mulf %mul3A_319, %get3A_318 : vector<16xf32>
      %add3A_321 = arith.addf %add3A_314, %mul3A_320 : vector<16xf32>
      %slice3A_322 = vector.extract_strided_slice %max3A_209 {offsets = [0], sizes = [1], strides = [1]} : vector<16xf32> to vector<1xf32>
      %squeeze3A_323 = vector.extract %slice3A_322[0] : f32 from vector<1xf32>
      %get3A_324 = arith.constant 256 : index
      %get3A_325 = tpu.vector_load %arg27[%get3A_324] {strides = array<i32>} : memref<272xf32, #tpu.memory_space<vmem>>, vector<16xf32>,
      %mul3A_326 = vector.broadcast %squeeze3A_323 : f32 to vector<16xf32>
      %mul3A_327 = arith.mulf %mul3A_326, %get3A_325 : vector<16xf32>
      %add3A_328 = arith.addf %add3A_321, %mul3A_327 : vector<16xf32>
      %mul3A_329 = arith.constant 16 : i32
      %mul3A_330 = arith.muli %scan3A_194, %mul3A_329 : i32
      %swap3A_331 = arith.index_cast %mul3A_330 : i32 to index
      %swap3A_332 = tpu.vector_load %arg30[%swap3A_331] {strides = array<i32>} : memref<112xf32, #tpu.memory_space<vmem>>, vector<16xf32>,
      tpu.vector_store %arg30[%swap3A_331], %add3A_328 {strides = array<i32>} : memref<112xf32, #tpu.memory_space<vmem>>, vector<16xf32>,
    }
    %scan3A_189 = arith.constant 7 : i32
    %mul3A_190 = arith.constant 7 : i32
    %mul3A_191 = arith.muli %arg1, %mul3A_190 : i32
    %mul3A_192 = arith.constant 16 : i32
    %mul3A_193 = arith.muli %mul3A_191, %mul3A_192 : i32
    "tpu.region"() ({
      %run_scoped3A = tpu.sem_alloc : memref<!tpu.dma_semaphore, #tpu.memory_space<semaphore_mem>>
      %dma_start3A_194 = tpu.memref_slice %arg10[%mul3A_193] : memref<1792xf32, #tpu.memory_space<hbm>> -> memref<112xf32, #tpu.memory_space<hbm>>
      %dma_start3A_195 = tpu.memref_slice %arg10[%mul3A_193] : memref<1792xf32, #tpu.memory_space<hbm>> -> memref<112xf32, #tpu.memory_space<hbm>>
      tpu.enqueue_dma source(%arg30 : memref<112xf32, #tpu.memory_space<vmem>>) target(%dma_start3A_195 : memref<112xf32, #tpu.memory_space<hbm>>) target_semaphore(%run_scoped3A : memref<!tpu.dma_semaphore, #tpu.memory_space<semaphore_mem>>)
      %dma_wait3A_196 = tpu.memref_slice %arg10[%mul3A_193] : memref<1792xf32, #tpu.memory_space<hbm>> -> memref<112xf32, #tpu.memory_space<hbm>>
      %dma_wait3A_197 = tpu.memref_slice %arg10[%mul3A_193] : memref<1792xf32, #tpu.memory_space<hbm>> -> memref<112xf32, #tpu.memory_space<hbm>>
      tpu.wait_dma2 semaphore(%run_scoped3A : memref<!tpu.dma_semaphore, #tpu.memory_space<semaphore_mem>>) src(%arg30 : memref<112xf32, #tpu.memory_space<vmem>>) dst(%dma_wait3A_197 : memref<112xf32, #tpu.memory_space<hbm>>)
      tpu.yield
    }) : () -> ()
    return
  }
}

</mosaic_0001>

<sc_bundles>
// kernel: kernel.3.cloned.1.call-start
scs
__scs_entry_jumppad:
0x0: {  	(pc) =	sbr.rel $0x88, $3  }
0x1: {  	(tag) =	ssettag $0x0;
	lr =	simm.s32 $0x1  }
0x2: {  	[smem:$0x3F9B] =	sst lr;
	_ =	strace $0xD0000000  }
0x3: {  	_ = 	snop  }
0x4: {  	_ = 	snop  }
0x5: {  	_ = 	snop  }
0x6: {  	_ = 	snop  }
0x7: {  	_ = 	snop  }
__scs_overlays_trampoline_lowered:
0x8: {  	[smem:$0x3FAA] =	sst s0  }
0x9: {  	[smem:$0x3FAB] =	sst s1  }
0xa: {  	[smem:$0x3FAC] =	sst s2  }
0xb: {  	[smem:$0x3FAD] =	sst s3  }
0xc: {  	[smem:$0x3FAE] =	sst s4  }
0xd: {  	[smem:$0x3FAF] =	sst s5  }
0xe: {  	[smem:$0x3FB0] =	sst s6  }
0xf: {  	[smem:$0x3FB1] =	sst s7  }
0x10: {  	[smem:$0x3FB2] =	sst s8  }
0x11: {  	[smem:$0x3FB3] =	sst s9;
	s0 =	simm.s32 @!p0 $0x0  }
0x12: {  	s1 =	sld [smem:$0x3F99];
	s0 =	simm.s32 @p0 $0x1  }
0x13: {  	[smem:$0x3FB4] =	sst s0;
	s0 =	simm.s32 @!p1 $0x0  }
0x14: {  	s2 =	sld [smem:$0x3F98];
	s0 =	simm.s32 @p1 $0x1  }
0x15: {  	[smem:$0x3FB5] =	sst s0;
	s0 =	simm.s32 @!p2 $0x0  }
0x16: {  	s3 =	sld [smem:$0x3FDB];
	s0 =	simm.s32 @p2 $0x1  }
0x17: {  	s4 =	simm.s32 $0x1BF5;
	[smem:$0x3FB7] =	sst s0  }
0x18: {  	s0 =	sld [smem:$0x3F9A];
	_ =	swait.ge [sflag:s4], $0x0  }
0x19: {  	s7 =	sld [smem:$0x3F9B]  }
0x1a: {  	s8 =	sadd.s32 $0xFFFFE003, lr  }
0x1b: {  	s9 =	sadd.s32 $0xFFFFFEF7, lr;
	s5 =	simm.s32 $0xFFFFFFFF;
	p2 =	slt.u32 s8, $0xFFFFF086  }
0x1c: {  	p1 =	slt.u32 s9, $0xF7A;
	s5 =	simm.s32 @!p2 $0x0  }
0x1d: {  	s5 =	simm.s32 @p1 $0x1;
	p0 =	seq.s32 s7, s2  }
0x1e: {  	s7 =	smul.u32 @!p0 $0xF7A, s2;
	p2 =	seq.s32 @!p0 s5, $0x0  }
0x1f: {  	s9 =	smul.u32 $0xF7A, s1;
	s8 =	simm.s32 @!p0 $0x1BF5;
	p2 =	por !p2, p0  }
0x20: {  	[sflag:s8] =	ssyncset.s32 @!p0 $0xFFFFF086;
	s6 =	sadd.s32 @!p0 s3, s7;
	s7 =	simm.s32 @!p0 $0x108  }
0x21: {  	s3 =	sadd.s32 s3, s9;
	s6 =	sadd.s32 @!p0 $0x88, s6;
	s7 =	simm.s32 @p2 $0x1082  }
0x22: {  	[simem:s7], [sflag:s8] =	dma.local @!p0 [hbm:s6], $0xF7A  }
0x23: {  	s9 =	sor.u32 $0xD0000000, s2;
	s6 =	simm.s32 $0x108;
	_ =	swait.ge @!p0 [sflag:s8], $0x0  }
0x24: {  	s3 =	sadd.s32 $0x88, s3;
	s6 =	simm.s32 @!p1 $0x1082;
	[sflag:s4] =	ssyncset.s32 $0xFFFFF086  }
0x25: {  	[simem:s6], [sflag:s4] =	dma.local [hbm:s3], $0xF7A  }
0x26: {  	[smem:$0x3F9B] =	sst s1;
	(tag) =	ssettag s2;
	_ =	strace s9  }
0x27: {  	s1 =	sld [smem:$0x3FAB]  }
0x28: {  	s2 =	sld [smem:$0x3FAC]  }
0x29: {  	s4 =	sld [smem:$0x3FAE]  }
0x2a: {  	p0 =	seq.s32 s5, $0x0;
	s5 =	sld [smem:$0x3FAF]  }
0x2b: {  	s6 =	sld [smem:$0x3FB0]  }
0x2c: {  	s7 =	sld [smem:$0x3FB1]  }
0x2d: {  	s3 =	simm.s32 $0x108;
	s8 =	sld [smem:$0x3FB2]  }
0x2e: {  	s3 =	simm.s32 @!p0 $0x1082;
	s9 =	sld [smem:$0x3FB3]  }
0x2f: {  	lr =	sadd.s32 s0, s3;
	s0 =	sld [smem:$0x3FAA]  }
0x30: {  	s3 =	sld [smem:$0x3FAD]  }
0x31: {  	[smem:$0x3FB6] =	sst s10  }
0x32: {  	s10 =	sld [smem:$0x3FB4];
	_ =	sdelay $0x3  }
0x33: {  	p0 =	seq.s32 s10, $0x1;
	s10 =	sld [smem:$0x3FB6];
	_ =	sdelay $0x3  }
0x34: {  	[smem:$0x3FB6] =	sst s10  }
0x35: {  	s10 =	sld [smem:$0x3FB5];
	_ =	sdelay $0x3  }
0x36: {  	p1 =	seq.s32 s10, $0x1;
	s10 =	sld [smem:$0x3FB6];
	_ =	sdelay $0x3  }
0x37: {  	[smem:$0x3FB6] =	sst s10  }
0x38: {  	s10 =	sld [smem:$0x3FB7]  }
0x39: {  	_ = 	snop;
	(pc) =	sbr.ind lr, $3  }
0x3a: {  	_ = 	snop  }
0x3b: {  	_ = 	snop  }
0x3c: {  	p2 =	seq.s32 s10, $0x1;
	s10 =	sld [smem:$0x3FB6]  }
0x3d: {  	_ =	shalt  }
0x3e: {  	_ =	shalt  }
0x3f: {  	_ =	shalt  }
0x40: {  	_ =	shalt  }
0x41: {  	_ =	shalt  }
0x42: {  	_ =	shalt  }
0x43: {  	_ =	shalt  }
0x44: {  	_ =	shalt  }
0x45: {  	_ =	shalt  }
0x46: {  	_ =	shalt  }
0x47: {  	_ =	shalt  }
0x48: {  	_ =	shalt  }
0x49: {  	_ =	shalt  }
0x4a: {  	_ =	shalt  }
0x4b: {  	_ =	shalt  }
0x4c: {  	_ =	shalt  }
0x4d: {  	_ =	shalt  }
0x4e: {  	_ =	shalt  }
0x4f: {  	_ =	shalt  }
0x50: {  	_ =	shalt  }
0x51: {  	_ =	shalt  }
0x52: {  	_ =	shalt  }
0x53: {  	_ =	shalt  }
0x54: {  	_ =	shalt  }
0x55: {  	_ =	shalt  }
0x56: {  	_ =	shalt  }
0x57: {  	_ =	shalt  }
0x58: {  	_ =	shalt  }
0x59: {  	_ =	shalt  }
0x5a: {  	_ =	shalt  }
0x5b: {  	_ =	shalt  }
0x5c: {  	_ =	shalt  }
0x5d: {  	_ =	shalt  }
0x5e: {  	_ =	shalt  }
0x5f: {  	_ =	shalt  }
0x60: {  	_ =	shalt  }
0x61: {  	_ =	shalt  }
0x62: {  	_ =	shalt  }
0x63: {  	_ =	shalt  }
0x64: {  	_ =	shalt  }
0x65: {  	_ =	shalt  }
0x66: {  	_ =	shalt  }
0x67: {  	_ =	shalt  }
0x68: {  	_ =	shalt  }
0x69: {  	_ =	shalt  }
0x6a: {  	_ =	shalt  }
0x6b: {  	_ =	shalt  }
0x6c: {  	_ =	shalt  }
0x6d: {  	_ =	shalt  }
0x6e: {  	_ =	shalt  }
0x6f: {  	_ =	shalt  }
0x70: {  	_ =	shalt  }
0x71: {  	_ =	shalt  }
0x72: {  	_ =	shalt  }
0x73: {  	_ =	shalt  }
0x74: {  	_ =	shalt  }
0x75: {  	_ =	shalt  }
0x76: {  	_ =	shalt  }
0x77: {  	_ =	shalt  }
0x78: {  	_ =	shalt  }
0x79: {  	_ =	shalt  }
0x7a: {  	_ =	shalt  }
0x7b: {  	_ =	shalt  }
0x7c: {  	_ =	shalt  }
0x7d: {  	_ =	shalt  }
0x7e: {  	_ =	shalt  }
0x7f: {  	_ =	shalt  }
0x80: {  	_ =	shalt  }
0x81: {  	_ =	shalt  }
0x82: {  	_ =	shalt  }
0x83: {  	_ =	shalt  }
0x84: {  	_ =	shalt  }
0x85: {  	_ =	shalt  }
0x86: {  	_ =	shalt  }
0x87: {  	_ =	shalt  }
.Lfunc_end0:
.L_simem_size_0:
called_computation_lowered:
.L_overlay_start_0:
0x88: {  	s0 =	sld [smem:$0x3FD9]  }
0x89: {  	s1 =	sld [smem:$0x3FFE];
	_ =	sdelay $0x3  }
0x8a: {  	s0 =	sadd.s32 s1, s0  }
0x8b: {  	[smem:$0x3FC2] =	sst s0  }
0x8c: {  	_ = 	snop  }
0x8d: {  	s0 =	sld [smem:$0x3FC9]  }
0x8e: {  	s16 =	sld [smem:$0x3FC6]  }
0x8f: {  	s2 =	sld [smem:$0x3FC4]  }
0x90: {  	s3 =	sld [smem:$0x3FD0];
	(tm) =	ssettm $0x1  }
0x91: {  	s4 =	sld [smem:$0x3FFB];
	_ =	sdelay $0x3  }
0x92: {  	_ =	strace s4  }
0x93: {  	s4 =	sld [smem:$0x3FFC];
	_ =	sdelay $0x3  }
0x94: {  	_ =	strace s4  }
0x95: {  	s4 =	sld [smem:$0x3FFD];
	_ =	sdelay $0x3  }
0x96: {  	_ =	strace s4  }
0x97: {  	_ =	strace $0x8FFFFFFF  }
0x98: {  	s17 =	sld [smem:$0x3FDB];
	_ =	sdelay $0x1  }
0x99: {  	s5 =	simm.s32 $_scs_section_size  }
0x9a: {  	s6 =	simm.s32 $_size__tile_overlayer_lowered;
	s7 =	simm.s32 $_tile_overlayer_lowered  }
0x9b: {  	s20 =	simm.s32 $0x1BFF;
	s19 =	sshll.u32 s7, $0x1;
	s4 =	sadd.s32 s5, s17  }
0x9c: {  	s8 =	simm.s32 $0x0;
	s18 =	sshll.u32 s6, $0x1;
	s6 =	sadd.s32 s19, s4  }
0x9d: {  	[timem:s8], [sflag:s20] =	dma.local [hbm:s6], s18  }
0x9e: {  	_ =	swait.ge [sflag:s20], s18  }
0x9f: {  	s5 =	ssub.s32 $0x0, s18;
	[sflag:s20] =	ssyncset.done $0x0  }
0xa0: {  	[sflag:s20] =	ssyncadd.s32 s5;
	_ =	sdelay $0x1  }
0xa1: {  	s21 =	simm.s32 $0x1B8B  }
0xa2: {  	_ =	swait.ge [sflag:s21], $0x1  }
0xa3: {  	[sflag:s21] =	ssyncset.done $0x0  }
0xa4: {  	s23 =	simm.s32 $0x1B8E;
	s22 =	sld [smem:$0x3FFE];
	[sflag:s21] =	ssyncadd.s32 $0xFFFFFFFF  }
0xa5: {  	s24 =	simm.s32 $execute0_lowered;
	[smem:$0x3FD2] =	sst s23  }
0xa6: {  	s6 =	sshll.u32 s24, $0x1;
	_ =	strace $0x80000046;
	[dreg:$0x1] =	wrdreg $0xFFFFFFFF  }
0xa7: {  	s25 =	simm.s32 $_size_execute0_lowered;
	s4 =	sadd.s32 s4, s6;
	[dreg:$0x0] =	wrdreg $0x0  }
0xa8: {  	s6 =	sshll.u32 s25, $0x1;
	[dreg:$0x2] =	wrdreg s4  }
0xa9: {  	[dreg:$0x3] =	wrdreg s6  }
0xaa: {  	[dreg:$0x4] =	wrdreg $0xC0  }
0xab: {  	_ =	task [dreg:s8], $0x5FFFF  }
0xac: {  	[dreg:$0x1] =	wrdreg $0xFFFFFFFF  }
0xad: {  	[dreg:$0x0] =	wrdreg $0x60  }
0xae: {  	[dreg:$0x2] =	wrdreg s0  }
0xaf: {  	[dreg:$0x3] =	wrdreg s22  }
0xb0: {  	[dreg:$0x4] =	wrdreg s16  }
0xb1: {  	[dreg:$0x5] =	wrdreg s3  }
0xb2: {  	[dreg:$0x6] =	wrdreg s2  }
0xb3: {  	[dreg:$0x7] =	wrdreg $0x53000  }
0xb4: {  	[dreg:$0x8] =	wrdreg $0x53C00  }
0xb5: {  	[dreg:$0x9] =	wrdreg $0x54200  }
0xb6: {  	[dreg:$0xa] =	wrdreg $0x60200  }
0xb7: {  	[dreg:$0xb] =	wrdreg $0x9  }
0xb8: {  	_ =	task.clear_ibuf [dreg:s8], $0xCFFFF;
	_ =	strace $0x90000046  }
0xb9: {  	s26 =	simm.s32 $0x9;
	_ =	strace $0x80000048  }
0xba: {  	_ =	swait.ge [sflag:s26], $0x1  }
0xbb: {  	[sflag:s26] =	ssyncadd.s32 $0xFFFFFFFF  }
0xbc: {  	_ =	strace $0x90000048  }
0xbd: {  	_ =	sfence  }
0xbe: {  	s28 =	sld [smem:$0x0];
	_ =	sdelay $0x1  }
0xbf: {  	s29 =	srdreg.scid  }
0xc0: {  	s30 =	sshll.u32 s29, $0xD;
	s31 =	sshrl.u32 s29, $0x2  }
0xc1: {  	s1 =	sand.u32 $0x1, s29;
	s2 =	sand.u32 $0x4000, s30;
	s0 =	sadd.s32 s31, s28  }
0xc2: {  	s1 =	sor.u32 s2, s1;
	s0 =	sshll.u32 s0, $0x11  }
0xc3: {  	s0 =	sor.u32 s0, s1  }
0xc4: {  	s0 =	sadd.s32 $0x8F2B, s0  }
0xc5: {  	[sflag:s0] =	ssyncadd.remote.s32 $0x1  }
0xc6: {  	_ =	sfence.sel $0xFFFF  }
0xc7: {  	[dreg:$0x0] =	wrdreg $0xFFFFFFFF;
	(pc) =	sbr.abs _section_cstart, $3  }
0xc8: {  	[dreg:$0x1] =	wrdreg $0xFFFFFFFF  }
0xc9: {  	_ =	task.clear_ibuf [dreg:s8], $0x2FFFF;
	_ =	strace $0x9FFFFFFF  }
0xca: {  	(tm) =	ssettm $0x7FFFFFFF  }
0xcb: {  	_ =	shalt  }
tec
execute0_lowered:
.L_overlay_start_1:
0x0: {  	(tag) =	ssettag $0x1  }
0x1: {  	s6 =	rddreg [dreg:$0x0]  }
0x2: {  	s9 =	rddreg [dreg:$0x1]  }
0x3: {  	s10 =	rddreg [dreg:$0x2]  }
0x4: {  	s11 =	rddreg [dreg:$0x3]  }
0x5: {  	s12 =	rddreg [dreg:$0x4]  }
0x6: {  	s8 =	rddreg [dreg:$0x5]  }
0x7: {  	s7 =	rddreg [dreg:$0x6];
	s0 =	stileid.u32  }
0x8: {  	s2 =	rddreg [dreg:$0x7];
	s5 =	smul.u32 $0x6, s0  }
0x9: {  	s3 =	rddreg [dreg:$0x8];
	s4 =	smul.u32 $0x60, s0  }
0xa: {  	s1 =	rddreg [dreg:$0x9];
	s13 =	simm.s32 $0x0;
	s5 =	smin.u32 s5, $0x4F  }
0xb: {  	[smem:$0x7FF] =	sst s13;
	s14 =	smin.u32 s4, $0x4F0;
	s15 =	sshll.u32 s5, $0x4  }
0xc: {  	_ =	strace $0x80000047;
	s14 =	sshrl.u32 s14, $0x3;
	s6 =	sadd.s32 s6, s15  }
0xd: {  	[tilespmem:s13], [sflag:$0x1] =	stream.linear.gather [hbm4b:s6+s13], $0x300, $0x38;
	[tilespmem:$0x60E0] =	vst v63  }
0xe: {  	s20 =	simm.s32 $0x300;
	s19 =	sadd.s32 $0xC00, s9;
	s18 =	sadd.s32 s14, s9  }
0xf: {  	[tilespmem:s20], [sflag:$0x1] =	stream.linear.gather [hbm4b:s19+s13], $0xA00, $0x38;
	[tilespmem:$0x60E0] =	vst v63  }
0x10: {  	s22 =	simm.s32 $0x1A80;
	s21 =	sadd.s32 $0xA00, s18  }
0x11: {  	[tilespmem:s22], [sflag:$0x1] =	stream.linear.gather [hbm4b:s21+s13], $0x60, $0x38;
	[tilespmem:$0x60E0] =	vst v63  }
0x12: {  	s23 =	simm.s32 $0x1B00;
	s6 =	sadd.s32 $0xAAA, s18  }
0x13: {  	[tilespmem:s23], [sflag:$0x1] =	stream.linear.gather [hbm4b:s6+s13], $0x60, $0x38;
	[tilespmem:$0x60E0] =	vst v63  }
0x14: {  	s25 =	simm.s32 $0x2280;
	s24 =	sadd.s32 $0xE00, s9  }
0x15: {  	[tilespmem:s25], [sflag:$0x2] =	stream.linear.gather [hbm4b:s24+s13], $0x600, $0x38;
	[tilespmem:$0x60E0] =	vst v63  }
0x16: {  	s26 =	simm.s32 $0x4180  }
0x17: {  	[tilespmem:s26], [sflag:$0x2] =	stream.linear.gather [hbm4b:s10+s13], $0x14, $0x38;
	[tilespmem:$0x60E0] =	vst v63  }
0x18: {  	s29 =	simm.s32 $0x4E00;
	s28 =	smul.u32 $0x1C, s0  }
0x19: {  	[tilespmem:s29], [sflag:$0x2] =	stream.linear.gather [hbm4b:s11+s13], $0x77, $0x38;
	[tilespmem:$0x60E0] =	vst v63  }
0x1a: {  	s30 =	simm.s32 $0x5100;
	s6 =	sadd.s32 s28, s9  }
0x1b: {  	[tilespmem:s30], [sflag:$0x2] =	stream.linear.gather [hbm4b:s12+s13], $0x7, $0x38;
	[tilespmem:$0x60E0] =	vst v63  }
0x1c: {  	s31 =	simm.s32 $0x5180;
	s6 =	sadd.s32 $0x1000, s6  }
0x1d: {  	[tilespmem:s31], [sflag:$0x2] =	stream.linear.gather [hbm4b:s6+s13], $0xE0, $0x38;
	[tilespmem:$0x60E0] =	vst v63  }
0x1e: {  	v0 =	vimm.f32 $0.0e+00;
	s11 =	sadd.s32 $0x1200, s9;
	s9 =	simm.s32 $0x100;
	s6 =	simm.s32 $0x0  }
.LBB2_1:
0x1f: {  	p0 =	sne.s32 s9, $0x2F00;
	[tilespmem:s6+$0x28B0] =	vst v0;
	s10 =	smov.u32 s9;
	s9 =	sadd.s32 $0x100, s9  }
.Ltmp0:
0x20: {  	[tilespmem:s6+$0x28A0] =	vst v0;
	(pc) =	sbr.rel @p0 .LBB2_1-.Ltmp0, $3  }
0x21: {  	[tilespmem:s6+$0x2880] =	vst v0  }
0x22: {  	[tilespmem:s6+$0x2890] =	vst v0;
	_ =	sdelay $0x1  }
0x23: {  	s6 =	sshra.s32 s10, $0x2  }
0x24: {  	[tilespmem:s6+$0x28B0] =	vst v0  }
0x25: {  	[tilespmem:s6+$0x28A0] =	vst v0  }
0x26: {  	[tilespmem:s6+$0x2880] =	vst v0  }
0x27: {  	[tilespmem:s6+$0x2890] =	vst v0;
	v0 =	vimm.s32 $0x0  }
0x28: {  	[tilespmem:$0x1B80] =	vst v0  }
0x29: {  	[tilespmem:$0x1B90] =	vst v0  }
0x2a: {  	[tilespmem:$0x1BA0] =	vst v0  }
0x2b: {  	[tilespmem:$0x1BB0] =	vst v0  }
0x2c: {  	[tilespmem:$0x1BC0] =	vst v0  }
0x2d: {  	s28 =	simm.s32 $0x1;
	[tilespmem:$0x1BD0] =	vst v0  }
0x2e: {  	_ =	swait.ge [sflag:s28], $0x300  }
0x2f: {  	[sflag:s28] =	ssyncset.done $0x0  }
0x30: {  	[sflag:s28] =	ssyncadd.s32 $0xFFFFFD00  }
0x31: {  	_ =	swait.ge [sflag:s28], $0xA00  }
0x32: {  	[sflag:s28] =	ssyncset.done $0x0  }
0x33: {  	[sflag:s28] =	ssyncadd.s32 $0xFFFFF600  }
0x34: {  	p1 =	seq.s32 s0, $0xF;
	_ =	swait.ge [sflag:s28], $0x60  }
0x35: {  	v0 =	vimm.s32 @p1 $0x53525150;
	[sflag:s28] =	ssyncset.done $0x0  }
0x36: {  	v0 =	vunpack.c.0.s8.s32 @p1 v0;
	[sflag:s28] =	ssyncadd.s32 $0xFFFFFFA0  }
0x37: {  	vm0 =	vcmask @p1 $0xF00;
	_ =	swait.ge [sflag:s28], $0x60  }
0x38: {  	v0 =	vnsel @p1 vm0, $0x55, v0;
	vm0 =	vcmask @p1 $0x1310;
	[sflag:s28] =	ssyncset.done $0x0  }
0x39: {  	v0 =	vsel @p1 vm0, $0x54, v0;
	[sflag:s28] =	ssyncadd.s32 $0xFFFFFFA0  }
0x3a: {  	[tilespmem:$0x1A80] =	vst @p1 v0  }
0x3b: {  	[tilespmem:$0x1B00] =	vst @p1 v0;
	v0 =	vimm.s32 @p1 $0x55  }
0x3c: {  	[tilespmem:$0x1A90] =	vst @p1 v0  }
0x3d: {  	[tilespmem:$0x1B10] =	vst @p1 v0  }
0x3e: {  	[tilespmem:$0x1AA0] =	vst @p1 v0  }
0x3f: {  	[tilespmem:$0x1B20] =	vst @p1 v0  }
0x40: {  	[tilespmem:$0x1AB0] =	vst @p1 v0  }
0x41: {  	[tilespmem:$0x1B30] =	vst @p1 v0  }
0x42: {  	[tilespmem:$0x1AC0] =	vst @p1 v0  }
0x43: {  	p0 =	sne.s32 @!p1 s0, $0xE;
	[tilespmem:$0x1B40] =	vst @p1 v0  }
0x44: {  	p0 =	por p0, p1;
	[tilespmem:$0x1AD0] =	vst @p1 v0  }
0x45: {  	[tilespmem:$0x1B50] =	vst @p1 v0;
	v0 =	vlaneseq.u32 @!p0  }
0x46: {  	[tilespmem:$0x1A80] =	vst @!p0 v0  }
0x47: {  	[tilespmem:$0x1B00] =	vst @!p0 v0;
	v1 =	vor.u32 @!p0 $0x10, v0  }
0x48: {  	[tilespmem:$0x1A90] =	vst @!p0 v1  }
0x49: {  	v2 =	vor.u32 @!p0 $0x30, v0;
	[tilespmem:$0x1B10] =	vst @!p0 v1  }
0x4a: {  	s29 =	smul.u32 $0x3000, s0;
	[tilespmem:$0x1AB0] =	vst @!p0 v2  }
0x4b: {  	s5 =	sshll.u32 s5, $0x5;
	s12 =	smul.u32 $0x300, s0;
	v13 =	vimm.f32 $0.0e+00;
	v7 =	vor.u32 @!p0 $0x40, v0;
	[tilespmem:$0x1B30] =	vst @!p0 v2  }
0x4c: {  	s13 =	smul.u32 $0xE, s0;
	s10 =	sadd.s32 s4, s7;
	v3 =	vimm.f32 $0.0e+00;
	v4 =	vimm.f32 $0.0e+00;
	v5 =	vimm.f32 $0.0e+00;
	s9 =	sadd.s32 s5, s8;
	[tilespmem:$0x1AC0] =	vst @!p0 v7  }
0x4d: {  	v6 =	vimm.f32 $0.0e+00;
	v18 =	vimm.f32 $0.0e+00;
	s30 =	sshrl.u32 s29, $0x2;
	s31 =	sshrl.u32 s12, $0x2;
	s12 =	simm.s32 $0x310;
	v1 =	vor.u32 @!p0 $0x20, v0;
	[tilespmem:$0x1B40] =	vst @!p0 v7  }
0x4e: {  	v16 =	vimm.f32 $0.0e+00;
	v15 =	vimm.f32 $0.0e+00;
	v14 =	vimm.f32 $0.0e+00;
	s6 =	sadd.s32 s30, s2;
	s5 =	sadd.s32 s31, s2;
	s4 =	sadd.s32 s31, s3;
	[tilespmem:$0x1AA0] =	vst @!p0 v1  }
0x4f: {  	s2 =	sadd.s32 s11, s13;
	s11 =	simm.s32 $0x0;
	s13 =	simm.s32 $0x0;
	v0 =	vimm.f32 $0.0e+00;
	v2 =	vimm.f32 $0.0e+00;
	[tilespmem:$0x1B20] =	vst @!p0 v1;
	v1 =	vimm.f32 $0.0e+00  }
.LBB2_3:
0x50: {  	s14 =	sshll.u32 s13, $0x4;
	v20 =	vld [tilespmem:s12+$0x0]  }
0x51: {  	v11 =	vld [tilespmem:s14+$0x0]  }
0x52: {  	v9 =	vld [tilespmem:s14+$0x80]  }
0x53: {  	v10 =	vld [tilespmem:s14+$0x100]  }
0x54: {  	v12 =	vld [tilespmem:s14+$0x280]  }
0x55: {  	v8 =	vld [tilespmem:s14+$0x180]  }
0x56: {  	v7 =	vld [tilespmem:s14+$0x200]  }
0x57: {  	v26 =	vld [tilespmem:s12+$0xFFFFFFF0];
	v17 =	vmov s11  }
0x58: {  	v19 =	vperm.xlane v11, v17  }
0x59: {  	v27 =	vperm.xlane v12, v17;
	v21 =	vperm.xlane v9, v17  }
0x5a: {  	v22 =	vperm.xlane v10, v17;
	v23 =	vperm.xlane v8, v17  }
0x5b: {  	v28 =	vperm.xlane v7, v17;
	v24 =	vmul.f32 v27, v20  }
0x5c: {  	v25 =	vmul.f32 v19, v26;
	v17 =	vmul.f32 v19, v20  }
0x5d: {  	v19 =	vmul.f32 v21, v26;
	v29 =	vmul.f32 v21, v20  }
0x5e: {  	v21 =	vmul.f32 v22, v26;
	v13 =	vadd.f32 v24, v13;
	v14 =	vadd.f32 v25, v14  }
0x5f: {  	v15 =	vadd.f32 v17, v15;
	v24 =	vmul.f32 v22, v20;
	v22 =	vmul.f32 v23, v26  }
0x60: {  	s14 =	sadd.s32 $0x14, s12;
	v16 =	vadd.f32 v19, v16;
	v25 =	vmul.f32 v23, v20;
	v19 =	vmul.f32 v28, v26  }
0x61: {  	s15 =	simm.s32 $0x1;
	s16 =	simm.s32 $0x2;
	v17 =	vld [tilespmem:s14+$0x0];
	v18 =	vadd.f32 v29, v18;
	v23 =	vmul.f32 v28, v20;
	v20 =	vmul.f32 v27, v26  }
.LBB2_4:
0x62: {  	p0 =	sne.s32 s16, $0xF;
	v26 =	vld [tilespmem:s14+$0xFFFFFFF0];
	v6 =	vadd.f32 v21, v6;
	v5 =	vadd.f32 v24, v5  }
0x63: {  	v21 =	vmov s15;
	v4 =	vadd.f32 v22, v4;
	v3 =	vadd.f32 v25, v3;
	s15 =	smov.u32 s16  }
0x64: {  	v2 =	vadd.f32 v19, v2;
	v22 =	vperm.xlane v11, v21;
	v27 =	vperm.xlane v12, v21  }
0x65: {  	v19 =	vperm.xlane v9, v21;
	v24 =	vperm.xlane v10, v21;
	v1 =	vadd.f32 v23, v1  }
0x66: {  	v23 =	vperm.xlane v8, v21;
	v0 =	vadd.f32 v20, v0;
	v25 =	vmul.f32 v27, v17  }
0x67: {  	v28 =	vperm.xlane v7, v21;
	v20 =	vmul.f32 v22, v26  }
.Ltmp1:
0x68: {  	v22 =	vmul.f32 v22, v17;
	v29 =	vmul.f32 v19, v26;
	v13 =	vadd.f32 v25, v13;
	(pc) =	sbr.rel @p0 .LBB2_4-.Ltmp1, $4  }
0x69: {  	v21 =	vmul.f32 v24, v26;
	v14 =	vadd.f32 v20, v14;
	v20 =	vmul.f32 v19, v17  }
0x6a: {  	v24 =	vmul.f32 v24, v17;
	v15 =	vadd.f32 v22, v15;
	v22 =	vmul.f32 v23, v26  }
0x6b: {  	s14 =	sadd.s32 $0x14, s14;
	v25 =	vmul.f32 v23, v17;
	v16 =	vadd.f32 v29, v16;
	v19 =	vmul.f32 v28, v26  }
0x6c: {  	s16 =	sadd.s32 $0x1, s16;
	v23 =	vmul.f32 v28, v17;
	v18 =	vadd.f32 v20, v18;
	v20 =	vmul.f32 v27, v26;
	v17 =	vld [tilespmem:s14+$0x0]  }
0x6d: {  	v26 =	vld [tilespmem:s14+$0xFFFFFFF0]  }
0x6e: {  	v60 =	vmov s15  }
0x6f: {  	v6 =	vadd.f32 v21, v6;
	v11 =	vperm.xlane v11, v60;
	v12 =	vperm.xlane v12, v60  }
0x70: {  	v5 =	vadd.f32 v24, v5;
	v9 =	vperm.xlane v9, v60;
	v10 =	vperm.xlane v10, v60  }
0x71: {  	v2 =	vadd.f32 v19, v2;
	v8 =	vperm.xlane v8, v60;
	v7 =	vperm.xlane v7, v60  }
0x72: {  	v0 =	vadd.f32 v20, v0;
	v19 =	vmul.f32 v12, v17;
	v20 =	vmul.f32 v11, v26  }
0x73: {  	v4 =	vadd.f32 v22, v4;
	v11 =	vmul.f32 v11, v17;
	v61 =	vmul.f32 v9, v26  }
0x74: {  	v3 =	vadd.f32 v25, v3;
	v9 =	vmul.f32 v9, v17;
	v62 =	vmul.f32 v8, v26  }
0x75: {  	s13 =	sadd.s32 $0x1, s13;
	v1 =	vadd.f32 v23, v1;
	v8 =	vmul.f32 v8, v17;
	v63 =	vmul.f32 v12, v26  }
0x76: {  	p0 =	sne.s32 s13, $0x8;
	v13 =	vadd.f32 v19, v13;
	v19 =	vmul.f32 v10, v26;
	v14 =	vadd.f32 v20, v14  }
.Ltmp2:
0x77: {  	v10 =	vmul.f32 v10, v17;
	v15 =	vadd.f32 v11, v15;
	v16 =	vadd.f32 v61, v16;
	(pc) =	sbr.rel @p0 .LBB2_3-.Ltmp2, $4  }
0x78: {  	v20 =	vmul.f32 v7, v26;
	v18 =	vadd.f32 v9, v18;
	v4 =	vadd.f32 v62, v4  }
0x79: {  	v7 =	vmul.f32 v7, v17;
	v3 =	vadd.f32 v8, v3;
	v0 =	vadd.f32 v63, v0  }
0x7a: {  	v6 =	vadd.f32 v19, v6;
	v5 =	vadd.f32 v10, v5  }
0x7b: {  	s12 =	sadd.s32 $0x140, s12;
	v2 =	vadd.f32 v20, v2;
	v1 =	vadd.f32 v7, v1  }
0x7c: {  	[tilespmem:$0xD80] =	vst v14  }
0x7d: {  	[tilespmem:$0xD90] =	vst v15  }
0x7e: {  	[tilespmem:$0xDA0] =	vst v16  }
0x7f: {  	[tilespmem:$0xDB0] =	vst v18  }
0x80: {  	[tilespmem:$0xDC0] =	vst v6;
	v63 =	vld [tilespmem:$0x1B00]  }
0x81: {  	[tilespmem:$0xDD0] =	vst v5  }
0x82: {  	[tilespmem:$0xDE0] =	vst v4  }
0x83: {  	[tilespmem:$0xDF0] =	vst v3;
	vm0 =	vcmask $0x704  }
0x84: {  	vm1 =	vcmask $0xB08;
	[tilespmem:$0xE20] =	vst v0  }
0x85: {  	vm2 =	vcmask $0xF0C;
	[tilespmem:$0xE30] =	vst v13  }
0x86: {  	vm3 =	vcmask $0x1310;
	[tilespmem:$0xE00] =	vst v2  }
0x87: {  	v0 =	vimm.s32 $0x1;
	s11 =	simm.s32 $0x1B80;
	vm4 =	vcmask $0x1714;
	[tilespmem:$0xE10] =	vst v1  }
0x88: {  	vm5 =	vcmask $0x1B18;
	[tilespmem:v63+s11+$0x0] =	vst.idx.add.s32.msk $0x1, v0  }
0x89: {  	vm6 =	vcmask $0x1F1C;
	[tilespmem:v63+s11+$0x0] =	vst.idx.add.s32.msk vm0, v0  }
0x8a: {  	vm7 =	vcmask $0x2320;
	[tilespmem:v63+s11+$0x0] =	vst.idx.add.s32.msk vm1, v0  }
0x8b: {  	vm8 =	vcmask $0x2724;
	[tilespmem:v63+s11+$0x0] =	vst.idx.add.s32.msk vm2, v0  }
0x8c: {  	vm9 =	vcmask $0x2B28;
	[tilespmem:v63+s11+$0x0] =	vst.idx.add.s32.msk vm3, v0  }
0x8d: {  	vm10 =	vcmask $0x2F2C;
	[tilespmem:v63+s11+$0x0] =	vst.idx.add.s32.msk vm4, v0  }
0x8e: {  	vm11 =	vcmask $0x3330;
	[tilespmem:v63+s11+$0x0] =	vst.idx.add.s32.msk vm5, v0  }
0x8f: {  	vm12 =	vcmask $0x3734;
	[tilespmem:v63+s11+$0x0] =	vst.idx.add.s32.msk vm6, v0  }
0x90: {  	vm13 =	vcmask $0x3B38;
	[tilespmem:v63+s11+$0x0] =	vst.idx.add.s32.msk vm7, v0  }
0x91: {  	vm14 =	vcmask $0x3F3C;
	[tilespmem:v63+s11+$0x0] =	vst.idx.add.s32.msk vm8, v0  }
0x92: {  	[tilespmem:v63+s11+$0x0] =	vst.idx.add.s32.msk vm9, v0  }
0x93: {  	[tilespmem:v63+s11+$0x0] =	vst.idx.add.s32.msk vm10, v0  }
0x94: {  	[tilespmem:v63+s11+$0x0] =	vst.idx.add.s32.msk vm11, v0  }
0x95: {  	[tilespmem:v63+s11+$0x0] =	vst.idx.add.s32.msk vm12, v0  }
0x96: {  	[tilespmem:v63+s11+$0x0] =	vst.idx.add.s32.msk vm13, v0  }
0x97: {  	[tilespmem:v63+s11+$0x0] =	vst.idx.add.s32.msk vm14, v0  }
0x98: {  	v1 =	vld [tilespmem:$0x1B10];
	_ =	sdelay $0x7  }
0x99: {  	[tilespmem:v1+s11+$0x0] =	vst.idx.add.s32.msk $0x1, v0  }
0x9a: {  	[tilespmem:v1+s11+$0x0] =	vst.idx.add.s32.msk vm0, v0  }
0x9b: {  	[tilespmem:v1+s11+$0x0] =	vst.idx.add.s32.msk vm1, v0  }
0x9c: {  	[tilespmem:v1+s11+$0x0] =	vst.idx.add.s32.msk vm2, v0  }
0x9d: {  	[tilespmem:v1+s11+$0x0] =	vst.idx.add.s32.msk vm3, v0  }
0x9e: {  	[tilespmem:v1+s11+$0x0] =	vst.idx.add.s32.msk vm4, v0  }
0x9f: {  	[tilespmem:v1+s11+$0x0] =	vst.idx.add.s32.msk vm5, v0  }
0xa0: {  	[tilespmem:v1+s11+$0x0] =	vst.idx.add.s32.msk vm6, v0  }
0xa1: {  	[tilespmem:v1+s11+$0x0] =	vst.idx.add.s32.msk vm7, v0  }
0xa2: {  	[tilespmem:v1+s11+$0x0] =	vst.idx.add.s32.msk vm8, v0  }
0xa3: {  	[tilespmem:v1+s11+$0x0] =	vst.idx.add.s32.msk vm9, v0  }
0xa4: {  	[tilespmem:v1+s11+$0x0] =	vst.idx.add.s32.msk vm10, v0  }
0xa5: {  	[tilespmem:v1+s11+$0x0] =	vst.idx.add.s32.msk vm11, v0  }
0xa6: {  	[tilespmem:v1+s11+$0x0] =	vst.idx.add.s32.msk vm12, v0  }
0xa7: {  	[tilespmem:v1+s11+$0x0] =	vst.idx.add.s32.msk vm13, v0  }
0xa8: {  	[tilespmem:v1+s11+$0x0] =	vst.idx.add.s32.msk vm14, v0  }
0xa9: {  	v1 =	vld [tilespmem:$0x1B20];
	_ =	sdelay $0x7  }
0xaa: {  	[tilespmem:v1+s11+$0x0] =	vst.idx.add.s32.msk $0x1, v0  }
0xab: {  	[tilespmem:v1+s11+$0x0] =	vst.idx.add.s32.msk vm0, v0  }
0xac: {  	[tilespmem:v1+s11+$0x0] =	vst.idx.add.s32.msk vm1, v0  }
0xad: {  	[tilespmem:v1+s11+$0x0] =	vst.idx.add.s32.msk vm2, v0  }
0xae: {  	[tilespmem:v1+s11+$0x0] =	vst.idx.add.s32.msk vm3, v0  }
0xaf: {  	[tilespmem:v1+s11+$0x0] =	vst.idx.add.s32.msk vm4, v0  }
0xb0: {  	[tilespmem:v1+s11+$0x0] =	vst.idx.add.s32.msk vm5, v0  }
0xb1: {  	[tilespmem:v1+s11+$0x0] =	vst.idx.add.s32.msk vm6, v0  }
0xb2: {  	[tilespmem:v1+s11+$0x0] =	vst.idx.add.s32.msk vm7, v0  }
0xb3: {  	[tilespmem:v1+s11+$0x0] =	vst.idx.add.s32.msk vm8, v0  }
0xb4: {  	[tilespmem:v1+s11+$0x0] =	vst.idx.add.s32.msk vm9, v0  }
0xb5: {  	[tilespmem:v1+s11+$0x0] =	vst.idx.add.s32.msk vm10, v0  }
0xb6: {  	[tilespmem:v1+s11+$0x0] =	vst.idx.add.s32.msk vm11, v0  }
0xb7: {  	[tilespmem:v1+s11+$0x0] =	vst.idx.add.s32.msk vm12, v0  }
0xb8: {  	[tilespmem:v1+s11+$0x0] =	vst.idx.add.s32.msk vm13, v0  }
0xb9: {  	[tilespmem:v1+s11+$0x0] =	vst.idx.add.s32.msk vm14, v0  }
0xba: {  	v1 =	vld [tilespmem:$0x1B30];
	_ =	sdelay $0x7  }
0xbb: {  	[tilespmem:v1+s11+$0x0] =	vst.idx.add.s32.msk $0x1, v0  }
0xbc: {  	[tilespmem:v1+s11+$0x0] =	vst.idx.add.s32.msk vm0, v0  }
0xbd: {  	[tilespmem:v1+s11+$0x0] =	vst.idx.add.s32.msk vm1, v0  }
0xbe: {  	[tilespmem:v1+s11+$0x0] =	vst.idx.add.s32.msk vm2, v0  }
0xbf: {  	[tilespmem:v1+s11+$0x0] =	vst.idx.add.s32.msk vm3, v0  }
0xc0: {  	[tilespmem:v1+s11+$0x0] =	vst.idx.add.s32.msk vm4, v0  }
0xc1: {  	[tilespmem:v1+s11+$0x0] =	vst.idx.add.s32.msk vm5, v0  }
0xc2: {  	[tilespmem:v1+s11+$0x0] =	vst.idx.add.s32.msk vm6, v0  }
0xc3: {  	[tilespmem:v1+s11+$0x0] =	vst.idx.add.s32.msk vm7, v0  }
0xc4: {  	[tilespmem:v1+s11+$0x0] =	vst.idx.add.s32.msk vm8, v0  }
0xc5: {  	[tilespmem:v1+s11+$0x0] =	vst.idx.add.s32.msk vm9, v0  }
0xc6: {  	[tilespmem:v1+s11+$0x0] =	vst.idx.add.s32.msk vm10, v0  }
0xc7: {  	[tilespmem:v1+s11+$0x0] =	vst.idx.add.s32.msk vm11, v0  }
0xc8: {  	[tilespmem:v1+s11+$0x0] =	vst.idx.add.s32.msk vm12, v0  }
0xc9: {  	[tilespmem:v1+s11+$0x0] =	vst.idx.add.s32.msk vm13, v0  }
0xca: {  	[tilespmem:v1+s11+$0x0] =	vst.idx.add.s32.msk vm14, v0  }
0xcb: {  	v1 =	vld [tilespmem:$0x1B40];
	_ =	sdelay $0x7  }
0xcc: {  	[tilespmem:v1+s11+$0x0] =	vst.idx.add.s32.msk $0x1, v0  }
0xcd: {  	[tilespmem:v1+s11+$0x0] =	vst.idx.add.s32.msk vm0, v0  }
0xce: {  	[tilespmem:v1+s11+$0x0] =	vst.idx.add.s32.msk vm1, v0  }
0xcf: {  	[tilespmem:v1+s11+$0x0] =	vst.idx.add.s32.msk vm2, v0  }
0xd0: {  	[tilespmem:v1+s11+$0x0] =	vst.idx.add.s32.msk vm3, v0  }
0xd1: {  	[tilespmem:v1+s11+$0x0] =	vst.idx.add.s32.msk vm4, v0  }
0xd2: {  	[tilespmem:v1+s11+$0x0] =	vst.idx.add.s32.msk vm5, v0  }
0xd3: {  	[tilespmem:v1+s11+$0x0] =	vst.idx.add.s32.msk vm6, v0  }
0xd4: {  	[tilespmem:v1+s11+$0x0] =	vst.idx.add.s32.msk vm7, v0  }
0xd5: {  	[tilespmem:v1+s11+$0x0] =	vst.idx.add.s32.msk vm8, v0  }
0xd6: {  	[tilespmem:v1+s11+$0x0] =	vst.idx.add.s32.msk vm9, v0  }
0xd7: {  	[tilespmem:v1+s11+$0x0] =	vst.idx.add.s32.msk vm10, v0  }
0xd8: {  	[tilespmem:v1+s11+$0x0] =	vst.idx.add.s32.msk vm11, v0  }
0xd9: {  	[tilespmem:v1+s11+$0x0] =	vst.idx.add.s32.msk vm12, v0  }
0xda: {  	[tilespmem:v1+s11+$0x0] =	vst.idx.add.s32.msk vm13, v0  }
0xdb: {  	[tilespmem:v1+s11+$0x0] =	vst.idx.add.s32.msk vm14, v0  }
0xdc: {  	v1 =	vld [tilespmem:$0x1B50];
	_ =	sdelay $0x7  }
0xdd: {  	[tilespmem:v1+s11+$0x0] =	vst.idx.add.s32.msk $0x1, v0  }
0xde: {  	[tilespmem:v1+s11+$0x0] =	vst.idx.add.s32.msk vm0, v0  }
0xdf: {  	[tilespmem:v1+s11+$0x0] =	vst.idx.add.s32.msk vm1, v0  }
0xe0: {  	[tilespmem:v1+s11+$0x0] =	vst.idx.add.s32.msk vm2, v0  }
0xe1: {  	[tilespmem:v1+s11+$0x0] =	vst.idx.add.s32.msk vm3, v0  }
0xe2: {  	[tilespmem:v1+s11+$0x0] =	vst.idx.add.s32.msk vm4, v0  }
0xe3: {  	[tilespmem:v1+s11+$0x0] =	vst.idx.add.s32.msk vm5, v0  }
0xe4: {  	[tilespmem:v1+s11+$0x0] =	vst.idx.add.s32.msk vm6, v0  }
0xe5: {  	[tilespmem:v1+s11+$0x0] =	vst.idx.add.s32.msk vm7, v0  }
0xe6: {  	[tilespmem:v1+s11+$0x0] =	vst.idx.add.s32.msk vm8, v0  }
0xe7: {  	[tilespmem:v1+s11+$0x0] =	vst.idx.add.s32.msk vm9, v0  }
0xe8: {  	[tilespmem:v1+s11+$0x0] =	vst.idx.add.s32.msk vm10, v0  }
0xe9: {  	[tilespmem:v1+s11+$0x0] =	vst.idx.add.s32.msk vm11, v0  }
0xea: {  	[tilespmem:v1+s11+$0x0] =	vst.idx.add.s32.msk vm12, v0  }
0xeb: {  	[tilespmem:v1+s11+$0x0] =	vst.idx.add.s32.msk vm13, v0  }
0xec: {  	s12 =	simm.s32 $0xD80;
	[tilespmem:v1+s11+$0x0] =	vst.idx.add.s32.msk vm14, v0  }
0xed: {  	[spmem:s9] =	stream.linear.scatter [tilespmem:s12], [sflag:$0x1], $0xC0, $0x38;
	[tilespmem:$0x60E0] =	vst v63  }
0xee: {  	s24 =	simm.s32 $0x1  }
0xef: {  	[spmem:s10] =	stream.linear.scatter [tilespmem:s11], [sflag:$0x1], $0x60, $0x38;
	[tilespmem:$0x60E0] =	vst v63  }
0xf0: {  	_ =	swait.ge [sflag:s24], $0xC0  }
0xf1: {  	[sflag:s24] =	ssyncset.done $0x0  }
0xf2: {  	[sflag:s24] =	ssyncadd.s32 $0xFFFFFF40  }
0xf3: {  	_ =	swait.ge [sflag:s24], $0x60  }
0xf4: {  	[sflag:s24] =	ssyncset.done $0x0  }
0xf5: {  	[sflag:s24] =	ssyncadd.s32 $0xFFFFFFA0  }
0xf6: {  	s25 =	simm.s32 $0xE80;
	[bflag:$0x0] =	sbarrier.arrive $0xFFFF  }
0xf7: {  	[tilespmem:s25], [sflag:$0x1] =	stream.linear.gather [spmem:s8], $0xC00, $0x38;
	[tilespmem:$0x60E0] =	vst v63  }
0xf8: {  	s26 =	simm.s32 $0x1C00  }
0xf9: {  	[tilespmem:s26], [sflag:$0x1] =	stream.linear.gather [spmem:s7], $0x600, $0x38;
	[tilespmem:$0x60E0] =	vst v63  }
0xfa: {  	_ =	swait.ge [sflag:s24], $0xC00  }
0xfb: {  	[sflag:s24] =	ssyncset.done $0x0  }
0xfc: {  	[sflag:s24] =	ssyncadd.s32 $0xFFFFF400  }
0xfd: {  	_ =	swait.ge [sflag:s24], $0x600  }
0xfe: {  	[sflag:s24] =	ssyncset.done $0x0  }
0xff: {  	s28 =	simm.s32 $0x2;
	[sflag:s24] =	ssyncadd.s32 $0xFFFFFA00  }
0x100: {  	_ =	swait.ge [sflag:s28], $0x600  }
0x101: {  	[sflag:s28] =	ssyncset.done $0x0  }
0x102: {  	[sflag:s28] =	ssyncadd.s32 $0xFFFFFA00  }
0x103: {  	_ =	swait.ge [sflag:s28], $0x14  }
0x104: {  	[sflag:s28] =	ssyncset.done $0x0  }
0x105: {  	[sflag:s28] =	ssyncadd.s32 $0xFFFFFFEC  }
0x106: {  	_ =	swait.ge [sflag:s28], $0x77  }
0x107: {  	v0 =	vlaneseq.u32;
	[sflag:s28] =	ssyncset.done $0x0  }
0x108: {  	v0 =	vmul.u32 $0x11, v0;
	[sflag:s28] =	ssyncadd.s32 $0xFFFFFF89  }
0x109: {  	s29 =	simm.s32 $0x0;
	_ =	swait.ge [sflag:s28], $0x7  }
0x10a: {  	v1 =	vadd.s32 s29, v0;
	[sflag:s28] =	ssyncset.done $0x0  }
0x10b: {  	[sflag:s28] =	ssyncadd.s32 $0xFFFFFFF9  }
0x10c: {  	_ =	swait.ge [sflag:s28], $0xE0  }
0x10d: {  	[sflag:s28] =	ssyncset.done $0x0  }
0x10e: {  	s7 =	simm.s32 $0x4E00;
	[sflag:s28] =	ssyncadd.s32 $0xFFFFFF20  }
0x10f: {  	s30 =	simm.s32 $0x1;
	v1 =	vld.idx.msk [tilespmem:v1+s7+$0x0], $0xffff  }
0x110: {  	v2 =	vadd.s32 s30, v0;
	_ =	sdelay $0x2  }
0x111: {  	s8 =	simm.s32 $0x4F80  }
0x112: {  	[tilespmem:s8+$0x0] =	vst v1  }
0x113: {  	s31 =	simm.s32 $0x2;
	v1 =	vld.idx.msk [tilespmem:v2+s7+$0x0], $0xffff  }
0x114: {  	s9 =	simm.s32 $0x3;
	v2 =	vadd.s32 s31, v0  }
.LBB2_7:
0x115: {  	p0 =	sne.s32 s9, $0x10;
	_ =	sdelay $0x1  }
.Ltmp3:
0x116: {  	s8 =	sadd.s32 $0x10, s8;
	(pc) =	sbr.rel @p0 .LBB2_7-.Ltmp3, $3  }
0x117: {  	[tilespmem:s8+$0x0] =	vst v1  }
0x118: {  	v1 =	vld.idx.msk [tilespmem:v2+s7+$0x0], $0xffff;
	_ =	sdelay $0x1  }
0x119: {  	v2 =	vadd.s32 s9, v0;
	s9 =	sadd.s32 $0x1, s9  }
0x11a: {  	_ =	sdelay $0x1  }
0x11b: {  	s8 =	sadd.s32 $0x10, s8  }
0x11c: {  	[tilespmem:s8+$0x0] =	vst v1  }
0x11d: {  	v0 =	vld.idx.msk [tilespmem:v2+s7+$0x0], $0xffff;
	_ =	sdelay $0x3  }
0x11e: {  	s31 =	sadd.s32 $0x10, s8  }
0x11f: {  	s8 =	simm.s32 $0x0;
	[tilespmem:s31+$0x0] =	vst v0  }
0x120: {  	v0 =	vld [tilespmem:s8+$0x1C00]  }
0x121: {  	v1 =	vld [tilespmem:s8+$0x1C60]  }
0x122: {  	v2 =	vld [tilespmem:s8+$0x1CC0]  }
0x123: {  	v3 =	vld [tilespmem:s8+$0x1D20]  }
0x124: {  	v4 =	vld [tilespmem:s8+$0x1D80]  }
0x125: {  	v5 =	vld [tilespmem:s8+$0x1DE0]  }
0x126: {  	v6 =	vld [tilespmem:s8+$0x1E40];
	v0 =	vadd.s32 v1, v0  }
0x127: {  	v1 =	vld [tilespmem:s8+$0x1EA0];
	v0 =	vadd.s32 v2, v0  }
0x128: {  	v7 =	vld [tilespmem:s8+$0x1F00];
	v0 =	vadd.s32 v3, v0  }
0x129: {  	v3 =	vld [tilespmem:s8+$0x1F60];
	v0 =	vadd.s32 v4, v0  }
0x12a: {  	v4 =	vld [tilespmem:s8+$0x1FC0];
	v0 =	vadd.s32 v5, v0  }
0x12b: {  	v5 =	vld [tilespmem:s8+$0x2020];
	v0 =	vadd.s32 v6, v0  }
0x12c: {  	v6 =	vld [tilespmem:s8+$0x2080];
	v0 =	vadd.s32 v1, v0  }
0x12d: {  	v2 =	vld [tilespmem:s8+$0x20E0];
	v0 =	vadd.s32 v7, v0  }
0x12e: {  	v1 =	vld [tilespmem:s8+$0x2140];
	v0 =	vadd.s32 v3, v0  }
0x12f: {  	s9 =	simm.s32 $0x10;
	v3 =	vld [tilespmem:s8+$0x21A0];
	v4 =	vadd.s32 v4, v0  }
0x130: {  	v0 =	vld [tilespmem:s9+$0x2020];
	v5 =	vadd.s32 v5, v4  }
0x131: {  	s10 =	simm.s32 $0x2280;
	s11 =	simm.s32 $0x80;
	s7 =	simm.s32 $0x40;
	v4 =	vld [tilespmem:s9+$0x1C00];
	v5 =	vadd.s32 v6, v5  }
.LBB2_9:
0x132: {  	p0 =	sne.s32 s11, $0x140;
	v6 =	vld [tilespmem:s9+$0x1C60];
	v2 =	vadd.s32 v2, v5  }
0x133: {  	v5 =	vld [tilespmem:s9+$0x1CC0];
	v1 =	vadd.s32 v1, v2  }
0x134: {  	v2 =	vld [tilespmem:s9+$0x1D20];
	v1 =	vadd.s32 v3, v1  }
0x135: {  	v3 =	vld [tilespmem:s9+$0x1D80];
	v1 =	vadd.s32 $0xFFFFFFFF, v1  }
0x136: {  	v7 =	vld [tilespmem:s9+$0x1DE0];
	vm0 =	vgt.s32 v1, $0x0  }
0x137: {  	v8 =	vld [tilespmem:s9+$0x1E40];
	v4 =	vadd.s32 v6, v4;
	v1 =	vnsel vm0, $0x0, v1  }
0x138: {  	v6 =	vld [tilespmem:s9+$0x1EA0];
	v4 =	vadd.s32 v5, v4  }
0x139: {  	v5 =	vld [tilespmem:s9+$0x1F00];
	v2 =	vadd.s32 v2, v4  }
0x13a: {  	v4 =	vld [tilespmem:s9+$0x1F60];
	v2 =	vadd.s32 v3, v2  }
0x13b: {  	v9 =	vld [tilespmem:s9+$0x1FC0];
	v2 =	vadd.s32 v7, v2  }
0x13c: {  	v2 =	vadd.s32 v8, v2;
	v7 =	vld.idx.msk [tilespmem:v1+s10+$0x0], $0xffff  }
0x13d: {  	v8 =	vld [tilespmem:s9+$0x2080];
	v1 =	vadd.s32 v6, v2  }
.Ltmp4:
0x13e: {  	v2 =	vld [tilespmem:s9+$0x20E0];
	v3 =	vadd.s32 v5, v1;
	(pc) =	sbr.rel @p0 .LBB2_9-.Ltmp4, $4  }
0x13f: {  	v1 =	vld [tilespmem:s9+$0x2140];
	v4 =	vadd.s32 v4, v3  }
0x140: {  	s12 =	sshra.s32 s11, $0x2;
	v3 =	vld [tilespmem:s9+$0x21A0];
	v4 =	vadd.s32 v9, v4  }
0x141: {  	v5 =	vadd.s32 v0, v4;
	v0 =	vld [tilespmem:s12+$0x2020]  }
0x142: {  	s11 =	sadd.s32 $0x40, s11;
	v4 =	vld [tilespmem:s12+$0x1C00];
	v5 =	vadd.s32 v8, v5;
	[tilespmem:s8+$0x2200] =	vst v7;
	s8 =	smov.u32 s9;
	s9 =	smov.u32 s12  }
0x143: {  	v6 =	vld [tilespmem:s9+$0x1C60]  }
0x144: {  	v7 =	vld [tilespmem:s9+$0x1CC0]  }
0x145: {  	v8 =	vld [tilespmem:s9+$0x1D20]  }
0x146: {  	v9 =	vld [tilespmem:s9+$0x1D80]  }
0x147: {  	v10 =	vld [tilespmem:s9+$0x1DE0]  }
0x148: {  	v4 =	vadd.s32 v6, v4;
	v6 =	vld [tilespmem:s9+$0x1E40]  }
0x149: {  	v4 =	vadd.s32 v7, v4;
	v7 =	vld [tilespmem:s9+$0x1EA0]  }
0x14a: {  	v61 =	vld [tilespmem:s9+$0x1F00];
	v4 =	vadd.s32 v8, v4  }
0x14b: {  	v62 =	vld [tilespmem:s9+$0x1F60];
	v4 =	vadd.s32 v9, v4  }
0x14c: {  	v63 =	vld [tilespmem:s9+$0x1FC0];
	v4 =	vadd.s32 v10, v4  }
0x14d: {  	v4 =	vadd.s32 v6, v4  }
0x14e: {  	v2 =	vadd.s32 v2, v5;
	v5 =	vld [tilespmem:s9+$0x2080];
	v4 =	vadd.s32 v7, v4  }
0x14f: {  	v1 =	vadd.s32 v1, v2;
	v2 =	vld [tilespmem:s9+$0x20E0];
	v4 =	vadd.s32 v61, v4  }
0x150: {  	v1 =	vadd.s32 v3, v1;
	v3 =	vld [tilespmem:s9+$0x2140];
	v4 =	vadd.s32 v62, v4  }
0x151: {  	v1 =	vadd.s32 $0xFFFFFFFF, v1;
	v6 =	vld [tilespmem:s9+$0x21A0];
	v4 =	vadd.s32 v63, v4  }
0x152: {  	vm0 =	vgt.s32 v1, $0x0;
	v0 =	vadd.s32 v0, v4  }
0x153: {  	v1 =	vnsel vm0, $0x0, v1;
	v0 =	vadd.s32 v5, v0  }
0x154: {  	v0 =	vadd.s32 v2, v0  }
0x155: {  	v0 =	vadd.s32 v3, v0  }
0x156: {  	v0 =	vadd.s32 v6, v0  }
0x157: {  	v0 =	vadd.s32 $0xFFFFFFFF, v0  }
0x158: {  	v1 =	vld.idx.msk [tilespmem:v1+s10+$0x0], $0xffff;
	vm15 =	vgt.s32 v0, $0x0  }
0x159: {  	v0 =	vnsel vm15, $0x0, v0;
	_ =	sdelay $0x3  }
0x15a: {  	[tilespmem:s8+$0x2200] =	vst v1  }
0x15b: {  	v0 =	vld.idx.msk [tilespmem:v0+s10+$0x0], $0xffff;
	_ =	sdelay $0x4  }
0x15c: {  	[tilespmem:s9+$0x2200] =	vst v0;
	s9 =	simm.s32 $0x0  }
0x15d: {  	v0 =	vld [tilespmem:s9+$0x1A80];
	_ =	sdelay $0x1  }
0x15e: {  	v3 =	vld [tilespmem:s9+$0x1B00];
	_ =	sdelay $0x2  }
0x15f: {  	v1 =	vshll.u32 v0, $0x7  }
0x160: {  	v1 =	vshra.s32 v1, $0x2  }
0x161: {  	v2 =	vshll.u32 v3, $0x7;
	(v2sf) =	vpush v1, $0x0  }
0x162: {  	v2 =	vshra.s32 v2, $0x2  }
0x163: {  	(v2sf) =	vpush v2, $0x0;
	_ =	sdelay $0x7  }
0x164: {  	s8 =	simm.s32 $0x2200  }
0x165: {  	v0 =	vld.idx.msk [tilespmem:v0+s8+$0x0], $0xffff;
	(v2sf) =	vpush v1, $0x1  }
0x166: {  	v3 =	vld.idx.msk [tilespmem:v3+s8+$0x0], $0xffff  }
0x167: {  	(v2sf) =	vpush v2, $0x1;
	_ =	sdelay $0x1  }
0x168: {  	s10 =	spop (v2sf)  }
0x169: {  	v4 =	vld [tilespmem:s10+$0xE80]  }
0x16a: {  	v0 =	vmul.f32 v3, v0;
	v3 =	vld [tilespmem:s10+$0xE90];
	s11 =	spop (v2sf)  }
0x16b: {  	v5 =	vld [tilespmem:s11+$0x2880]  }
0x16c: {  	v6 =	vbroadcast v0, $0x0;
	v7 =	vld [tilespmem:s11+$0x2890];
	_ =	sdelay $0x1  }
0x16d: {  	v4 =	vmul.f32 v6, v4  }
0x16e: {  	(v2sf) =	vpush v1, $0x2;
	v3 =	vmul.f32 v3, v6  }
0x16f: {  	v4 =	vadd.f32 v4, v5  }
0x170: {  	(v2sf) =	vpush v2, $0x2;
	v3 =	vadd.f32 v7, v3  }
0x171: {  	[tilespmem:s11+$0x2880] =	vst v4  }
0x172: {  	s12 =	spop (v2sf);
	[tilespmem:s11+$0x2890] =	vst v3  }
0x173: {  	v3 =	vld [tilespmem:s12+$0xE80]  }
0x174: {  	s13 =	spop (v2sf);
	v4 =	vld [tilespmem:s12+$0xE90]  }
0x175: {  	v5 =	vld [tilespmem:s13+$0x2880]  }
0x176: {  	v6 =	vbroadcast v0, $0x1;
	v7 =	vld [tilespmem:s13+$0x2890];
	_ =	sdelay $0x1  }
0x177: {  	v3 =	vmul.f32 v3, v6  }
0x178: {  	(v2sf) =	vpush v1, $0x3;
	v4 =	vmul.f32 v4, v6  }
0x179: {  	v3 =	vadd.f32 v5, v3  }
0x17a: {  	(v2sf) =	vpush v2, $0x3;
	v4 =	vadd.f32 v7, v4  }
0x17b: {  	[tilespmem:s13+$0x2880] =	vst v3  }
0x17c: {  	s14 =	spop (v2sf);
	[tilespmem:s13+$0x2890] =	vst v4  }
0x17d: {  	v3 =	vld [tilespmem:s14+$0xE80]  }
0x17e: {  	s15 =	spop (v2sf);
	v4 =	vld [tilespmem:s14+$0xE90]  }
0x17f: {  	v5 =	vld [tilespmem:s15+$0x2880]  }
0x180: {  	v6 =	vbroadcast v0, $0x2;
	v7 =	vld [tilespmem:s15+$0x2890];
	_ =	sdelay $0x1  }
0x181: {  	v3 =	vmul.f32 v3, v6  }
0x182: {  	(v2sf) =	vpush v1, $0x4;
	v4 =	vmul.f32 v4, v6  }
0x183: {  	v3 =	vadd.f32 v5, v3  }
0x184: {  	(v2sf) =	vpush v2, $0x4;
	v4 =	vadd.f32 v7, v4  }
0x185: {  	[tilespmem:s15+$0x2880] =	vst v3  }
0x186: {  	s16 =	spop (v2sf);
	[tilespmem:s15+$0x2890] =	vst v4  }
0x187: {  	v3 =	vld [tilespmem:s16+$0xE80]  }
0x188: {  	s17 =	spop (v2sf);
	v4 =	vld [tilespmem:s16+$0xE90]  }
0x189: {  	v5 =	vld [tilespmem:s17+$0x2880]  }
0x18a: {  	v6 =	vbroadcast v0, $0x3;
	v7 =	vld [tilespmem:s17+$0x2890];
	_ =	sdelay $0x1  }
0x18b: {  	v3 =	vmul.f32 v3, v6  }
0x18c: {  	(v2sf) =	vpush v1, $0x5;
	v4 =	vmul.f32 v4, v6  }
0x18d: {  	v3 =	vadd.f32 v5, v3  }
0x18e: {  	(v2sf) =	vpush v2, $0x5;
	v4 =	vadd.f32 v7, v4  }
0x18f: {  	[tilespmem:s17+$0x2880] =	vst v3  }
0x190: {  	s18 =	spop (v2sf);
	[tilespmem:s17+$0x2890] =	vst v4  }
0x191: {  	v3 =	vld [tilespmem:s18+$0xE80]  }
0x192: {  	s19 =	spop (v2sf);
	v4 =	vld [tilespmem:s18+$0xE90]  }
0x193: {  	v5 =	vld [tilespmem:s19+$0x2880]  }
0x194: {  	v6 =	vbroadcast v0, $0x4;
	v7 =	vld [tilespmem:s19+$0x2890];
	_ =	sdelay $0x1  }
0x195: {  	v3 =	vmul.f32 v3, v6  }
0x196: {  	(v2sf) =	vpush v1, $0x6;
	v4 =	vmul.f32 v4, v6  }
0x197: {  	v3 =	vadd.f32 v5, v3  }
0x198: {  	(v2sf) =	vpush v2, $0x6;
	v4 =	vadd.f32 v7, v4  }
0x199: {  	[tilespmem:s19+$0x2880] =	vst v3  }
0x19a: {  	s20 =	spop (v2sf);
	[tilespmem:s19+$0x2890] =	vst v4  }
0x19b: {  	v3 =	vld [tilespmem:s20+$0xE80]  }
0x19c: {  	s21 =	spop (v2sf);
	v4 =	vld [tilespmem:s20+$0xE90]  }
0x19d: {  	v5 =	vld [tilespmem:s21+$0x2880]  }
0x19e: {  	v6 =	vbroadcast v0, $0x5;
	v7 =	vld [tilespmem:s21+$0x2890];
	_ =	sdelay $0x1  }
0x19f: {  	v3 =	vmul.f32 v3, v6  }
0x1a0: {  	(v2sf) =	vpush v1, $0x7;
	v4 =	vmul.f32 v4, v6  }
0x1a1: {  	v3 =	vadd.f32 v5, v3  }
0x1a2: {  	(v2sf) =	vpush v2, $0x7;
	v4 =	vadd.f32 v7, v4  }
0x1a3: {  	[tilespmem:s21+$0x2880] =	vst v3  }
0x1a4: {  	s22 =	spop (v2sf);
	[tilespmem:s21+$0x2890] =	vst v4  }
0x1a5: {  	v3 =	vld [tilespmem:s22+$0xE80]  }
0x1a6: {  	s23 =	spop (v2sf);
	v4 =	vld [tilespmem:s22+$0xE90]  }
0x1a7: {  	v5 =	vld [tilespmem:s23+$0x2880]  }
0x1a8: {  	v6 =	vbroadcast v0, $0x6;
	v7 =	vld [tilespmem:s23+$0x2890];
	_ =	sdelay $0x1  }
0x1a9: {  	v3 =	vmul.f32 v3, v6  }
0x1aa: {  	(v2sf) =	vpush v1, $0x8;
	v4 =	vmul.f32 v4, v6  }
0x1ab: {  	v3 =	vadd.f32 v5, v3  }
0x1ac: {  	(v2sf) =	vpush v2, $0x8;
	v4 =	vadd.f32 v7, v4  }
0x1ad: {  	[tilespmem:s23+$0x2880] =	vst v3  }
0x1ae: {  	s24 =	spop (v2sf);
	[tilespmem:s23+$0x2890] =	vst v4  }
0x1af: {  	v3 =	vld [tilespmem:s24+$0xE90]  }
0x1b0: {  	s25 =	spop (v2sf);
	v4 =	vld [tilespmem:s24+$0xE80]  }
0x1b1: {  	v5 =	vld [tilespmem:s25+$0x2890]  }
0x1b2: {  	v6 =	vbroadcast v0, $0x7;
	v7 =	vld [tilespmem:s25+$0x2880];
	_ =	sdelay $0x1  }
0x1b3: {  	v3 =	vmul.f32 v3, v6  }
0x1b4: {  	(v2sf) =	vpush v1, $0x9;
	v4 =	vmul.f32 v4, v6  }
0x1b5: {  	v3 =	vadd.f32 v5, v3  }
0x1b6: {  	(v2sf) =	vpush v2, $0x9;
	v4 =	vadd.f32 v7, v4  }
0x1b7: {  	[tilespmem:s25+$0x2890] =	vst v3  }
0x1b8: {  	s26 =	spop (v2sf);
	[tilespmem:s25+$0x2880] =	vst v4  }
0x1b9: {  	v3 =	vld [tilespmem:s26+$0xE80]  }
0x1ba: {  	s28 =	spop (v2sf);
	v4 =	vld [tilespmem:s26+$0xE90]  }
0x1bb: {  	v5 =	vld [tilespmem:s28+$0x2880]  }
0x1bc: {  	v6 =	vbroadcast v0, $0x8;
	v7 =	vld [tilespmem:s28+$0x2890];
	_ =	sdelay $0x1  }
0x1bd: {  	v3 =	vmul.f32 v3, v6  }
0x1be: {  	(v2sf) =	vpush v1, $0xA;
	v4 =	vmul.f32 v4, v6  }
0x1bf: {  	v3 =	vadd.f32 v5, v3  }
0x1c0: {  	(v2sf) =	vpush v2, $0xA;
	v4 =	vadd.f32 v7, v4  }
0x1c1: {  	[tilespmem:s28+$0x2880] =	vst v3  }
0x1c2: {  	s29 =	spop (v2sf);
	[tilespmem:s28+$0x2890] =	vst v4  }
0x1c3: {  	v3 =	vld [tilespmem:s29+$0xE80]  }
0x1c4: {  	s30 =	spop (v2sf);
	v4 =	vld [tilespmem:s29+$0xE90]  }
0x1c5: {  	v5 =	vld [tilespmem:s30+$0x2880]  }
0x1c6: {  	v6 =	vbroadcast v0, $0x9;
	v7 =	vld [tilespmem:s30+$0x2890];
	_ =	sdelay $0x1  }
0x1c7: {  	v3 =	vmul.f32 v3, v6  }
0x1c8: {  	(v2sf) =	vpush v1, $0xB;
	v4 =	vmul.f32 v4, v6  }
0x1c9: {  	v3 =	vadd.f32 v5, v3  }
0x1ca: {  	(v2sf) =	vpush v2, $0xB;
	v4 =	vadd.f32 v7, v4  }
0x1cb: {  	[tilespmem:s30+$0x2880] =	vst v3  }
0x1cc: {  	s31 =	spop (v2sf);
	[tilespmem:s30+$0x2890] =	vst v4  }
0x1cd: {  	v3 =	vld [tilespmem:s31+$0xE80]  }
0x1ce: {  	s9 =	spop (v2sf);
	v4 =	vld [tilespmem:s31+$0xE90]  }
0x1cf: {  	v5 =	vld [tilespmem:s9+$0x2880]  }
0x1d0: {  	v6 =	vbroadcast v0, $0xA;
	v7 =	vld [tilespmem:s9+$0x2890];
	_ =	sdelay $0x1  }
0x1d1: {  	v3 =	vmul.f32 v3, v6  }
0x1d2: {  	(v2sf) =	vpush v1, $0xC;
	v6 =	vmul.f32 v4, v6  }
0x1d3: {  	v4 =	vadd.f32 v5, v3  }
0x1d4: {  	(v2sf) =	vpush v2, $0xC;
	v3 =	vadd.f32 v7, v6  }
.LBB2_11:
0x1d5: {  	p0 =	sne.s32 s7, $0x140;
	[tilespmem:s9+$0x2880] =	vst v4;
	s10 =	smov.u32 s7;
	s7 =	sadd.s32 $0x40, s7  }
0x1d6: {  	[tilespmem:s9+$0x2890] =	vst v3;
	s9 =	spop (v2sf)  }
0x1d7: {  	v3 =	vld [tilespmem:s9+$0xE80]  }
0x1d8: {  	v4 =	vld [tilespmem:s9+$0xE90];
	s9 =	spop (v2sf)  }
0x1d9: {  	v5 =	vld [tilespmem:s9+$0x2880]  }
0x1da: {  	v6 =	vbroadcast v0, $0xB;
	v7 =	vld [tilespmem:s9+$0x2890];
	_ =	sdelay $0x1  }
0x1db: {  	v3 =	vmul.f32 v3, v6  }
0x1dc: {  	v4 =	vmul.f32 v4, v6;
	(v2sf) =	vpush v1, $0xD  }
0x1dd: {  	v3 =	vadd.f32 v5, v3  }
0x1de: {  	v4 =	vadd.f32 v7, v4;
	(v2sf) =	vpush v2, $0xD  }
0x1df: {  	[tilespmem:s9+$0x2880] =	vst v3  }
0x1e0: {  	[tilespmem:s9+$0x2890] =	vst v4;
	s9 =	spop (v2sf)  }
0x1e1: {  	v3 =	vld [tilespmem:s9+$0xE80]  }
0x1e2: {  	v4 =	vld [tilespmem:s9+$0xE90];
	s11 =	spop (v2sf)  }
0x1e3: {  	v5 =	vld [tilespmem:s11+$0x2880]  }
0x1e4: {  	v6 =	vbroadcast v0, $0xC;
	s9 =	sshra.s32 s10, $0x2;
	v7 =	vld [tilespmem:s11+$0x2890];
	_ =	sdelay $0x1  }
0x1e5: {  	v3 =	vmul.f32 v3, v6  }
0x1e6: {  	v4 =	vmul.f32 v4, v6;
	(v2sf) =	vpush v1, $0xE  }
0x1e7: {  	v3 =	vadd.f32 v5, v3  }
0x1e8: {  	v4 =	vadd.f32 v7, v4;
	(v2sf) =	vpush v2, $0xE  }
0x1e9: {  	[tilespmem:s11+$0x2880] =	vst v3  }
0x1ea: {  	[tilespmem:s11+$0x2890] =	vst v4;
	s10 =	spop (v2sf)  }
0x1eb: {  	v3 =	vld [tilespmem:s10+$0xE80]  }
0x1ec: {  	v4 =	vld [tilespmem:s10+$0xE90];
	s10 =	spop (v2sf)  }
0x1ed: {  	v5 =	vld [tilespmem:s10+$0x2880]  }
0x1ee: {  	v6 =	vbroadcast v0, $0xD;
	v7 =	vld [tilespmem:s10+$0x2890];
	_ =	sdelay $0x1  }
0x1ef: {  	v3 =	vmul.f32 v3, v6  }
0x1f0: {  	v4 =	vmul.f32 v4, v6;
	(v2sf) =	vpush v1, $0xF  }
0x1f1: {  	v1 =	vadd.f32 v5, v3  }
0x1f2: {  	v3 =	vadd.f32 v7, v4;
	(v2sf) =	vpush v2, $0xF  }
0x1f3: {  	[tilespmem:s10+$0x2880] =	vst v1  }
0x1f4: {  	[tilespmem:s10+$0x2890] =	vst v3;
	s10 =	spop (v2sf)  }
0x1f5: {  	v1 =	vld [tilespmem:s10+$0xE90]  }
0x1f6: {  	v2 =	vld [tilespmem:s10+$0xE80];
	s10 =	spop (v2sf)  }
0x1f7: {  	v3 =	vld [tilespmem:s10+$0x2890]  }
0x1f8: {  	v4 =	vbroadcast v0, $0xE;
	v5 =	vld [tilespmem:s10+$0x2880];
	_ =	sdelay $0x1  }
0x1f9: {  	v1 =	vmul.f32 v1, v4  }
0x1fa: {  	v2 =	vmul.f32 v2, v4  }
0x1fb: {  	v1 =	vadd.f32 v3, v1  }
0x1fc: {  	v2 =	vadd.f32 v5, v2  }
0x1fd: {  	[tilespmem:s10+$0x2890] =	vst v1  }
0x1fe: {  	[tilespmem:s10+$0x2880] =	vst v2;
	s10 =	spop (v2sf)  }
0x1ff: {  	v1 =	vld [tilespmem:s10+$0xE80]  }
0x200: {  	v2 =	vld [tilespmem:s10+$0xE90];
	s10 =	spop (v2sf)  }
0x201: {  	v3 =	vld [tilespmem:s10+$0x2880]  }
0x202: {  	v0 =	vbroadcast v0, $0xF;
	v4 =	vld [tilespmem:s10+$0x2890];
	_ =	sdelay $0x1  }
0x203: {  	v1 =	vmul.f32 v1, v0  }
0x204: {  	v0 =	vmul.f32 v2, v0  }
0x205: {  	v1 =	vadd.f32 v3, v1  }
0x206: {  	v0 =	vadd.f32 v4, v0  }
0x207: {  	[tilespmem:s10+$0x2880] =	vst v1  }
0x208: {  	[tilespmem:s10+$0x2890] =	vst v0  }
0x209: {  	v0 =	vld [tilespmem:s9+$0x1A80];
	_ =	sdelay $0x1  }
0x20a: {  	v3 =	vld [tilespmem:s9+$0x1B00];
	_ =	sdelay $0x2  }
0x20b: {  	v1 =	vshll.u32 v0, $0x7  }
0x20c: {  	v1 =	vshra.s32 v1, $0x2  }
0x20d: {  	v2 =	vshll.u32 v3, $0x7;
	(v2sf) =	vpush v1, $0x0  }
0x20e: {  	v2 =	vshra.s32 v2, $0x2  }
0x20f: {  	v0 =	vld.idx.msk [tilespmem:v0+s8+$0x0], $0xffff;
	(v2sf) =	vpush v2, $0x0  }
0x210: {  	v3 =	vld.idx.msk [tilespmem:v3+s8+$0x0], $0xffff;
	_ =	sdelay $0x5  }
0x211: {  	v0 =	vmul.f32 v3, v0;
	_ =	sdelay $0x1  }
0x212: {  	(v2sf) =	vpush v1, $0x1;
	_ =	sdelay $0x1  }
0x213: {  	(v2sf) =	vpush v2, $0x1;
	_ =	sdelay $0x1  }
0x214: {  	s9 =	spop (v2sf)  }
0x215: {  	v3 =	vld [tilespmem:s9+$0xE80]  }
0x216: {  	v4 =	vld [tilespmem:s9+$0xE90];
	s9 =	spop (v2sf)  }
0x217: {  	v5 =	vld [tilespmem:s9+$0x2880]  }
0x218: {  	v6 =	vbroadcast v0, $0x0;
	v7 =	vld [tilespmem:s9+$0x2890];
	_ =	sdelay $0x1  }
0x219: {  	v3 =	vmul.f32 v6, v3  }
0x21a: {  	v4 =	vmul.f32 v4, v6;
	(v2sf) =	vpush v1, $0x2  }
0x21b: {  	v3 =	vadd.f32 v3, v5  }
0x21c: {  	v4 =	vadd.f32 v7, v4;
	(v2sf) =	vpush v2, $0x2  }
0x21d: {  	[tilespmem:s9+$0x2880] =	vst v3  }
0x21e: {  	[tilespmem:s9+$0x2890] =	vst v4;
	s9 =	spop (v2sf)  }
0x21f: {  	v3 =	vld [tilespmem:s9+$0xE80]  }
0x220: {  	v4 =	vld [tilespmem:s9+$0xE90];
	s9 =	spop (v2sf)  }
0x221: {  	v5 =	vld [tilespmem:s9+$0x2880]  }
0x222: {  	v6 =	vbroadcast v0, $0x1;
	v7 =	vld [tilespmem:s9+$0x2890];
	_ =	sdelay $0x1  }
0x223: {  	v3 =	vmul.f32 v3, v6  }
0x224: {  	v4 =	vmul.f32 v4, v6;
	(v2sf) =	vpush v1, $0x3  }
0x225: {  	v3 =	vadd.f32 v5, v3  }
0x226: {  	v4 =	vadd.f32 v7, v4;
	(v2sf) =	vpush v2, $0x3  }
0x227: {  	[tilespmem:s9+$0x2880] =	vst v3  }
0x228: {  	[tilespmem:s9+$0x2890] =	vst v4;
	s9 =	spop (v2sf)  }
0x229: {  	v3 =	vld [tilespmem:s9+$0xE80]  }
0x22a: {  	v4 =	vld [tilespmem:s9+$0xE90];
	s9 =	spop (v2sf)  }
0x22b: {  	v5 =	vld [tilespmem:s9+$0x2880]  }
0x22c: {  	v6 =	vbroadcast v0, $0x2;
	v7 =	vld [tilespmem:s9+$0x2890];
	_ =	sdelay $0x1  }
0x22d: {  	v3 =	vmul.f32 v3, v6  }
0x22e: {  	v4 =	vmul.f32 v4, v6;
	(v2sf) =	vpush v1, $0x4  }
0x22f: {  	v3 =	vadd.f32 v5, v3  }
0x230: {  	v4 =	vadd.f32 v7, v4;
	(v2sf) =	vpush v2, $0x4  }
0x231: {  	[tilespmem:s9+$0x2880] =	vst v3  }
0x232: {  	[tilespmem:s9+$0x2890] =	vst v4;
	s9 =	spop (v2sf)  }
0x233: {  	v3 =	vld [tilespmem:s9+$0xE80]  }
0x234: {  	v4 =	vld [tilespmem:s9+$0xE90];
	s9 =	spop (v2sf)  }
0x235: {  	v5 =	vld [tilespmem:s9+$0x2880]  }
0x236: {  	v6 =	vbroadcast v0, $0x3;
	v7 =	vld [tilespmem:s9+$0x2890];
	_ =	sdelay $0x1  }
0x237: {  	v3 =	vmul.f32 v3, v6  }
0x238: {  	v4 =	vmul.f32 v4, v6;
	(v2sf) =	vpush v1, $0x5  }
0x239: {  	v3 =	vadd.f32 v5, v3  }
0x23a: {  	v4 =	vadd.f32 v7, v4;
	(v2sf) =	vpush v2, $0x5  }
0x23b: {  	[tilespmem:s9+$0x2880] =	vst v3  }
0x23c: {  	[tilespmem:s9+$0x2890] =	vst v4;
	s9 =	spop (v2sf)  }
0x23d: {  	v3 =	vld [tilespmem:s9+$0xE80]  }
0x23e: {  	v4 =	vld [tilespmem:s9+$0xE90];
	s9 =	spop (v2sf)  }
0x23f: {  	v5 =	vld [tilespmem:s9+$0x2880]  }
0x240: {  	v6 =	vbroadcast v0, $0x4;
	v7 =	vld [tilespmem:s9+$0x2890];
	_ =	sdelay $0x1  }
0x241: {  	v3 =	vmul.f32 v3, v6  }
0x242: {  	v4 =	vmul.f32 v4, v6;
	(v2sf) =	vpush v1, $0x6  }
0x243: {  	v3 =	vadd.f32 v5, v3  }
0x244: {  	v4 =	vadd.f32 v7, v4;
	(v2sf) =	vpush v2, $0x6  }
0x245: {  	[tilespmem:s9+$0x2880] =	vst v3  }
0x246: {  	[tilespmem:s9+$0x2890] =	vst v4;
	s9 =	spop (v2sf)  }
0x247: {  	v3 =	vld [tilespmem:s9+$0xE80]  }
0x248: {  	v4 =	vld [tilespmem:s9+$0xE90];
	s9 =	spop (v2sf)  }
0x249: {  	v5 =	vld [tilespmem:s9+$0x2880]  }
0x24a: {  	v6 =	vbroadcast v0, $0x5;
	v7 =	vld [tilespmem:s9+$0x2890];
	_ =	sdelay $0x1  }
0x24b: {  	v3 =	vmul.f32 v3, v6  }
0x24c: {  	v4 =	vmul.f32 v4, v6;
	(v2sf) =	vpush v1, $0x7  }
0x24d: {  	v3 =	vadd.f32 v5, v3  }
0x24e: {  	v4 =	vadd.f32 v7, v4;
	(v2sf) =	vpush v2, $0x7  }
0x24f: {  	[tilespmem:s9+$0x2880] =	vst v3  }
0x250: {  	[tilespmem:s9+$0x2890] =	vst v4;
	s9 =	spop (v2sf)  }
0x251: {  	v3 =	vld [tilespmem:s9+$0xE80]  }
0x252: {  	v4 =	vld [tilespmem:s9+$0xE90];
	s9 =	spop (v2sf)  }
0x253: {  	v5 =	vld [tilespmem:s9+$0x2880]  }
0x254: {  	v6 =	vbroadcast v0, $0x6;
	v7 =	vld [tilespmem:s9+$0x2890];
	_ =	sdelay $0x1  }
0x255: {  	v3 =	vmul.f32 v3, v6  }
0x256: {  	v4 =	vmul.f32 v4, v6;
	(v2sf) =	vpush v1, $0x8  }
0x257: {  	v3 =	vadd.f32 v5, v3  }
0x258: {  	v4 =	vadd.f32 v7, v4;
	(v2sf) =	vpush v2, $0x8  }
0x259: {  	[tilespmem:s9+$0x2880] =	vst v3  }
0x25a: {  	[tilespmem:s9+$0x2890] =	vst v4;
	s9 =	spop (v2sf)  }
0x25b: {  	v3 =	vld [tilespmem:s9+$0xE90]  }
0x25c: {  	v4 =	vld [tilespmem:s9+$0xE80];
	s9 =	spop (v2sf)  }
0x25d: {  	v5 =	vld [tilespmem:s9+$0x2890]  }
0x25e: {  	v6 =	vbroadcast v0, $0x7;
	v7 =	vld [tilespmem:s9+$0x2880];
	_ =	sdelay $0x1  }
0x25f: {  	v3 =	vmul.f32 v3, v6  }
0x260: {  	v4 =	vmul.f32 v4, v6;
	(v2sf) =	vpush v1, $0x9  }
0x261: {  	v3 =	vadd.f32 v5, v3  }
0x262: {  	v4 =	vadd.f32 v7, v4;
	(v2sf) =	vpush v2, $0x9  }
0x263: {  	[tilespmem:s9+$0x2890] =	vst v3  }
0x264: {  	[tilespmem:s9+$0x2880] =	vst v4;
	s9 =	spop (v2sf)  }
0x265: {  	v3 =	vld [tilespmem:s9+$0xE80]  }
0x266: {  	v4 =	vld [tilespmem:s9+$0xE90];
	s9 =	spop (v2sf)  }
0x267: {  	v5 =	vld [tilespmem:s9+$0x2880]  }
0x268: {  	v6 =	vbroadcast v0, $0x8;
	v7 =	vld [tilespmem:s9+$0x2890];
	_ =	sdelay $0x1  }
0x269: {  	v3 =	vmul.f32 v3, v6  }
0x26a: {  	v4 =	vmul.f32 v4, v6;
	(v2sf) =	vpush v1, $0xA  }
0x26b: {  	v3 =	vadd.f32 v5, v3  }
0x26c: {  	v4 =	vadd.f32 v7, v4;
	(v2sf) =	vpush v2, $0xA  }
0x26d: {  	[tilespmem:s9+$0x2880] =	vst v3  }
0x26e: {  	[tilespmem:s9+$0x2890] =	vst v4;
	s9 =	spop (v2sf)  }
0x26f: {  	v3 =	vld [tilespmem:s9+$0xE80]  }
0x270: {  	v4 =	vld [tilespmem:s9+$0xE90];
	s9 =	spop (v2sf)  }
0x271: {  	v5 =	vld [tilespmem:s9+$0x2880]  }
0x272: {  	v6 =	vbroadcast v0, $0x9;
	v7 =	vld [tilespmem:s9+$0x2890];
	_ =	sdelay $0x1  }
0x273: {  	v3 =	vmul.f32 v3, v6  }
0x274: {  	v4 =	vmul.f32 v4, v6;
	(v2sf) =	vpush v1, $0xB  }
0x275: {  	v3 =	vadd.f32 v5, v3  }
0x276: {  	v4 =	vadd.f32 v7, v4;
	(v2sf) =	vpush v2, $0xB  }
0x277: {  	[tilespmem:s9+$0x2880] =	vst v3  }
0x278: {  	[tilespmem:s9+$0x2890] =	vst v4;
	s9 =	spop (v2sf)  }
0x279: {  	v3 =	vld [tilespmem:s9+$0xE80]  }
0x27a: {  	v4 =	vld [tilespmem:s9+$0xE90];
	s9 =	spop (v2sf)  }
0x27b: {  	v5 =	vld [tilespmem:s9+$0x2880]  }
0x27c: {  	v6 =	vbroadcast v0, $0xA;
	v7 =	vld [tilespmem:s9+$0x2890]  }
.Ltmp5:
0x27d: {  	(pc) =	sbr.rel @p0 .LBB2_11-.Ltmp5, $4  }
0x27e: {  	v3 =	vmul.f32 v3, v6  }
0x27f: {  	v6 =	vmul.f32 v4, v6;
	(v2sf) =	vpush v1, $0xC  }
0x280: {  	v4 =	vadd.f32 v5, v3  }
0x281: {  	v3 =	vadd.f32 v7, v6;
	(v2sf) =	vpush v2, $0xC  }
0x282: {  	[tilespmem:s9+$0x2880] =	vst v4  }
0x283: {  	[tilespmem:s9+$0x2890] =	vst v3;
	s7 =	spop (v2sf)  }
0x284: {  	v3 =	vld [tilespmem:s7+$0xE80]  }
0x285: {  	v4 =	vld [tilespmem:s7+$0xE90];
	s11 =	spop (v2sf)  }
0x286: {  	v5 =	vld [tilespmem:s11+$0x2880]  }
0x287: {  	v6 =	vbroadcast v0, $0xB;
	v7 =	vld [tilespmem:s11+$0x2890];
	_ =	sdelay $0x1  }
0x288: {  	v3 =	vmul.f32 v3, v6  }
0x289: {  	(v2sf) =	vpush v1, $0xD;
	v4 =	vmul.f32 v4, v6  }
0x28a: {  	v3 =	vadd.f32 v5, v3  }
0x28b: {  	(v2sf) =	vpush v2, $0xD;
	v4 =	vadd.f32 v7, v4  }
0x28c: {  	[tilespmem:s11+$0x2880] =	vst v3  }
0x28d: {  	[tilespmem:s11+$0x2890] =	vst v4;
	s12 =	spop (v2sf)  }
0x28e: {  	v3 =	vld [tilespmem:s12+$0xE80]  }
0x28f: {  	v4 =	vld [tilespmem:s12+$0xE90];
	s13 =	spop (v2sf)  }
0x290: {  	v35 =	vld [tilespmem:s13+$0x2880]  }
0x291: {  	v36 =	vbroadcast v0, $0xC;
	v37 =	vld [tilespmem:s13+$0x2890];
	_ =	sdelay $0x1  }
0x292: {  	v3 =	vmul.f32 v3, v36  }
0x293: {  	(v2sf) =	vpush v1, $0xE;
	v4 =	vmul.f32 v4, v36  }
0x294: {  	v3 =	vadd.f32 v35, v3  }
0x295: {  	(v2sf) =	vpush v2, $0xE;
	v4 =	vadd.f32 v37, v4  }
0x296: {  	[tilespmem:s13+$0x2880] =	vst v3  }
0x297: {  	s14 =	spop (v2sf);
	[tilespmem:s13+$0x2890] =	vst v4  }
0x298: {  	v3 =	vld [tilespmem:s14+$0xE80]  }
0x299: {  	s15 =	spop (v2sf);
	v4 =	vld [tilespmem:s14+$0xE90]  }
0x29a: {  	v38 =	vld [tilespmem:s15+$0x2880]  }
0x29b: {  	v39 =	vbroadcast v0, $0xD;
	v40 =	vld [tilespmem:s15+$0x2890];
	_ =	sdelay $0x1  }
0x29c: {  	v3 =	vmul.f32 v3, v39  }
0x29d: {  	(v2sf) =	vpush v1, $0xF;
	v4 =	vmul.f32 v4, v39  }
0x29e: {  	v1 =	vadd.f32 v38, v3  }
0x29f: {  	(v2sf) =	vpush v2, $0xF;
	v3 =	vadd.f32 v40, v4  }
0x2a0: {  	[tilespmem:s15+$0x2880] =	vst v1  }
0x2a1: {  	s16 =	spop (v2sf);
	[tilespmem:s15+$0x2890] =	vst v3  }
0x2a2: {  	v1 =	vld [tilespmem:s16+$0xE90]  }
0x2a3: {  	s17 =	spop (v2sf);
	v2 =	vld [tilespmem:s16+$0xE80]  }
0x2a4: {  	v3 =	vld [tilespmem:s17+$0x2890]  }
0x2a5: {  	v41 =	vbroadcast v0, $0xE;
	v42 =	vld [tilespmem:s17+$0x2880];
	_ =	sdelay $0x1  }
0x2a6: {  	v1 =	vmul.f32 v1, v41  }
0x2a7: {  	v2 =	vmul.f32 v2, v41  }
0x2a8: {  	v1 =	vadd.f32 v3, v1  }
0x2a9: {  	v2 =	vadd.f32 v42, v2  }
0x2aa: {  	[tilespmem:s17+$0x2890] =	vst v1  }
0x2ab: {  	s18 =	spop (v2sf);
	[tilespmem:s17+$0x2880] =	vst v2  }
0x2ac: {  	v1 =	vld [tilespmem:s18+$0xE80]  }
0x2ad: {  	s19 =	spop (v2sf);
	v2 =	vld [tilespmem:s18+$0xE90]  }
0x2ae: {  	v3 =	vld [tilespmem:s19+$0x2880]  }
0x2af: {  	v0 =	vbroadcast v0, $0xF;
	v43 =	vld [tilespmem:s19+$0x2890];
	_ =	sdelay $0x1  }
0x2b0: {  	v1 =	vmul.f32 v1, v0  }
0x2b1: {  	v0 =	vmul.f32 v2, v0  }
0x2b2: {  	v1 =	vadd.f32 v3, v1  }
0x2b3: {  	v0 =	vadd.f32 v43, v0  }
0x2b4: {  	[tilespmem:s19+$0x2880] =	vst v1  }
0x2b5: {  	s20 =	simm.s32 $0x2880;
	s21 =	simm.s32 $0x3;
	[tilespmem:s19+$0x2890] =	vst v0  }
0x2b6: {  	[spmem:s6] =	stream.linear.scatter [tilespmem:s20], [sflag:$0x3], $0xC00, $0x38;
	[tilespmem:$0x60E0] =	vst v63  }
0x2b7: {  	_ =	swait.ge [sflag:s21], $0xC00  }
0x2b8: {  	[sflag:s21] =	ssyncset.done $0x0  }
0x2b9: {  	[sflag:s21] =	ssyncadd.s32 $0xFFFFF400  }
0x2ba: {  	s22 =	simm.s32 $0x3480;
	[bflag:$0x0] =	sbarrier.arrive $0xFFFF  }
0x2bb: {  	[tilespmem:s22], [sflag:$0x1] =	stream.linear.gather [spmem:s5], $0xC0, $0x38;
	[tilespmem:$0x60E0] =	vst v63  }
0x2bc: {  	s23 =	sadd.s32 $0xC00, s5;
	s24 =	simm.s32 $0x3540  }
0x2bd: {  	[tilespmem:s24], [sflag:$0x1] =	stream.linear.gather [spmem:s23], $0xC0, $0x38;
	[tilespmem:$0x60E0] =	vst v63  }
0x2be: {  	s25 =	sadd.s32 $0x1800, s5;
	s26 =	simm.s32 $0x3600  }
0x2bf: {  	[tilespmem:s26], [sflag:$0x1] =	stream.linear.gather [spmem:s25], $0xC0, $0x38;
	[tilespmem:$0x60E0] =	vst v63  }
0x2c0: {  	s28 =	sadd.s32 $0x2400, s5;
	s29 =	simm.s32 $0x36C0  }
0x2c1: {  	[tilespmem:s29], [sflag:$0x1] =	stream.linear.gather [spmem:s28], $0xC0, $0x38;
	[tilespmem:$0x60E0] =	vst v63  }
0x2c2: {  	s30 =	sadd.s32 $0x3000, s5;
	s31 =	simm.s32 $0x3780  }
0x2c3: {  	[tilespmem:s31], [sflag:$0x1] =	stream.linear.gather [spmem:s30], $0xC0, $0x38;
	[tilespmem:$0x60E0] =	vst v63  }
0x2c4: {  	s8 =	simm.s32 $0x3840;
	s7 =	sadd.s32 $0x3C00, s5  }
0x2c5: {  	[tilespmem:s8], [sflag:$0x1] =	stream.linear.gather [spmem:s7], $0xC0, $0x38;
	[tilespmem:$0x60E0] =	vst v63  }
0x2c6: {  	s10 =	simm.s32 $0x3900;
	s9 =	sadd.s32 $0x4800, s5  }
0x2c7: {  	[tilespmem:s10], [sflag:$0x1] =	stream.linear.gather [spmem:s9], $0xC0, $0x38;
	[tilespmem:$0x60E0] =	vst v63  }
0x2c8: {  	s11 =	sadd.s32 $0x5400, s5;
	s12 =	simm.s32 $0x39C0  }
0x2c9: {  	[tilespmem:s12], [sflag:$0x1] =	stream.linear.gather [spmem:s11], $0xC0, $0x38;
	[tilespmem:$0x60E0] =	vst v63  }
0x2ca: {  	s13 =	sadd.s32 $0x6000, s5;
	s14 =	simm.s32 $0x3A80  }
0x2cb: {  	[tilespmem:s14], [sflag:$0x1] =	stream.linear.gather [spmem:s13], $0xC0, $0x38;
	[tilespmem:$0x60E0] =	vst v63  }
0x2cc: {  	s15 =	sadd.s32 $0x6C00, s5;
	s16 =	simm.s32 $0x3B40  }
0x2cd: {  	[tilespmem:s16], [sflag:$0x1] =	stream.linear.gather [spmem:s15], $0xC0, $0x38;
	[tilespmem:$0x60E0] =	vst v63  }
0x2ce: {  	s17 =	sadd.s32 $0x7800, s5;
	s18 =	simm.s32 $0x3C00  }
0x2cf: {  	[tilespmem:s18], [sflag:$0x1] =	stream.linear.gather [spmem:s17], $0xC0, $0x38;
	[tilespmem:$0x60E0] =	vst v63  }
0x2d0: {  	s19 =	sadd.s32 $0x8400, s5;
	s20 =	simm.s32 $0x3CC0  }
0x2d1: {  	[tilespmem:s20], [sflag:$0x1] =	stream.linear.gather [spmem:s19], $0xC0, $0x38;
	[tilespmem:$0x60E0] =	vst v63  }
0x2d2: {  	s21 =	sadd.s32 $0x9000, s5;
	s22 =	simm.s32 $0x3D80  }
0x2d3: {  	[tilespmem:s22], [sflag:$0x1] =	stream.linear.gather [spmem:s21], $0xC0, $0x38;
	[tilespmem:$0x60E0] =	vst v63  }
0x2d4: {  	s23 =	sadd.s32 $0x9C00, s5;
	s24 =	simm.s32 $0x3E40  }
0x2d5: {  	[tilespmem:s24], [sflag:$0x1] =	stream.linear.gather [spmem:s23], $0xC0, $0x38;
	[tilespmem:$0x60E0] =	vst v63  }
0x2d6: {  	s25 =	sadd.s32 $0xA800, s5;
	s26 =	simm.s32 $0x3F00  }
0x2d7: {  	[tilespmem:s26], [sflag:$0x1] =	stream.linear.gather [spmem:s25], $0xC0, $0x38;
	[tilespmem:$0x60E0] =	vst v63  }
0x2d8: {  	s28 =	sadd.s32 $0xB400, s5;
	s29 =	simm.s32 $0x3FC0;
	s30 =	simm.s32 $0x1  }
0x2d9: {  	[tilespmem:s29], [sflag:$0x1] =	stream.linear.gather [spmem:s28], $0xC0, $0x38;
	[tilespmem:$0x60E0] =	vst v63  }
0x2da: {  	_ =	swait.ge [sflag:s30], $0xC0  }
0x2db: {  	[sflag:s30] =	ssyncset.done $0x0  }
0x2dc: {  	[sflag:s30] =	ssyncadd.s32 $0xFFFFFF40  }
0x2dd: {  	_ =	swait.ge [sflag:s30], $0xC0  }
0x2de: {  	[sflag:s30] =	ssyncset.done $0x0  }
0x2df: {  	[sflag:s30] =	ssyncadd.s32 $0xFFFFFF40  }
0x2e0: {  	_ =	swait.ge [sflag:s30], $0xC0  }
0x2e1: {  	[sflag:s30] =	ssyncset.done $0x0  }
0x2e2: {  	[sflag:s30] =	ssyncadd.s32 $0xFFFFFF40  }
0x2e3: {  	_ =	swait.ge [sflag:s30], $0xC0  }
0x2e4: {  	[sflag:s30] =	ssyncset.done $0x0  }
0x2e5: {  	[sflag:s30] =	ssyncadd.s32 $0xFFFFFF40  }
0x2e6: {  	_ =	swait.ge [sflag:s30], $0xC0  }
0x2e7: {  	[sflag:s30] =	ssyncset.done $0x0  }
0x2e8: {  	[sflag:s30] =	ssyncadd.s32 $0xFFFFFF40  }
0x2e9: {  	_ =	swait.ge [sflag:s30], $0xC0  }
0x2ea: {  	[sflag:s30] =	ssyncset.done $0x0  }
0x2eb: {  	[sflag:s30] =	ssyncadd.s32 $0xFFFFFF40  }
0x2ec: {  	_ =	swait.ge [sflag:s30], $0xC0  }
0x2ed: {  	[sflag:s30] =	ssyncset.done $0x0  }
0x2ee: {  	[sflag:s30] =	ssyncadd.s32 $0xFFFFFF40  }
0x2ef: {  	_ =	swait.ge [sflag:s30], $0xC0  }
0x2f0: {  	[sflag:s30] =	ssyncset.done $0x0  }
0x2f1: {  	[sflag:s30] =	ssyncadd.s32 $0xFFFFFF40  }
0x2f2: {  	_ =	swait.ge [sflag:s30], $0xC0  }
0x2f3: {  	[sflag:s30] =	ssyncset.done $0x0  }
0x2f4: {  	[sflag:s30] =	ssyncadd.s32 $0xFFFFFF40  }
0x2f5: {  	_ =	swait.ge [sflag:s30], $0xC0  }
0x2f6: {  	[sflag:s30] =	ssyncset.done $0x0  }
0x2f7: {  	[sflag:s30] =	ssyncadd.s32 $0xFFFFFF40  }
0x2f8: {  	_ =	swait.ge [sflag:s30], $0xC0  }
0x2f9: {  	[sflag:s30] =	ssyncset.done $0x0  }
0x2fa: {  	[sflag:s30] =	ssyncadd.s32 $0xFFFFFF40  }
0x2fb: {  	_ =	swait.ge [sflag:s30], $0xC0  }
0x2fc: {  	[sflag:s30] =	ssyncset.done $0x0  }
0x2fd: {  	[sflag:s30] =	ssyncadd.s32 $0xFFFFFF40  }
0x2fe: {  	_ =	swait.ge [sflag:s30], $0xC0  }
0x2ff: {  	[sflag:s30] =	ssyncset.done $0x0  }
0x300: {  	[sflag:s30] =	ssyncadd.s32 $0xFFFFFF40  }
0x301: {  	_ =	swait.ge [sflag:s30], $0xC0  }
0x302: {  	[sflag:s30] =	ssyncset.done $0x0  }
0x303: {  	[sflag:s30] =	ssyncadd.s32 $0xFFFFFF40  }
0x304: {  	_ =	swait.ge [sflag:s30], $0xC0  }
0x305: {  	[sflag:s30] =	ssyncset.done $0x0  }
0x306: {  	[sflag:s30] =	ssyncadd.s32 $0xFFFFFF40  }
0x307: {  	_ =	swait.ge [sflag:s30], $0xC0  }
0x308: {  	[sflag:s30] =	ssyncset.done $0x0  }
0x309: {  	s5 =	simm.s32 $0x3A90;
	[sflag:s30] =	ssyncadd.s32 $0xFFFFFF40  }
0x30a: {  	v0 =	vld [tilespmem:s5+$0xFFFFFA00]  }
0x30b: {  	v1 =	vld [tilespmem:$0x4180]  }
0x30c: {  	v2 =	vld [tilespmem:s5+$0xFFFFF9F0]  }
0x30d: {  	v3 =	vld [tilespmem:$0x4190]  }
0x30e: {  	s31 =	simm.s32 $0x0;
	v44 =	vld [tilespmem:s5+$0xFFFFFAB0]  }
0x30f: {  	s6 =	sand.u32 $0xE0, s31;
	v45 =	vld [tilespmem:s5+$0xFFFFFAC0]  }
0x310: {  	v46 =	vld [tilespmem:s6+$0x3600]  }
0x311: {  	v1 =	vadd.f32 v2, v1;
	v2 =	vld [tilespmem:s5+$0xFFFFFB80]  }
0x312: {  	v47 =	vld [tilespmem:s5+$0xFFFFFC30];
	v0 =	vadd.f32 v0, v3  }
0x313: {  	v3 =	vld [tilespmem:s5+$0xFFFFFC40];
	v1 =	vadd.f32 v44, v1  }
0x314: {  	v48 =	vld [tilespmem:s6+$0x3780];
	v0 =	vadd.f32 v45, v0  }
0x315: {  	v49 =	vld [tilespmem:s5+$0xFFFFFD00];
	v1 =	vadd.f32 v46, v1  }
0x316: {  	v50 =	vld [tilespmem:s5+$0xFFFFFDB0];
	v0 =	vadd.f32 v2, v0  }
0x317: {  	v2 =	vld [tilespmem:s5+$0xFFFFFDC0];
	v1 =	vadd.f32 v47, v1  }
0x318: {  	v51 =	vld [tilespmem:s6+$0x3900];
	v0 =	vadd.f32 v3, v0  }
0x319: {  	v3 =	vld [tilespmem:s5+$0xFFFFFE80];
	v1 =	vadd.f32 v48, v1  }
0x31a: {  	v52 =	vld [tilespmem:s5+$0xFFFFFF30];
	v0 =	vadd.f32 v49, v0  }
0x31b: {  	v53 =	vld [tilespmem:s5+$0xFFFFFF40];
	v1 =	vadd.f32 v50, v1  }
0x31c: {  	v54 =	vld [tilespmem:s6+$0x3A80];
	v0 =	vadd.f32 v2, v0  }
0x31d: {  	v2 =	vld [tilespmem:s5+$0x0];
	v1 =	vadd.f32 v51, v1  }
0x31e: {  	v55 =	vld [tilespmem:s5+$0xB0];
	v0 =	vadd.f32 v3, v0  }
0x31f: {  	v3 =	vld [tilespmem:s5+$0xC0];
	v1 =	vadd.f32 v52, v1  }
0x320: {  	v56 =	vld [tilespmem:s6+$0x3C00];
	v0 =	vadd.f32 v53, v0  }
0x321: {  	v57 =	vld [tilespmem:s5+$0x180];
	v1 =	vadd.f32 v54, v1  }
0x322: {  	v58 =	vld [tilespmem:s5+$0x230];
	v0 =	vadd.f32 v2, v0  }
0x323: {  	v2 =	vld [tilespmem:s5+$0x240];
	v1 =	vadd.f32 v55, v1  }
0x324: {  	v59 =	vld [tilespmem:s6+$0x3D80];
	v0 =	vadd.f32 v3, v0  }
0x325: {  	v3 =	vld [tilespmem:s5+$0x300];
	v1 =	vadd.f32 v56, v1  }
0x326: {  	v60 =	vld [tilespmem:s5+$0x3B0];
	v0 =	vadd.f32 v57, v0  }
0x327: {  	v61 =	vld [tilespmem:s5+$0x3C0];
	v1 =	vadd.f32 v58, v1  }
0x328: {  	v62 =	vld [tilespmem:s6+$0x3F00];
	v0 =	vadd.f32 v2, v0  }
0x329: {  	v2 =	vld [tilespmem:s5+$0x480];
	v1 =	vadd.f32 v59, v1  }
0x32a: {  	v63 =	vld [tilespmem:s5+$0x530];
	v0 =	vadd.f32 v3, v0  }
0x32b: {  	v3 =	vld [tilespmem:s5+$0x540];
	v1 =	vadd.f32 v60, v1  }
0x32c: {  	v0 =	vadd.f32 v61, v0  }
0x32d: {  	v1 =	vadd.f32 v62, v1  }
0x32e: {  	v0 =	vadd.f32 v2, v0  }
0x32f: {  	v1 =	vadd.f32 v63, v1  }
0x330: {  	s6 =	simm.s32 $0x4090;
	v0 =	vadd.f32 v3, v0  }
0x331: {  	s7 =	simm.s32 $0x20;
	[tilespmem:s6+$0xFFFFFFF0] =	vst v1  }
.LBB2_13:
0x332: {  	p0 =	sne.s32 s7, $0xA0;
	[tilespmem:s6+$0x0] =	vst v0;
	s6 =	sadd.s32 $0x20, s6;
	s5 =	sadd.s32 $0x20, s5  }
0x333: {  	s8 =	smov.u32 s7;
	s7 =	sadd.s32 $0x20, s7;
	v0 =	vld [tilespmem:s5+$0xFFFFFA00]  }
0x334: {  	v1 =	vld [tilespmem:$0x4180]  }
0x335: {  	v2 =	vld [tilespmem:s5+$0xFFFFF9F0]  }
0x336: {  	v3 =	vld [tilespmem:$0x4190]  }
0x337: {  	v4 =	vld [tilespmem:s5+$0xFFFFFAB0]  }
0x338: {  	s8 =	sand.u32 $0xE0, s8;
	v5 =	vld [tilespmem:s5+$0xFFFFFAC0]  }
0x339: {  	v6 =	vld [tilespmem:s8+$0x3600]  }
0x33a: {  	v1 =	vadd.f32 v2, v1;
	v2 =	vld [tilespmem:s5+$0xFFFFFB80]  }
0x33b: {  	v0 =	vadd.f32 v0, v3;
	v3 =	vld [tilespmem:s5+$0xFFFFFC30]  }
0x33c: {  	v1 =	vadd.f32 v4, v1;
	v4 =	vld [tilespmem:s5+$0xFFFFFC40]  }
0x33d: {  	v0 =	vadd.f32 v5, v0;
	v5 =	vld [tilespmem:s8+$0x3780]  }
0x33e: {  	v1 =	vadd.f32 v6, v1;
	v6 =	vld [tilespmem:s5+$0xFFFFFD00]  }
0x33f: {  	v0 =	vadd.f32 v2, v0;
	v2 =	vld [tilespmem:s5+$0xFFFFFDB0]  }
0x340: {  	v1 =	vadd.f32 v3, v1;
	v3 =	vld [tilespmem:s5+$0xFFFFFDC0]  }
0x341: {  	v0 =	vadd.f32 v4, v0;
	v4 =	vld [tilespmem:s8+$0x3900]  }
0x342: {  	v1 =	vadd.f32 v5, v1;
	v5 =	vld [tilespmem:s5+$0xFFFFFE80]  }
0x343: {  	v0 =	vadd.f32 v6, v0;
	v6 =	vld [tilespmem:s5+$0xFFFFFF30]  }
0x344: {  	v1 =	vadd.f32 v2, v1;
	v2 =	vld [tilespmem:s5+$0xFFFFFF40]  }
0x345: {  	v0 =	vadd.f32 v3, v0;
	v3 =	vld [tilespmem:s8+$0x3A80]  }
0x346: {  	v1 =	vadd.f32 v4, v1;
	v4 =	vld [tilespmem:s5+$0x0]  }
0x347: {  	v0 =	vadd.f32 v5, v0;
	v5 =	vld [tilespmem:s5+$0xB0]  }
0x348: {  	v1 =	vadd.f32 v6, v1;
	v6 =	vld [tilespmem:s5+$0xC0]  }
0x349: {  	v0 =	vadd.f32 v2, v0;
	v2 =	vld [tilespmem:s8+$0x3C00]  }
0x34a: {  	v1 =	vadd.f32 v3, v1;
	v3 =	vld [tilespmem:s5+$0x180]  }
0x34b: {  	v0 =	vadd.f32 v4, v0;
	v4 =	vld [tilespmem:s5+$0x230]  }
0x34c: {  	v1 =	vadd.f32 v5, v1;
	v5 =	vld [tilespmem:s5+$0x240]  }
0x34d: {  	v0 =	vadd.f32 v6, v0;
	v6 =	vld [tilespmem:s8+$0x3D80]  }
0x34e: {  	v1 =	vadd.f32 v2, v1;
	v2 =	vld [tilespmem:s5+$0x300]  }
0x34f: {  	v0 =	vadd.f32 v3, v0;
	v3 =	vld [tilespmem:s5+$0x3B0]  }
0x350: {  	v1 =	vadd.f32 v4, v1;
	v4 =	vld [tilespmem:s5+$0x3C0]  }
0x351: {  	v0 =	vadd.f32 v5, v0;
	v5 =	vld [tilespmem:s8+$0x3F00]  }
0x352: {  	v1 =	vadd.f32 v6, v1;
	v6 =	vld [tilespmem:s5+$0x480]  }
0x353: {  	v0 =	vadd.f32 v2, v0;
	v2 =	vld [tilespmem:s5+$0x530]  }
0x354: {  	v1 =	vadd.f32 v3, v1;
	v3 =	vld [tilespmem:s5+$0x540]  }
0x355: {  	v0 =	vadd.f32 v4, v0  }
.Ltmp6:
0x356: {  	v1 =	vadd.f32 v5, v1;
	(pc) =	sbr.rel @p0 .LBB2_13-.Ltmp6, $4  }
0x357: {  	v0 =	vadd.f32 v6, v0  }
0x358: {  	v1 =	vadd.f32 v2, v1  }
0x359: {  	v0 =	vadd.f32 v3, v0  }
0x35a: {  	[tilespmem:s6+$0xFFFFFFF0] =	vst v1  }
0x35b: {  	[tilespmem:s6+$0x0] =	vst v0;
	s5 =	simm.s32 $0x4080;
	s31 =	simm.s32 $0x3  }
0x35c: {  	[spmem:s4] =	stream.linear.scatter [tilespmem:s5], [sflag:$0x3], $0xC0, $0x38;
	[tilespmem:$0x60E0] =	vst v63  }
0x35d: {  	_ =	swait.ge [sflag:s31], $0xC0  }
0x35e: {  	[sflag:s31] =	ssyncset.done $0x0  }
0x35f: {  	[sflag:s31] =	ssyncadd.s32 $0xFFFFFF40  }
0x360: {  	s4 =	simm.s32 $0x4200;
	[bflag:$0x0] =	sbarrier.arrive $0xFFFF  }
0x361: {  	[tilespmem:s4], [sflag:$0x3] =	stream.linear.gather [spmem:s3], $0xC00, $0x38;
	[tilespmem:$0x60E0] =	vst v63  }
0x362: {  	_ =	swait.ge [sflag:s31], $0xC00  }
0x363: {  	[sflag:s31] =	ssyncset.done $0x0  }
0x364: {  	s5 =	simm.s32 $0x5190;
	[sflag:s31] =	ssyncadd.s32 $0xFFFFF400  }
0x365: {  	s6 =	simm.s32 $0x40;
	s3 =	simm.s32 $0x0;
	v0 =	vld [tilespmem:s5+$0xFFFFFFF0]  }
.LBB2_15:
0x366: {  	p0 =	sne.s32 s6, $0x180;
	_ =	sdelay $0x6  }
0x367: {  	v0 =	vld.idx.msk [tilespmem:v0+s4+$0x0], $0xffff;
	_ =	sdelay $0x3  }
0x368: {  	v1 =	vld [tilespmem:$0x4F80]  }
0x369: {  	v2 =	vld [tilespmem:$0x5100]  }
0x36a: {  	v0 =	vmax.f32 v0, $0.0e+00;
	v3 =	vld [tilespmem:$0x4F90]  }
0x36b: {  	v4 =	vbroadcast v0, $0x0  }
0x36c: {  	v5 =	vld [tilespmem:$0x4FA0]  }
0x36d: {  	v1 =	vmul.f32 v1, v4;
	v4 =	vbroadcast v0, $0x1  }
0x36e: {  	v6 =	vld [tilespmem:$0x4FB0]  }
0x36f: {  	v1 =	vadd.f32 v1, v2;
	v2 =	vmul.f32 v3, v4;
	v3 =	vbroadcast v0, $0x2  }
0x370: {  	v4 =	vld [tilespmem:$0x4FC0]  }
0x371: {  	v1 =	vadd.f32 v2, v1;
	v2 =	vmul.f32 v5, v3;
	v3 =	vbroadcast v0, $0x3  }
0x372: {  	v5 =	vld [tilespmem:$0x4FD0]  }
0x373: {  	v1 =	vadd.f32 v2, v1;
	v2 =	vmul.f32 v6, v3;
	v3 =	vbroadcast v0, $0x4  }
0x374: {  	v6 =	vld [tilespmem:$0x4FE0]  }
0x375: {  	v1 =	vadd.f32 v2, v1;
	v2 =	vmul.f32 v4, v3;
	v3 =	vbroadcast v0, $0x5  }
0x376: {  	v4 =	vld [tilespmem:$0x4FF0]  }
0x377: {  	v1 =	vadd.f32 v2, v1;
	v2 =	vmul.f32 v5, v3;
	v3 =	vbroadcast v0, $0x6  }
0x378: {  	v5 =	vld [tilespmem:$0x5000]  }
0x379: {  	v1 =	vadd.f32 v2, v1;
	v2 =	vmul.f32 v6, v3;
	v3 =	vbroadcast v0, $0x7  }
0x37a: {  	v6 =	vld [tilespmem:$0x5010]  }
0x37b: {  	v7 =	vld [tilespmem:s5+$0x0];
	v1 =	vadd.f32 v2, v1;
	v2 =	vmul.f32 v4, v3;
	v3 =	vbroadcast v0, $0x8  }
0x37c: {  	v4 =	vld [tilespmem:$0x5020]  }
0x37d: {  	v1 =	vadd.f32 v2, v1;
	v2 =	vmul.f32 v5, v3;
	v3 =	vbroadcast v0, $0x9  }
0x37e: {  	v5 =	vld [tilespmem:$0x5030]  }
0x37f: {  	v1 =	vadd.f32 v2, v1;
	v2 =	vmul.f32 v6, v3;
	v3 =	vbroadcast v0, $0xA  }
0x380: {  	v6 =	vld [tilespmem:$0x5040]  }
0x381: {  	v1 =	vadd.f32 v2, v1;
	v2 =	vmul.f32 v4, v3;
	v3 =	vbroadcast v0, $0xB  }
0x382: {  	v4 =	vld [tilespmem:$0x5050]  }
0x383: {  	v1 =	vadd.f32 v2, v1;
	v2 =	vmul.f32 v5, v3;
	v3 =	vbroadcast v0, $0xC;
	v5 =	vld [tilespmem:$0x5060]  }
0x384: {  	v7 =	vld.idx.msk [tilespmem:v7+s4+$0x0], $0xffff  }
0x385: {  	v1 =	vadd.f32 v2, v1;
	v2 =	vmul.f32 v6, v3;
	v3 =	vbroadcast v0, $0xD  }
0x386: {  	v6 =	vld [tilespmem:$0x5070]  }
0x387: {  	v1 =	vadd.f32 v2, v1;
	v2 =	vmul.f32 v4, v3;
	v3 =	vbroadcast v0, $0xE  }
0x388: {  	v4 =	vld [tilespmem:$0x5080]  }
0x389: {  	v0 =	vbroadcast v0, $0xF;
	v1 =	vadd.f32 v2, v1;
	v2 =	vmul.f32 v5, v3  }
0x38a: {  	v3 =	vmax.f32 v7, $0.0e+00  }
0x38b: {  	v1 =	vadd.f32 v2, v1;
	v0 =	vmul.f32 v6, v0;
	v2 =	vbroadcast v3, $0x0;
	_ =	sdelay $0x1  }
0x38c: {  	v0 =	vadd.f32 v0, v1;
	v1 =	vmul.f32 v4, v2  }
.Ltmp7:
0x38d: {  	(pc) =	sbr.rel @p0 .LBB2_15-.Ltmp7, $4  }
0x38e: {  	v0 =	vadd.f32 v1, v0  }
0x38f: {  	s7 =	sshra.s32 s3, $0x2;
	s3 =	smov.u32 s6  }
0x390: {  	s5 =	sadd.s32 $0x20, s5;
	[tilespmem:s7+$0x5280] =	vst v0  }
0x391: {  	s6 =	sadd.s32 $0x40, s6;
	v0 =	vld [tilespmem:s5+$0xFFFFFFF0]  }
0x392: {  	_ =	sdelay $0x7  }
0x393: {  	v0 =	vld.idx.msk [tilespmem:v0+s4+$0x0], $0xffff;
	_ =	sdelay $0x2  }
0x394: {  	v1 =	vld [tilespmem:$0x4F80]  }
0x395: {  	v2 =	vld [tilespmem:$0x5100]  }
0x396: {  	v3 =	vld [tilespmem:$0x4F90];
	v0 =	vmax.f32 v0, $0.0e+00  }
0x397: {  	v4 =	vbroadcast v0, $0x0  }
0x398: {  	v5 =	vld [tilespmem:$0x4FA0]  }
0x399: {  	v20 =	vbroadcast v0, $0x1;
	v1 =	vmul.f32 v1, v4  }
0x39a: {  	v6 =	vld [tilespmem:$0x4FB0]  }
0x39b: {  	v22 =	vbroadcast v0, $0x2;
	v21 =	vmul.f32 v3, v20;
	v1 =	vadd.f32 v1, v2  }
0x39c: {  	v23 =	vld [tilespmem:$0x4FC0]  }
0x39d: {  	v25 =	vbroadcast v0, $0x3;
	v24 =	vmul.f32 v5, v22;
	v1 =	vadd.f32 v21, v1  }
0x39e: {  	v26 =	vld [tilespmem:$0x4FD0]  }
0x39f: {  	v28 =	vbroadcast v0, $0x4;
	v27 =	vmul.f32 v6, v25;
	v1 =	vadd.f32 v24, v1  }
0x3a0: {  	v29 =	vld [tilespmem:$0x4FE0]  }
0x3a1: {  	v31 =	vbroadcast v0, $0x5;
	v30 =	vmul.f32 v23, v28;
	v1 =	vadd.f32 v27, v1  }
0x3a2: {  	v32 =	vld [tilespmem:$0x4FF0]  }
0x3a3: {  	v34 =	vbroadcast v0, $0x6;
	v33 =	vmul.f32 v26, v31;
	v1 =	vadd.f32 v30, v1  }
0x3a4: {  	v35 =	vld [tilespmem:$0x5000]  }
0x3a5: {  	v37 =	vbroadcast v0, $0x7;
	v36 =	vmul.f32 v29, v34;
	v1 =	vadd.f32 v33, v1  }
0x3a6: {  	v38 =	vld [tilespmem:$0x5010]  }
0x3a7: {  	v40 =	vbroadcast v0, $0x8;
	v39 =	vmul.f32 v32, v37;
	v1 =	vadd.f32 v36, v1  }
0x3a8: {  	v41 =	vld [tilespmem:$0x5020]  }
0x3a9: {  	v7 =	vld [tilespmem:s5+$0x0];
	v43 =	vbroadcast v0, $0x9;
	v42 =	vmul.f32 v35, v40;
	v1 =	vadd.f32 v39, v1  }
0x3aa: {  	v44 =	vld [tilespmem:$0x5030]  }
0x3ab: {  	v46 =	vbroadcast v0, $0xA;
	v45 =	vmul.f32 v38, v43;
	v1 =	vadd.f32 v42, v1  }
0x3ac: {  	v47 =	vld [tilespmem:$0x5040]  }
0x3ad: {  	v49 =	vbroadcast v0, $0xB;
	v48 =	vmul.f32 v41, v46;
	v1 =	vadd.f32 v45, v1  }
0x3ae: {  	v50 =	vld [tilespmem:$0x5050]  }
0x3af: {  	v52 =	vbroadcast v0, $0xC;
	v51 =	vmul.f32 v44, v49;
	v1 =	vadd.f32 v48, v1  }
0x3b0: {  	v53 =	vld [tilespmem:$0x5060]  }
0x3b1: {  	v7 =	vld.idx.msk [tilespmem:v7+s4+$0x0], $0xffff;
	v55 =	vbroadcast v0, $0xD;
	v54 =	vmul.f32 v47, v52;
	v1 =	vadd.f32 v51, v1  }
0x3b2: {  	v56 =	vld [tilespmem:$0x5070]  }
0x3b3: {  	v58 =	vbroadcast v0, $0xE;
	v57 =	vmul.f32 v50, v55;
	v1 =	vadd.f32 v54, v1  }
0x3b4: {  	v59 =	vld [tilespmem:$0x5080]  }
0x3b5: {  	v0 =	vbroadcast v0, $0xF;
	v60 =	vmul.f32 v53, v58;
	v1 =	vadd.f32 v57, v1  }
0x3b6: {  	v61 =	vmax.f32 v7, $0.0e+00  }
0x3b7: {  	v0 =	vmul.f32 v56, v0;
	v62 =	vbroadcast v61, $0x0;
	v1 =	vadd.f32 v60, v1;
	_ =	sdelay $0x1  }
0x3b8: {  	v63 =	vmul.f32 v59, v62;
	v0 =	vadd.f32 v0, v1;
	_ =	sdelay $0x1  }
0x3b9: {  	v0 =	vadd.f32 v63, v0  }
0x3ba: {  	s3 =	sshra.s32 s3, $0x2  }
0x3bb: {  	s29 =	simm.s32 $0x0;
	s30 =	simm.s32 $0x5280;
	s31 =	simm.s32 $0x3;
	[tilespmem:s3+$0x5280] =	vst v0  }
0x3bc: {  	[hbm4b:s2+s29] =	stream.linear.scatter [tilespmem:s30], [sflag:$0x3], $0x70, $0x38;
	[tilespmem:$0x60E0] =	vst v63  }
0x3bd: {  	_ =	swait.ge [sflag:s31], $0x70  }
0x3be: {  	[sflag:s31] =	ssyncset.done $0x0  }
0x3bf: {  	[sflag:s31] =	ssyncadd.s32 $0xFFFFFF90  }
0x3c0: {  	_ =	sfence.sel $0x180000  }
0x3c1: {  	[bflag:$0x0] =	sbarrier.arrive $0xFFFF  }
0x3c2: {  	p0 =	sne.s32 s0, $0x0;
	_ =	strace $0x90000047  }
0x3c3: {  	s0 =	sadd.s32 @!p0 $0x100000, s1;
	[bflag:$0x2] =	sbarrier.arrive $0xFFFF  }
0x3c4: {  	[sflag:s0] =	ssyncadd.tile.s32 @!p0 $0x1;
	_ =	shalt  }
.Lfunc_end2:
_tile_overlayer_lowered:
.L_overlay_start_2:
0x3c5: {  	(tag) =	ssettag $0x2  }
0x3c6: {  	s0 =	rddreg [dreg:$0x0];
	s2 =	stileid.u32  }
0x3c7: {  	s1 =	rddreg [dreg:$0x1];
	p0 =	sne.s32 s2, $0x0  }
0x3c8: {  	s3 =	rddreg [dreg:$0x2];
	[bflag:$0x3] =	sbarrier.arrive $0xFFFF;
	s2 =	simm.s32 @!p0 $0x1C03  }
0x3c9: {  	[timem:s3], [sflag:s2] =	dma.local @!p0 [hbm:s0], s1  }
0x3ca: {  	s0 =	simm.s32 @!p0 $0x3  }
0x3cb: {  	_ =	swait.ge @!p0 [sflag:s0], s1  }
0x3cc: {  	s1 =	ssub.s32 @!p0 $0x0, s1;
	[sflag:s0] =	ssyncset.done @!p0 $0x0  }
0x3cd: {  	[sflag:s0] =	ssyncadd.s32 @!p0 s1  }
0x3ce: {  	[bflag:$0x3] =	sbarrier.arrive $0xFFFF  }
0x3cf: {  	_ =	shalt  }

</sc_bundles>
